<compile_context>
chip_gen: v7x
topology: tpu7x:2x2x1
jax: 0.10.2.dev20260603
libtpu: 0.0.44.dev20260713+nightly
codegen_flags: <defaults>
</compile_context>

<pallas_src>
import functools

import jax
import jax.numpy as jnp
from jax import lax
from jax.experimental import pallas as pl
from jax.experimental.pallas import tpu as pltpu
from jax.experimental.pallas import tpu_sc as plsc

N_NODES = 10000
D_FEAT = 128
N_HID = 128
N_EDGES = 320000

NC = 2
NS = 16
NW = NC * NS
K = 128
NCHT = N_EDGES // K
CHB = NCHT // NW
CHX = NCHT - CHB * NW
NROWS = 10112
RPT = NROWS // NS
NPAD = 16384
DPT = NPAD // NS

_mesh = plsc.VectorSubcoreMesh(core_axis_name="c", subcore_axis_name="s")


def _chunk_range(c, t):
    w = c * NS + t
    start = w * CHB + jnp.minimum(w, CHX)
    nch = CHB + jnp.where(w < CHX, 1, 0)
    return start, nch


@functools.partial(
    pl.kernel,
    out_type=jax.ShapeDtypeStruct((NC * NPAD,), jnp.float32),
    mesh=_mesh,
    scratch_types=dict(
        deg_sh=pltpu.VMEM_SHARED((NPAD,), jnp.float32),
        dstb=pltpu.VMEM((CHB, K), jnp.int32),
        xtra=pltpu.VMEM((K,), jnp.int32),
        ones=pltpu.VMEM((K,), jnp.float32),
        zv=pltpu.VMEM((DPT,), jnp.float32),
        semd=pltpu.SemaphoreType.DMA,
    ),
)
def _sc_deg(edge_hbm, deg_out, *, deg_sh, dstb, xtra, ones, zv, semd):
    c = lax.axis_index("c")
    t = lax.axis_index("s")
    start, nch = _chunk_range(c, t)

    def stage(j, carry):
        off = pl.multiple_of(N_EDGES + (start + j) * K, 8)
        pltpu.async_copy(edge_hbm.at[pl.ds(off, K)], dstb.at[j], semd)
        return carry

    lax.fori_loop(0, CHB, stage, 0)

    @pl.when(nch > CHB)
    def _():
        pltpu.sync_copy(
            edge_hbm.at[pl.ds(pl.multiple_of(N_EDGES + (start + CHB) * K, 8), K)],
            xtra)

    def drain(j, carry):
        pltpu.make_async_copy(edge_hbm.at[pl.ds(0, K)], dstb.at[0], semd).wait()
        return carry

    lax.fori_loop(0, CHB, drain, 0)

    for i in range(K // 16):
        ones[pl.ds(i * 16, 16)] = jnp.ones((16,), jnp.float32)
    for i in range(DPT // 16):
        zv[pl.ds(i * 16, 16)] = jnp.zeros((16,), jnp.float32)
    pltpu.sync_copy(zv, deg_sh.at[pl.ds(t * DPT, DPT)])
    plsc.subcore_barrier()

    def chunk(j, carry):
        pltpu.async_copy(ones, deg_sh.at[dstb.at[j]], semd, add=True)
        return carry

    lax.fori_loop(0, CHB, chunk, 0)

    @pl.when(nch > CHB)
    def _():
        pltpu.async_copy(ones, deg_sh.at[xtra], semd, add=True)

    def dchunk(j, carry):
        pltpu.make_async_copy(ones, deg_sh.at[dstb.at[0]], semd).wait()
        return carry

    lax.fori_loop(0, nch, dchunk, 0)
    plsc.subcore_barrier()
    pltpu.sync_copy(
        deg_sh.at[pl.ds(t * DPT, DPT)],
        deg_out.at[pl.ds(c * NPAD + t * DPT, DPT)],
    )


@functools.partial(
    pl.kernel,
    out_type=jax.ShapeDtypeStruct((NC, NROWS, N_HID), jnp.float32),
    mesh=_mesh,
    scratch_types=dict(
        acc_sh=pltpu.VMEM_SHARED((NROWS, N_HID), jnp.float32),
        ib0s=pltpu.VMEM((K,), jnp.int32),
        ib1s=pltpu.VMEM((K,), jnp.int32),
        ib0d=pltpu.VMEM((K,), jnp.int32),
        ib1d=pltpu.VMEM((K,), jnp.int32),
        rows0=pltpu.VMEM((K, N_HID), jnp.float32),
        rows1=pltpu.VMEM((K, N_HID), jnp.float32),
        sem0=pltpu.SemaphoreType.DMA,
        sem1=pltpu.SemaphoreType.DMA,
        semi0s=pltpu.SemaphoreType.DMA,
        semi1s=pltpu.SemaphoreType.DMA,
        semi0d=pltpu.SemaphoreType.DMA,
        semi1d=pltpu.SemaphoreType.DMA,
    ),
)
def _sc_scatter(edge_hbm, g_hbm, out_hbm, *, acc_sh, ib0s, ib1s, ib0d, ib1d,
                rows0, rows1, sem0, sem1, semi0s, semi1s, semi0d, semi1d):
    c = lax.axis_index("c")
    t = lax.axis_index("s")
    start, nch = _chunk_range(c, t)

    def src_at(j):
        return edge_hbm.at[pl.ds(pl.multiple_of((start + j) * K, 8), K)]

    def dst_at(j):
        return edge_hbm.at[pl.ds(pl.multiple_of(N_EDGES + (start + j) * K, 8), K)]

    def zrow(i, carry):
        for j in range(N_HID // 16):
            rows0[i, pl.ds(j * 16, 16)] = jnp.zeros((16,), jnp.float32)
        return carry

    lax.fori_loop(0, K, zrow, 0)
    nz = RPT // K
    tail = RPT - nz * K
    for i in range(nz):
        pltpu.async_copy(rows0, acc_sh.at[pl.ds(t * RPT + i * K, K)], sem0)
    pltpu.async_copy(rows0.at[pl.ds(0, tail)],
                     acc_sh.at[pl.ds(t * RPT + nz * K, tail)], sem1)
    for _ in range(nz):
        pltpu.make_async_copy(rows0, acc_sh.at[pl.ds(t * RPT, K)], sem0).wait()
    pltpu.make_async_copy(rows0.at[pl.ds(0, tail)],
                          acc_sh.at[pl.ds(t * RPT, tail)], sem1).wait()
    plsc.subcore_barrier()

    pltpu.async_copy(src_at(0), ib0s, semi0s)
    pltpu.async_copy(src_at(1), ib1s, semi1s)
    pltpu.async_copy(dst_at(0), ib0d, semi0d)
    pltpu.async_copy(dst_at(1), ib1d, semi1d)
    pltpu.make_async_copy(src_at(0), ib0s, semi0s).wait()
    pltpu.async_copy(g_hbm.at[ib0s], rows0, sem0)
    pltpu.make_async_copy(src_at(1), ib1s, semi1s).wait()
    pltpu.async_copy(g_hbm.at[ib1s], rows1, sem1)

    def pair(i, carry):
        j0 = 2 * i
        pltpu.make_async_copy(g_hbm.at[ib0s], rows0, sem0).wait()
        pltpu.make_async_copy(dst_at(0), ib0d, semi0d).wait()

        @pl.when(j0 + 2 < nch)
        def _():
            pltpu.async_copy(src_at(j0 + 2), ib0s, semi0s)

        pltpu.sync_copy(rows0, acc_sh.at[ib0d], add=True)

        @pl.when(j0 + 2 < nch)
        def _():
            pltpu.async_copy(dst_at(j0 + 2), ib0d, semi0d)
            pltpu.make_async_copy(src_at(0), ib0s, semi0s).wait()
            pltpu.async_copy(g_hbm.at[ib0s], rows0, sem0)

        pltpu.make_async_copy(g_hbm.at[ib1s], rows1, sem1).wait()
        pltpu.make_async_copy(dst_at(1), ib1d, semi1d).wait()

        @pl.when(j0 + 3 < nch)
        def _():
            pltpu.async_copy(src_at(j0 + 3), ib1s, semi1s)

        pltpu.sync_copy(rows1, acc_sh.at[ib1d], add=True)

        @pl.when(j0 + 3 < nch)
        def _():
            pltpu.async_copy(dst_at(j0 + 3), ib1d, semi1d)
            pltpu.make_async_copy(src_at(0), ib1s, semi1s).wait()
            pltpu.async_copy(g_hbm.at[ib1s], rows1, sem1)

        return carry

    lax.fori_loop(0, CHB // 2, pair, 0)

    @pl.when(nch > CHB)
    def _():
        pltpu.make_async_copy(g_hbm.at[ib0s], rows0, sem0).wait()
        pltpu.make_async_copy(dst_at(0), ib0d, semi0d).wait()
        pltpu.sync_copy(rows0, acc_sh.at[ib0d], add=True)

    plsc.subcore_barrier()
    pltpu.sync_copy(
        acc_sh.at[pl.ds(t * RPT, RPT)],
        out_hbm.at[c, pl.ds(t * RPT, RPT)],
    )


_RB = 2048
_GB = _RB // 128
_GRID = 5
_MMRB = 2000
NG = 80


def _tc_mm_body(x_ref, w_ref, h_ref):
    h_ref[...] = jnp.dot(x_ref[...], w_ref[...],
                         preferred_element_type=jnp.float32)


def _tc_mm(x, W1):
    return pl.pallas_call(
        _tc_mm_body,
        grid=(N_NODES // _MMRB,),
        in_specs=[
            pl.BlockSpec((_MMRB, D_FEAT), lambda i: (i, 0)),
            pl.BlockSpec((D_FEAT, N_HID), lambda i: (0, 0)),
        ],
        out_specs=pl.BlockSpec((_MMRB, N_HID), lambda i: (i, 0)),
        out_shape=jax.ShapeDtypeStruct((N_NODES, N_HID), jnp.float32),
    )(x, W1)


def _tc_scale_body(h_ref, d_ref, g_ref, dinv_ref):
    deg = d_ref[0] + d_ref[1] + 1.0
    dv = lax.rsqrt(deg)
    dinv_ref[...] = dv
    h3 = h_ref[...].reshape(_GB, 128, N_HID)
    g_ref[...] = (h3 * dv[:, :, None]).reshape(_RB, N_HID)


def _tc_scale(h, degv):
    return pl.pallas_call(
        _tc_scale_body,
        grid=(_GRID,),
        in_specs=[
            pl.BlockSpec((_RB, N_HID), lambda i: (i, 0)),
            pl.BlockSpec((NC, _GB, 128), lambda i: (0, i, 0)),
        ],
        out_specs=[
            pl.BlockSpec((_RB, N_HID), lambda i: (i, 0)),
            pl.BlockSpec((_GB, 128), lambda i: (i, 0)),
        ],
        out_shape=[
            jax.ShapeDtypeStruct((_GRID * _RB, N_HID), jnp.float32),
            jax.ShapeDtypeStruct((NG, 128), jnp.float32),
        ],
    )(h, degv)


def _tc_mid_body(s_ref, g_ref, dv_ref, b_ref, w_ref, g2_ref):
    dv3 = dv_ref[...][:, :, None]
    agg = (s_ref[0] + s_ref[1] + g_ref[...]).reshape(_GB, 128, N_HID)
    z = jnp.maximum(agg * dv3 + b_ref[...].reshape(1, 1, N_HID), 0.0)
    h2 = jnp.dot(z.reshape(_RB, N_HID), w_ref[...],
                 preferred_element_type=jnp.float32)
    g2_ref[...] = (h2.reshape(_GB, 128, N_HID) * dv3).reshape(_RB, N_HID)


def _tc_mid(s, g1, dinv, b1, W2):
    return pl.pallas_call(
        _tc_mid_body,
        grid=(_GRID,),
        in_specs=[
            pl.BlockSpec((NC, _RB, N_HID), lambda i: (0, i, 0)),
            pl.BlockSpec((_RB, N_HID), lambda i: (i, 0)),
            pl.BlockSpec((_GB, 128), lambda i: (i, 0)),
            pl.BlockSpec((1, N_HID), lambda i: (0, 0)),
            pl.BlockSpec((N_HID, N_HID), lambda i: (0, 0)),
        ],
        out_specs=pl.BlockSpec((_RB, N_HID), lambda i: (i, 0)),
        out_shape=jax.ShapeDtypeStruct((_GRID * _RB, N_HID), jnp.float32),
    )(s, g1, dinv, b1, W2)


def _tc_out_body(s_ref, g_ref, dv_ref, b_ref, o_ref):
    dv3 = dv_ref[...][:, :, None]
    agg = (s_ref[0] + s_ref[1] + g_ref[...]).reshape(_GB, 128, N_HID)
    o_ref[...] = jnp.maximum(
        agg * dv3 + b_ref[...].reshape(1, 1, N_HID), 0.0
    ).reshape(_RB, N_HID)


def _tc_out(s, g2, dinv, b2):
    return pl.pallas_call(
        _tc_out_body,
        grid=(_GRID,),
        in_specs=[
            pl.BlockSpec((NC, _RB, N_HID), lambda i: (0, i, 0)),
            pl.BlockSpec((_RB, N_HID), lambda i: (i, 0)),
            pl.BlockSpec((_GB, 128), lambda i: (i, 0)),
            pl.BlockSpec((1, N_HID), lambda i: (0, 0)),
        ],
        out_specs=pl.BlockSpec((_RB, N_HID), lambda i: (i, 0)),
        out_shape=jax.ShapeDtypeStruct((N_NODES, N_HID), jnp.float32),
    )(s, g2, dinv, b2)


@jax.jit
def kernel(x, edge_index, W1, b1, W2, b2):
    edge_flat = edge_index.astype(jnp.int32).reshape(2 * N_EDGES)

    h1 = _tc_mm(x, W1)
    degv = _sc_deg(edge_flat).reshape(NC, NPAD // 128, 128)

    g1, dinv = _tc_scale(h1, degv)

    s = _sc_scatter(edge_flat, g1)
    g2 = _tc_mid(s, g1, dinv, b1.reshape(1, N_HID), W2)

    s2 = _sc_scatter(edge_flat, g2)
    return _tc_out(s2, g2, dinv, b2.reshape(1, N_HID))

# --- scband reference (transcript-rebuilt; emitter-appended) ---
"""Pipeline reference for scband-brgnn-46067819216990 (READ-ONLY COPY).

The authoritative reference and input builder live on the scoring server;
editing this copy changes nothing except your own understanding.
"""

import jax, jax.numpy as jnp
import numpy as np

N_NODES = 10000
D_FEAT = 128
N_HID = 128
N_EDGES = 320000


def setup_inputs(seed: int = 0) -> dict:
    key = jax.random.key(seed)
    k1, k2, k3, k4, k5, k6 = jax.random.split(key, 6)
    x = jax.random.normal(k1, (N_NODES, D_FEAT), dtype=jnp.float32)
    edge_index = jax.random.randint(k2, (2, N_EDGES), 0, N_NODES, dtype=jnp.int64)
    s1 = 1.0 / np.sqrt(D_FEAT)
    s2 = 1.0 / np.sqrt(N_HID)
    W1 = jax.random.uniform(k3, (D_FEAT, N_HID), minval=-s1, maxval=s1, dtype=jnp.float32)
    b1 = jax.random.uniform(k4, (N_HID,), minval=-s1, maxval=s1, dtype=jnp.float32)
    W2 = jax.random.uniform(k5, (N_HID, N_HID), minval=-s2, maxval=s2, dtype=jnp.float32)
    b2 = jax.random.uniform(k6, (N_HID,), minval=-s2, maxval=s2, dtype=jnp.float32)
    return {"x": x, "edge_index": edge_index, "W1": W1, "b1": b1, "W2": W2, "b2": b2}


def _gcn_conv(x, edge_index, W, b, num_nodes):
    # PyG-style GCNConv: add self-loops, symmetric normalization, scatter-add aggregation
    loop = jnp.arange(num_nodes, dtype=edge_index.dtype)
    src = jnp.concatenate([edge_index[0], loop])
    dst = jnp.concatenate([edge_index[1], loop])
    ew = jnp.ones(src.shape[0], dtype=x.dtype)
    deg = jnp.zeros((num_nodes,), dtype=x.dtype).at[dst].add(ew)
    dinv = jnp.where(deg > 0, jax.lax.rsqrt(deg), 0.0)
    norm = dinv[src] * dinv[dst]
    h = x @ W
    msg = jnp.take(h, src, axis=0) * norm[:, None]
    out = jnp.zeros((num_nodes, h.shape[1]), dtype=x.dtype).at[dst].add(msg)
    return out + b


def reference(x, edge_index, W1, b1, W2, b2):
    # BRGNN.forward -> GCN_body.forward with layer_norm_first=False, use_ln=False,
    # eval mode (dropout is identity): relu(conv1) -> relu(conv2)
    n = x.shape[0]
    h = jax.nn.relu(_gcn_conv(x, edge_index, W1, b1, n))
    h = jax.nn.relu(_gcn_conv(h, edge_index, W2, b2, n))
    return h

if __name__ == "__main__":
    import jax
    _d = setup_inputs()
    print(jax.jit(kernel)(*tuple(_d.values())))

</pallas_src>

<mosaic_0001>
#map = affine_map<(d0, d1) -> (0)>
module attributes {stable_mosaic.version = 14 : i64} {
  func.func @_sc_deg(%arg0: i32, %arg1: i32, %arg2: memref<640000xi32, #tpu.memory_space<hbm>>, %arg3: memref<32768xf32, #tpu.memory_space<hbm>>, %arg4: memref<16384xf32, #tpu.memory_space<vmem_shared>>, %arg5: memref<78x128xi32, #tpu.memory_space<vmem>>, %arg6: memref<128xf32, #tpu.memory_space<vmem>>, %arg7: memref<!tpu.dma_semaphore, #tpu.memory_space<semaphore_mem>>, %arg8: memref<128xi32, #tpu.memory_space<vmem>>, %arg9: memref<1024xf32, #tpu.memory_space<vmem>>) attributes {dimension_semantics = [#tpu.dimension_semantics<core_parallel>, #tpu.dimension_semantics<subcore_parallel>], iteration_bounds = array<i64: 2, 16>, scalar_prefetch = 0 : i64, scratch_operands = 6 : i64, tpu.core_type = #tpu.core_type<sc_vector_subcore>, window_params = [{transform_indices = #map}, {transform_indices = #map}]} {
    %mul3A = arith.constant 16 : i32
    %mul3A_0 = arith.muli %arg0, %mul3A : i32
    %add3A = arith.addi %mul3A_0, %arg1 : i32
    %mul3A_1 = arith.constant 78 : i32
    %mul3A_2 = arith.muli %add3A, %mul3A_1 : i32
    %min3A = arith.constant 4 : i32
    %min3A_3 = arith.minsi %add3A, %min3A : i32
    %add3A_4 = arith.addi %mul3A_2, %min3A_3 : i32
    %lt3A = arith.constant 4 : i32
    %lt3A_5 = arith.cmpi slt, %add3A, %lt3A : i32
    %jit3A = arith.constant 1 : i32
    %jit3A_6 = arith.constant 0 : i32
    %select_n3A = arith.select %lt3A_5, %jit3A, %jit3A_6 : i32
    %add3A_7 = arith.constant 78 : i32
    %add3A_8 = arith.addi %add3A_7, %select_n3A : i32
    %scan3A = arith.constant 0 : i32
    %scan3A_9 = arith.constant 0 : i32
    %scan3A_10 = arith.constant 78 : i32
    %scan3A_11 = arith.addi %scan3A_9, %scan3A_10 : i32
    %scan3A_12 = arith.constant 1 : i32
    scf.for %scan3A_482 = %scan3A_9 to %scan3A_11 step %scan3A_12  : i32 {
      %add3A_483 = arith.addi %add3A_4, %scan3A_482 : i32
      %mul3A_484 = arith.constant 128 : i32
      %mul3A_485 = arith.muli %add3A_483, %mul3A_484 : i32
      %add3A_486 = arith.constant 320000 : i32
      %add3A_487 = arith.addi %add3A_486, %mul3A_485 : i32
      %multiple_of3A = tpu.assume_multiple %add3A_487, 8 : i32
      %dma_start3A = arith.constant 0 : i32
      %dma_start3A_488 = tpu.memref_slice %arg5[%scan3A_482, %dma_start3A] : memref<78x128xi32, #tpu.memory_space<vmem>> -> memref<1x128xi32, #tpu.memory_space<vmem>>
      %dma_start3A_489 = tpu.memref_squeeze %dma_start3A_488 : memref<1x128xi32, #tpu.memory_space<vmem>> -> memref<128xi32, #tpu.memory_space<vmem>>
      %dma_start3A_490 = tpu.memref_slice %arg2[%multiple_of3A] : memref<640000xi32, #tpu.memory_space<hbm>> -> memref<128xi32, #tpu.memory_space<hbm>>
      %dma_start3A_491 = arith.constant 0 : i32
      %dma_start3A_492 = tpu.memref_slice %arg5[%scan3A_482, %dma_start3A_491] : memref<78x128xi32, #tpu.memory_space<vmem>> -> memref<1x128xi32, #tpu.memory_space<vmem>>
      %dma_start3A_493 = tpu.memref_squeeze %dma_start3A_492 : memref<1x128xi32, #tpu.memory_space<vmem>> -> memref<128xi32, #tpu.memory_space<vmem>>
      %dma_start3A_494 = tpu.memref_slice %arg2[%multiple_of3A] : memref<640000xi32, #tpu.memory_space<hbm>> -> memref<128xi32, #tpu.memory_space<hbm>>
      tpu.enqueue_dma source(%dma_start3A_494 : memref<128xi32, #tpu.memory_space<hbm>>) target(%dma_start3A_493 : memref<128xi32, #tpu.memory_space<vmem>>) target_semaphore(%arg7 : memref<!tpu.dma_semaphore, #tpu.memory_space<semaphore_mem>>)
    }
    %scan3A_13 = arith.constant 78 : i32
    %gt3A = arith.constant 78 : i32
    %gt3A_14 = arith.cmpi sgt, %add3A_8, %gt3A : i32
    %convert_element_type3A = arith.extui %gt3A_14 : i1 to i32
    %cond3A = arith.constant 0 : i32
    %cond3A_15 = arith.cmpi ne, %convert_element_type3A, %cond3A : i32
    scf.if %cond3A_15 {
      %add3A_482 = arith.constant 78 : i32
      %add3A_483 = arith.addi %add3A_4, %add3A_482 : i32
      %mul3A_484 = arith.constant 128 : i32
      %mul3A_485 = arith.muli %add3A_483, %mul3A_484 : i32
      %add3A_486 = arith.constant 320000 : i32
      %add3A_487 = arith.addi %add3A_486, %mul3A_485 : i32
      %multiple_of3A = tpu.assume_multiple %add3A_487, 8 : i32
      "tpu.region"() ({
        %run_scoped3A = tpu.sem_alloc : memref<!tpu.dma_semaphore, #tpu.memory_space<semaphore_mem>>
        %dma_start3A = tpu.memref_slice %arg2[%multiple_of3A] : memref<640000xi32, #tpu.memory_space<hbm>> -> memref<128xi32, #tpu.memory_space<hbm>>
        %dma_start3A_488 = tpu.memref_slice %arg2[%multiple_of3A] : memref<640000xi32, #tpu.memory_space<hbm>> -> memref<128xi32, #tpu.memory_space<hbm>>
        tpu.enqueue_dma source(%dma_start3A_488 : memref<128xi32, #tpu.memory_space<hbm>>) target(%arg8 : memref<128xi32, #tpu.memory_space<vmem>>) target_semaphore(%run_scoped3A : memref<!tpu.dma_semaphore, #tpu.memory_space<semaphore_mem>>)
        %dma_wait3A = tpu.memref_slice %arg2[%multiple_of3A] : memref<640000xi32, #tpu.memory_space<hbm>> -> memref<128xi32, #tpu.memory_space<hbm>>
        %dma_wait3A_489 = tpu.memref_slice %arg2[%multiple_of3A] : memref<640000xi32, #tpu.memory_space<hbm>> -> memref<128xi32, #tpu.memory_space<hbm>>
        tpu.wait_dma2 semaphore(%run_scoped3A : memref<!tpu.dma_semaphore, #tpu.memory_space<semaphore_mem>>) src(%dma_wait3A_489 : memref<128xi32, #tpu.memory_space<hbm>>) dst(%arg8 : memref<128xi32, #tpu.memory_space<vmem>>)
        tpu.yield
      }) : () -> ()
    } else {
    }
    %scan3A_16 = arith.constant 0 : i32
    %scan3A_17 = arith.constant 0 : i32
    %scan3A_18 = arith.constant 78 : i32
    %scan3A_19 = arith.addi %scan3A_17, %scan3A_18 : i32
    %scan3A_20 = arith.constant 1 : i32
    scf.for %scan3A_482 = %scan3A_17 to %scan3A_19 step %scan3A_20  : i32 {
      %dma_wait3A = arith.constant 0 : i32
      %dma_wait3A_483 = arith.constant 0 : i32
      %dma_wait3A_484 = tpu.memref_slice %arg5[%dma_wait3A, %dma_wait3A_483] : memref<78x128xi32, #tpu.memory_space<vmem>> -> memref<1x128xi32, #tpu.memory_space<vmem>>
      %dma_wait3A_485 = tpu.memref_squeeze %dma_wait3A_484 : memref<1x128xi32, #tpu.memory_space<vmem>> -> memref<128xi32, #tpu.memory_space<vmem>>
      %dma_wait3A_486 = arith.constant 0 : i32
      %dma_wait3A_487 = tpu.memref_slice %arg2[%dma_wait3A_486] : memref<640000xi32, #tpu.memory_space<hbm>> -> memref<128xi32, #tpu.memory_space<hbm>>
      %dma_wait3A_488 = arith.constant 0 : i32
      %dma_wait3A_489 = tpu.memref_slice %arg5[%dma_wait3A, %dma_wait3A_488] : memref<78x128xi32, #tpu.memory_space<vmem>> -> memref<1x128xi32, #tpu.memory_space<vmem>>
      %dma_wait3A_490 = tpu.memref_squeeze %dma_wait3A_489 : memref<1x128xi32, #tpu.memory_space<vmem>> -> memref<128xi32, #tpu.memory_space<vmem>>
      %dma_wait3A_491 = arith.constant 0 : i32
      %dma_wait3A_492 = tpu.memref_slice %arg2[%dma_wait3A_491] : memref<640000xi32, #tpu.memory_space<hbm>> -> memref<128xi32, #tpu.memory_space<hbm>>
      tpu.wait_dma2 semaphore(%arg7 : memref<!tpu.dma_semaphore, #tpu.memory_space<semaphore_mem>>) src(%dma_wait3A_492 : memref<128xi32, #tpu.memory_space<hbm>>) dst(%dma_wait3A_490 : memref<128xi32, #tpu.memory_space<vmem>>)
    }
    %scan3A_21 = arith.constant 78 : i32
    %broadcast_in_dim3A = arith.constant 1.000000e+00 : f32
    %broadcast_in_dim3A_22 = vector.broadcast %broadcast_in_dim3A : f32 to vector<16xf32>
    %swap3A = arith.constant 0 : index
    %swap3A_23 = tpu.vector_load %arg6[%swap3A] {strides = array<i32>} : memref<128xf32, #tpu.memory_space<vmem>>, vector<16xf32>,
    %swap3A_24 = vector.shape_cast %swap3A_23 : vector<16xf32> to vector<16xf32>
    %swap3A_25 = vector.shape_cast %broadcast_in_dim3A_22 : vector<16xf32> to vector<16xf32>
    tpu.vector_store %arg6[%swap3A], %swap3A_25 {strides = array<i32>} : memref<128xf32, #tpu.memory_space<vmem>>, vector<16xf32>,
    %broadcast_in_dim3A_26 = arith.constant 1.000000e+00 : f32
    %broadcast_in_dim3A_27 = vector.broadcast %broadcast_in_dim3A_26 : f32 to vector<16xf32>
    %swap3A_28 = arith.constant 16 : index
    %swap3A_29 = tpu.vector_load %arg6[%swap3A_28] {strides = array<i32>} : memref<128xf32, #tpu.memory_space<vmem>>, vector<16xf32>,
    %swap3A_30 = vector.shape_cast %swap3A_29 : vector<16xf32> to vector<16xf32>
    %swap3A_31 = vector.shape_cast %broadcast_in_dim3A_27 : vector<16xf32> to vector<16xf32>
    tpu.vector_store %arg6[%swap3A_28], %swap3A_31 {strides = array<i32>} : memref<128xf32, #tpu.memory_space<vmem>>, vector<16xf32>,
    %broadcast_in_dim3A_32 = arith.constant 1.000000e+00 : f32
    %broadcast_in_dim3A_33 = vector.broadcast %broadcast_in_dim3A_32 : f32 to vector<16xf32>
    %swap3A_34 = arith.constant 32 : index
    %swap3A_35 = tpu.vector_load %arg6[%swap3A_34] {strides = array<i32>} : memref<128xf32, #tpu.memory_space<vmem>>, vector<16xf32>,
    %swap3A_36 = vector.shape_cast %swap3A_35 : vector<16xf32> to vector<16xf32>
    %swap3A_37 = vector.shape_cast %broadcast_in_dim3A_33 : vector<16xf32> to vector<16xf32>
    tpu.vector_store %arg6[%swap3A_34], %swap3A_37 {strides = array<i32>} : memref<128xf32, #tpu.memory_space<vmem>>, vector<16xf32>,
    %broadcast_in_dim3A_38 = arith.constant 1.000000e+00 : f32
    %broadcast_in_dim3A_39 = vector.broadcast %broadcast_in_dim3A_38 : f32 to vector<16xf32>
    %swap3A_40 = arith.constant 48 : index
    %swap3A_41 = tpu.vector_load %arg6[%swap3A_40] {strides = array<i32>} : memref<128xf32, #tpu.memory_space<vmem>>, vector<16xf32>,
    %swap3A_42 = vector.shape_cast %swap3A_41 : vector<16xf32> to vector<16xf32>
    %swap3A_43 = vector.shape_cast %broadcast_in_dim3A_39 : vector<16xf32> to vector<16xf32>
    tpu.vector_store %arg6[%swap3A_40], %swap3A_43 {strides = array<i32>} : memref<128xf32, #tpu.memory_space<vmem>>, vector<16xf32>,
    %broadcast_in_dim3A_44 = arith.constant 1.000000e+00 : f32
    %broadcast_in_dim3A_45 = vector.broadcast %broadcast_in_dim3A_44 : f32 to vector<16xf32>
    %swap3A_46 = arith.constant 64 : index
    %swap3A_47 = tpu.vector_load %arg6[%swap3A_46] {strides = array<i32>} : memref<128xf32, #tpu.memory_space<vmem>>, vector<16xf32>,
    %swap3A_48 = vector.shape_cast %swap3A_47 : vector<16xf32> to vector<16xf32>
    %swap3A_49 = vector.shape_cast %broadcast_in_dim3A_45 : vector<16xf32> to vector<16xf32>
    tpu.vector_store %arg6[%swap3A_46], %swap3A_49 {strides = array<i32>} : memref<128xf32, #tpu.memory_space<vmem>>, vector<16xf32>,
    %broadcast_in_dim3A_50 = arith.constant 1.000000e+00 : f32
    %broadcast_in_dim3A_51 = vector.broadcast %broadcast_in_dim3A_50 : f32 to vector<16xf32>
    %swap3A_52 = arith.constant 80 : index
    %swap3A_53 = tpu.vector_load %arg6[%swap3A_52] {strides = array<i32>} : memref<128xf32, #tpu.memory_space<vmem>>, vector<16xf32>,
    %swap3A_54 = vector.shape_cast %swap3A_53 : vector<16xf32> to vector<16xf32>
    %swap3A_55 = vector.shape_cast %broadcast_in_dim3A_51 : vector<16xf32> to vector<16xf32>
    tpu.vector_store %arg6[%swap3A_52], %swap3A_55 {strides = array<i32>} : memref<128xf32, #tpu.memory_space<vmem>>, vector<16xf32>,
    %broadcast_in_dim3A_56 = arith.constant 1.000000e+00 : f32
    %broadcast_in_dim3A_57 = vector.broadcast %broadcast_in_dim3A_56 : f32 to vector<16xf32>
    %swap3A_58 = arith.constant 96 : index
    %swap3A_59 = tpu.vector_load %arg6[%swap3A_58] {strides = array<i32>} : memref<128xf32, #tpu.memory_space<vmem>>, vector<16xf32>,
    %swap3A_60 = vector.shape_cast %swap3A_59 : vector<16xf32> to vector<16xf32>
    %swap3A_61 = vector.shape_cast %broadcast_in_dim3A_57 : vector<16xf32> to vector<16xf32>
    tpu.vector_store %arg6[%swap3A_58], %swap3A_61 {strides = array<i32>} : memref<128xf32, #tpu.memory_space<vmem>>, vector<16xf32>,
    %broadcast_in_dim3A_62 = arith.constant 1.000000e+00 : f32
    %broadcast_in_dim3A_63 = vector.broadcast %broadcast_in_dim3A_62 : f32 to vector<16xf32>
    %swap3A_64 = arith.constant 112 : index
    %swap3A_65 = tpu.vector_load %arg6[%swap3A_64] {strides = array<i32>} : memref<128xf32, #tpu.memory_space<vmem>>, vector<16xf32>,
    %swap3A_66 = vector.shape_cast %swap3A_65 : vector<16xf32> to vector<16xf32>
    %swap3A_67 = vector.shape_cast %broadcast_in_dim3A_63 : vector<16xf32> to vector<16xf32>
    tpu.vector_store %arg6[%swap3A_64], %swap3A_67 {strides = array<i32>} : memref<128xf32, #tpu.memory_space<vmem>>, vector<16xf32>,
    %broadcast_in_dim3A_68 = arith.constant 0.000000e+00 : f32
    %broadcast_in_dim3A_69 = vector.broadcast %broadcast_in_dim3A_68 : f32 to vector<16xf32>
    %swap3A_70 = arith.constant 0 : index
    %swap3A_71 = tpu.vector_load %arg9[%swap3A_70] {strides = array<i32>} : memref<1024xf32, #tpu.memory_space<vmem>>, vector<16xf32>,
    %swap3A_72 = vector.shape_cast %swap3A_71 : vector<16xf32> to vector<16xf32>
    %swap3A_73 = vector.shape_cast %broadcast_in_dim3A_69 : vector<16xf32> to vector<16xf32>
    tpu.vector_store %arg9[%swap3A_70], %swap3A_73 {strides = array<i32>} : memref<1024xf32, #tpu.memory_space<vmem>>, vector<16xf32>,
    %broadcast_in_dim3A_74 = arith.constant 0.000000e+00 : f32
    %broadcast_in_dim3A_75 = vector.broadcast %broadcast_in_dim3A_74 : f32 to vector<16xf32>
    %swap3A_76 = arith.constant 16 : index
    %swap3A_77 = tpu.vector_load %arg9[%swap3A_76] {strides = array<i32>} : memref<1024xf32, #tpu.memory_space<vmem>>, vector<16xf32>,
    %swap3A_78 = vector.shape_cast %swap3A_77 : vector<16xf32> to vector<16xf32>
    %swap3A_79 = vector.shape_cast %broadcast_in_dim3A_75 : vector<16xf32> to vector<16xf32>
    tpu.vector_store %arg9[%swap3A_76], %swap3A_79 {strides = array<i32>} : memref<1024xf32, #tpu.memory_space<vmem>>, vector<16xf32>,
    %broadcast_in_dim3A_80 = arith.constant 0.000000e+00 : f32
    %broadcast_in_dim3A_81 = vector.broadcast %broadcast_in_dim3A_80 : f32 to vector<16xf32>
    %swap3A_82 = arith.constant 32 : index
    %swap3A_83 = tpu.vector_load %arg9[%swap3A_82] {strides = array<i32>} : memref<1024xf32, #tpu.memory_space<vmem>>, vector<16xf32>,
    %swap3A_84 = vector.shape_cast %swap3A_83 : vector<16xf32> to vector<16xf32>
    %swap3A_85 = vector.shape_cast %broadcast_in_dim3A_81 : vector<16xf32> to vector<16xf32>
    tpu.vector_store %arg9[%swap3A_82], %swap3A_85 {strides = array<i32>} : memref<1024xf32, #tpu.memory_space<vmem>>, vector<16xf32>,
    %broadcast_in_dim3A_86 = arith.constant 0.000000e+00 : f32
    %broadcast_in_dim3A_87 = vector.broadcast %broadcast_in_dim3A_86 : f32 to vector<16xf32>
    %swap3A_88 = arith.constant 48 : index
    %swap3A_89 = tpu.vector_load %arg9[%swap3A_88] {strides = array<i32>} : memref<1024xf32, #tpu.memory_space<vmem>>, vector<16xf32>,
    %swap3A_90 = vector.shape_cast %swap3A_89 : vector<16xf32> to vector<16xf32>
    %swap3A_91 = vector.shape_cast %broadcast_in_dim3A_87 : vector<16xf32> to vector<16xf32>
    tpu.vector_store %arg9[%swap3A_88], %swap3A_91 {strides = array<i32>} : memref<1024xf32, #tpu.memory_space<vmem>>, vector<16xf32>,
    %broadcast_in_dim3A_92 = arith.constant 0.000000e+00 : f32
    %broadcast_in_dim3A_93 = vector.broadcast %broadcast_in_dim3A_92 : f32 to vector<16xf32>
    %swap3A_94 = arith.constant 64 : index
    %swap3A_95 = tpu.vector_load %arg9[%swap3A_94] {strides = array<i32>} : memref<1024xf32, #tpu.memory_space<vmem>>, vector<16xf32>,
    %swap3A_96 = vector.shape_cast %swap3A_95 : vector<16xf32> to vector<16xf32>
    %swap3A_97 = vector.shape_cast %broadcast_in_dim3A_93 : vector<16xf32> to vector<16xf32>
    tpu.vector_store %arg9[%swap3A_94], %swap3A_97 {strides = array<i32>} : memref<1024xf32, #tpu.memory_space<vmem>>, vector<16xf32>,
    %broadcast_in_dim3A_98 = arith.constant 0.000000e+00 : f32
    %broadcast_in_dim3A_99 = vector.broadcast %broadcast_in_dim3A_98 : f32 to vector<16xf32>
    %swap3A_100 = arith.constant 80 : index
    %swap3A_101 = tpu.vector_load %arg9[%swap3A_100] {strides = array<i32>} : memref<1024xf32, #tpu.memory_space<vmem>>, vector<16xf32>,
    %swap3A_102 = vector.shape_cast %swap3A_101 : vector<16xf32> to vector<16xf32>
    %swap3A_103 = vector.shape_cast %broadcast_in_dim3A_99 : vector<16xf32> to vector<16xf32>
    tpu.vector_store %arg9[%swap3A_100], %swap3A_103 {strides = array<i32>} : memref<1024xf32, #tpu.memory_space<vmem>>, vector<16xf32>,
    %broadcast_in_dim3A_104 = arith.constant 0.000000e+00 : f32
    %broadcast_in_dim3A_105 = vector.broadcast %broadcast_in_dim3A_104 : f32 to vector<16xf32>
    %swap3A_106 = arith.constant 96 : index
    %swap3A_107 = tpu.vector_load %arg9[%swap3A_106] {strides = array<i32>} : memref<1024xf32, #tpu.memory_space<vmem>>, vector<16xf32>,
    %swap3A_108 = vector.shape_cast %swap3A_107 : vector<16xf32> to vector<16xf32>
    %swap3A_109 = vector.shape_cast %broadcast_in_dim3A_105 : vector<16xf32> to vector<16xf32>
    tpu.vector_store %arg9[%swap3A_106], %swap3A_109 {strides = array<i32>} : memref<1024xf32, #tpu.memory_space<vmem>>, vector<16xf32>,
    %broadcast_in_dim3A_110 = arith.constant 0.000000e+00 : f32
    %broadcast_in_dim3A_111 = vector.broadcast %broadcast_in_dim3A_110 : f32 to vector<16xf32>
    %swap3A_112 = arith.constant 112 : index
    %swap3A_113 = tpu.vector_load %arg9[%swap3A_112] {strides = array<i32>} : memref<1024xf32, #tpu.memory_space<vmem>>, vector<16xf32>,
    %swap3A_114 = vector.shape_cast %swap3A_113 : vector<16xf32> to vector<16xf32>
    %swap3A_115 = vector.shape_cast %broadcast_in_dim3A_111 : vector<16xf32> to vector<16xf32>
    tpu.vector_store %arg9[%swap3A_112], %swap3A_115 {strides = array<i32>} : memref<1024xf32, #tpu.memory_space<vmem>>, vector<16xf32>,
    %broadcast_in_dim3A_116 = arith.constant 0.000000e+00 : f32
    %broadcast_in_dim3A_117 = vector.broadcast %broadcast_in_dim3A_116 : f32 to vector<16xf32>
    %swap3A_118 = arith.constant 128 : index
    %swap3A_119 = tpu.vector_load %arg9[%swap3A_118] {strides = array<i32>} : memref<1024xf32, #tpu.memory_space<vmem>>, vector<16xf32>,
    %swap3A_120 = vector.shape_cast %swap3A_119 : vector<16xf32> to vector<16xf32>
    %swap3A_121 = vector.shape_cast %broadcast_in_dim3A_117 : vector<16xf32> to vector<16xf32>
    tpu.vector_store %arg9[%swap3A_118], %swap3A_121 {strides = array<i32>} : memref<1024xf32, #tpu.memory_space<vmem>>, vector<16xf32>,
    %broadcast_in_dim3A_122 = arith.constant 0.000000e+00 : f32
    %broadcast_in_dim3A_123 = vector.broadcast %broadcast_in_dim3A_122 : f32 to vector<16xf32>
    %swap3A_124 = arith.constant 144 : index
    %swap3A_125 = tpu.vector_load %arg9[%swap3A_124] {strides = array<i32>} : memref<1024xf32, #tpu.memory_space<vmem>>, vector<16xf32>,
    %swap3A_126 = vector.shape_cast %swap3A_125 : vector<16xf32> to vector<16xf32>
    %swap3A_127 = vector.shape_cast %broadcast_in_dim3A_123 : vector<16xf32> to vector<16xf32>
    tpu.vector_store %arg9[%swap3A_124], %swap3A_127 {strides = array<i32>} : memref<1024xf32, #tpu.memory_space<vmem>>, vector<16xf32>,
    %broadcast_in_dim3A_128 = arith.constant 0.000000e+00 : f32
    %broadcast_in_dim3A_129 = vector.broadcast %broadcast_in_dim3A_128 : f32 to vector<16xf32>
    %swap3A_130 = arith.constant 160 : index
    %swap3A_131 = tpu.vector_load %arg9[%swap3A_130] {strides = array<i32>} : memref<1024xf32, #tpu.memory_space<vmem>>, vector<16xf32>,
    %swap3A_132 = vector.shape_cast %swap3A_131 : vector<16xf32> to vector<16xf32>
    %swap3A_133 = vector.shape_cast %broadcast_in_dim3A_129 : vector<16xf32> to vector<16xf32>
    tpu.vector_store %arg9[%swap3A_130], %swap3A_133 {strides = array<i32>} : memref<1024xf32, #tpu.memory_space<vmem>>, vector<16xf32>,
    %broadcast_in_dim3A_134 = arith.constant 0.000000e+00 : f32
    %broadcast_in_dim3A_135 = vector.broadcast %broadcast_in_dim3A_134 : f32 to vector<16xf32>
    %swap3A_136 = arith.constant 176 : index
    %swap3A_137 = tpu.vector_load %arg9[%swap3A_136] {strides = array<i32>} : memref<1024xf32, #tpu.memory_space<vmem>>, vector<16xf32>,
    %swap3A_138 = vector.shape_cast %swap3A_137 : vector<16xf32> to vector<16xf32>
    %swap3A_139 = vector.shape_cast %broadcast_in_dim3A_135 : vector<16xf32> to vector<16xf32>
    tpu.vector_store %arg9[%swap3A_136], %swap3A_139 {strides = array<i32>} : memref<1024xf32, #tpu.memory_space<vmem>>, vector<16xf32>,
    %broadcast_in_dim3A_140 = arith.constant 0.000000e+00 : f32
    %broadcast_in_dim3A_141 = vector.broadcast %broadcast_in_dim3A_140 : f32 to vector<16xf32>
    %swap3A_142 = arith.constant 192 : index
    %swap3A_143 = tpu.vector_load %arg9[%swap3A_142] {strides = array<i32>} : memref<1024xf32, #tpu.memory_space<vmem>>, vector<16xf32>,
    %swap3A_144 = vector.shape_cast %swap3A_143 : vector<16xf32> to vector<16xf32>
    %swap3A_145 = vector.shape_cast %broadcast_in_dim3A_141 : vector<16xf32> to vector<16xf32>
    tpu.vector_store %arg9[%swap3A_142], %swap3A_145 {strides = array<i32>} : memref<1024xf32, #tpu.memory_space<vmem>>, vector<16xf32>,
    %broadcast_in_dim3A_146 = arith.constant 0.000000e+00 : f32
    %broadcast_in_dim3A_147 = vector.broadcast %broadcast_in_dim3A_146 : f32 to vector<16xf32>
    %swap3A_148 = arith.constant 208 : index
    %swap3A_149 = tpu.vector_load %arg9[%swap3A_148] {strides = array<i32>} : memref<1024xf32, #tpu.memory_space<vmem>>, vector<16xf32>,
    %swap3A_150 = vector.shape_cast %swap3A_149 : vector<16xf32> to vector<16xf32>
    %swap3A_151 = vector.shape_cast %broadcast_in_dim3A_147 : vector<16xf32> to vector<16xf32>
    tpu.vector_store %arg9[%swap3A_148], %swap3A_151 {strides = array<i32>} : memref<1024xf32, #tpu.memory_space<vmem>>, vector<16xf32>,
    %broadcast_in_dim3A_152 = arith.constant 0.000000e+00 : f32
    %broadcast_in_dim3A_153 = vector.broadcast %broadcast_in_dim3A_152 : f32 to vector<16xf32>
    %swap3A_154 = arith.constant 224 : index
    %swap3A_155 = tpu.vector_load %arg9[%swap3A_154] {strides = array<i32>} : memref<1024xf32, #tpu.memory_space<vmem>>, vector<16xf32>,
    %swap3A_156 = vector.shape_cast %swap3A_155 : vector<16xf32> to vector<16xf32>
    %swap3A_157 = vector.shape_cast %broadcast_in_dim3A_153 : vector<16xf32> to vector<16xf32>
    tpu.vector_store %arg9[%swap3A_154], %swap3A_157 {strides = array<i32>} : memref<1024xf32, #tpu.memory_space<vmem>>, vector<16xf32>,
    %broadcast_in_dim3A_158 = arith.constant 0.000000e+00 : f32
    %broadcast_in_dim3A_159 = vector.broadcast %broadcast_in_dim3A_158 : f32 to vector<16xf32>
    %swap3A_160 = arith.constant 240 : index
    %swap3A_161 = tpu.vector_load %arg9[%swap3A_160] {strides = array<i32>} : memref<1024xf32, #tpu.memory_space<vmem>>, vector<16xf32>,
    %swap3A_162 = vector.shape_cast %swap3A_161 : vector<16xf32> to vector<16xf32>
    %swap3A_163 = vector.shape_cast %broadcast_in_dim3A_159 : vector<16xf32> to vector<16xf32>
    tpu.vector_store %arg9[%swap3A_160], %swap3A_163 {strides = array<i32>} : memref<1024xf32, #tpu.memory_space<vmem>>, vector<16xf32>,
    %broadcast_in_dim3A_164 = arith.constant 0.000000e+00 : f32
    %broadcast_in_dim3A_165 = vector.broadcast %broadcast_in_dim3A_164 : f32 to vector<16xf32>
    %swap3A_166 = arith.constant 256 : index
    %swap3A_167 = tpu.vector_load %arg9[%swap3A_166] {strides = array<i32>} : memref<1024xf32, #tpu.memory_space<vmem>>, vector<16xf32>,
    %swap3A_168 = vector.shape_cast %swap3A_167 : vector<16xf32> to vector<16xf32>
    %swap3A_169 = vector.shape_cast %broadcast_in_dim3A_165 : vector<16xf32> to vector<16xf32>
    tpu.vector_store %arg9[%swap3A_166], %swap3A_169 {strides = array<i32>} : memref<1024xf32, #tpu.memory_space<vmem>>, vector<16xf32>,
    %broadcast_in_dim3A_170 = arith.constant 0.000000e+00 : f32
    %broadcast_in_dim3A_171 = vector.broadcast %broadcast_in_dim3A_170 : f32 to vector<16xf32>
    %swap3A_172 = arith.constant 272 : index
    %swap3A_173 = tpu.vector_load %arg9[%swap3A_172] {strides = array<i32>} : memref<1024xf32, #tpu.memory_space<vmem>>, vector<16xf32>,
    %swap3A_174 = vector.shape_cast %swap3A_173 : vector<16xf32> to vector<16xf32>
    %swap3A_175 = vector.shape_cast %broadcast_in_dim3A_171 : vector<16xf32> to vector<16xf32>
    tpu.vector_store %arg9[%swap3A_172], %swap3A_175 {strides = array<i32>} : memref<1024xf32, #tpu.memory_space<vmem>>, vector<16xf32>,
    %broadcast_in_dim3A_176 = arith.constant 0.000000e+00 : f32
    %broadcast_in_dim3A_177 = vector.broadcast %broadcast_in_dim3A_176 : f32 to vector<16xf32>
    %swap3A_178 = arith.constant 288 : index
    %swap3A_179 = tpu.vector_load %arg9[%swap3A_178] {strides = array<i32>} : memref<1024xf32, #tpu.memory_space<vmem>>, vector<16xf32>,
    %swap3A_180 = vector.shape_cast %swap3A_179 : vector<16xf32> to vector<16xf32>
    %swap3A_181 = vector.shape_cast %broadcast_in_dim3A_177 : vector<16xf32> to vector<16xf32>
    tpu.vector_store %arg9[%swap3A_178], %swap3A_181 {strides = array<i32>} : memref<1024xf32, #tpu.memory_space<vmem>>, vector<16xf32>,
    %broadcast_in_dim3A_182 = arith.constant 0.000000e+00 : f32
    %broadcast_in_dim3A_183 = vector.broadcast %broadcast_in_dim3A_182 : f32 to vector<16xf32>
    %swap3A_184 = arith.constant 304 : index
    %swap3A_185 = tpu.vector_load %arg9[%swap3A_184] {strides = array<i32>} : memref<1024xf32, #tpu.memory_space<vmem>>, vector<16xf32>,
    %swap3A_186 = vector.shape_cast %swap3A_185 : vector<16xf32> to vector<16xf32>
    %swap3A_187 = vector.shape_cast %broadcast_in_dim3A_183 : vector<16xf32> to vector<16xf32>
    tpu.vector_store %arg9[%swap3A_184], %swap3A_187 {strides = array<i32>} : memref<1024xf32, #tpu.memory_space<vmem>>, vector<16xf32>,
    %broadcast_in_dim3A_188 = arith.constant 0.000000e+00 : f32
    %broadcast_in_dim3A_189 = vector.broadcast %broadcast_in_dim3A_188 : f32 to vector<16xf32>
    %swap3A_190 = arith.constant 320 : index
    %swap3A_191 = tpu.vector_load %arg9[%swap3A_190] {strides = array<i32>} : memref<1024xf32, #tpu.memory_space<vmem>>, vector<16xf32>,
    %swap3A_192 = vector.shape_cast %swap3A_191 : vector<16xf32> to vector<16xf32>
    %swap3A_193 = vector.shape_cast %broadcast_in_dim3A_189 : vector<16xf32> to vector<16xf32>
    tpu.vector_store %arg9[%swap3A_190], %swap3A_193 {strides = array<i32>} : memref<1024xf32, #tpu.memory_space<vmem>>, vector<16xf32>,
    %broadcast_in_dim3A_194 = arith.constant 0.000000e+00 : f32
    %broadcast_in_dim3A_195 = vector.broadcast %broadcast_in_dim3A_194 : f32 to vector<16xf32>
    %swap3A_196 = arith.constant 336 : index
    %swap3A_197 = tpu.vector_load %arg9[%swap3A_196] {strides = array<i32>} : memref<1024xf32, #tpu.memory_space<vmem>>, vector<16xf32>,
    %swap3A_198 = vector.shape_cast %swap3A_197 : vector<16xf32> to vector<16xf32>
    %swap3A_199 = vector.shape_cast %broadcast_in_dim3A_195 : vector<16xf32> to vector<16xf32>
    tpu.vector_store %arg9[%swap3A_196], %swap3A_199 {strides = array<i32>} : memref<1024xf32, #tpu.memory_space<vmem>>, vector<16xf32>,
    %broadcast_in_dim3A_200 = arith.constant 0.000000e+00 : f32
    %broadcast_in_dim3A_201 = vector.broadcast %broadcast_in_dim3A_200 : f32 to vector<16xf32>
    %swap3A_202 = arith.constant 352 : index
    %swap3A_203 = tpu.vector_load %arg9[%swap3A_202] {strides = array<i32>} : memref<1024xf32, #tpu.memory_space<vmem>>, vector<16xf32>,
    %swap3A_204 = vector.shape_cast %swap3A_203 : vector<16xf32> to vector<16xf32>
    %swap3A_205 = vector.shape_cast %broadcast_in_dim3A_201 : vector<16xf32> to vector<16xf32>
    tpu.vector_store %arg9[%swap3A_202], %swap3A_205 {strides = array<i32>} : memref<1024xf32, #tpu.memory_space<vmem>>, vector<16xf32>,
    %broadcast_in_dim3A_206 = arith.constant 0.000000e+00 : f32
    %broadcast_in_dim3A_207 = vector.broadcast %broadcast_in_dim3A_206 : f32 to vector<16xf32>
    %swap3A_208 = arith.constant 368 : index
    %swap3A_209 = tpu.vector_load %arg9[%swap3A_208] {strides = array<i32>} : memref<1024xf32, #tpu.memory_space<vmem>>, vector<16xf32>,
    %swap3A_210 = vector.shape_cast %swap3A_209 : vector<16xf32> to vector<16xf32>
    %swap3A_211 = vector.shape_cast %broadcast_in_dim3A_207 : vector<16xf32> to vector<16xf32>
    tpu.vector_store %arg9[%swap3A_208], %swap3A_211 {strides = array<i32>} : memref<1024xf32, #tpu.memory_space<vmem>>, vector<16xf32>,
    %broadcast_in_dim3A_212 = arith.constant 0.000000e+00 : f32
    %broadcast_in_dim3A_213 = vector.broadcast %broadcast_in_dim3A_212 : f32 to vector<16xf32>
    %swap3A_214 = arith.constant 384 : index
    %swap3A_215 = tpu.vector_load %arg9[%swap3A_214] {strides = array<i32>} : memref<1024xf32, #tpu.memory_space<vmem>>, vector<16xf32>,
    %swap3A_216 = vector.shape_cast %swap3A_215 : vector<16xf32> to vector<16xf32>
    %swap3A_217 = vector.shape_cast %broadcast_in_dim3A_213 : vector<16xf32> to vector<16xf32>
    tpu.vector_store %arg9[%swap3A_214], %swap3A_217 {strides = array<i32>} : memref<1024xf32, #tpu.memory_space<vmem>>, vector<16xf32>,
    %broadcast_in_dim3A_218 = arith.constant 0.000000e+00 : f32
    %broadcast_in_dim3A_219 = vector.broadcast %broadcast_in_dim3A_218 : f32 to vector<16xf32>
    %swap3A_220 = arith.constant 400 : index
    %swap3A_221 = tpu.vector_load %arg9[%swap3A_220] {strides = array<i32>} : memref<1024xf32, #tpu.memory_space<vmem>>, vector<16xf32>,
    %swap3A_222 = vector.shape_cast %swap3A_221 : vector<16xf32> to vector<16xf32>
    %swap3A_223 = vector.shape_cast %broadcast_in_dim3A_219 : vector<16xf32> to vector<16xf32>
    tpu.vector_store %arg9[%swap3A_220], %swap3A_223 {strides = array<i32>} : memref<1024xf32, #tpu.memory_space<vmem>>, vector<16xf32>,
    %broadcast_in_dim3A_224 = arith.constant 0.000000e+00 : f32
    %broadcast_in_dim3A_225 = vector.broadcast %broadcast_in_dim3A_224 : f32 to vector<16xf32>
    %swap3A_226 = arith.constant 416 : index
    %swap3A_227 = tpu.vector_load %arg9[%swap3A_226] {strides = array<i32>} : memref<1024xf32, #tpu.memory_space<vmem>>, vector<16xf32>,
    %swap3A_228 = vector.shape_cast %swap3A_227 : vector<16xf32> to vector<16xf32>
    %swap3A_229 = vector.shape_cast %broadcast_in_dim3A_225 : vector<16xf32> to vector<16xf32>
    tpu.vector_store %arg9[%swap3A_226], %swap3A_229 {strides = array<i32>} : memref<1024xf32, #tpu.memory_space<vmem>>, vector<16xf32>,
    %broadcast_in_dim3A_230 = arith.constant 0.000000e+00 : f32
    %broadcast_in_dim3A_231 = vector.broadcast %broadcast_in_dim3A_230 : f32 to vector<16xf32>
    %swap3A_232 = arith.constant 432 : index
    %swap3A_233 = tpu.vector_load %arg9[%swap3A_232] {strides = array<i32>} : memref<1024xf32, #tpu.memory_space<vmem>>, vector<16xf32>,
    %swap3A_234 = vector.shape_cast %swap3A_233 : vector<16xf32> to vector<16xf32>
    %swap3A_235 = vector.shape_cast %broadcast_in_dim3A_231 : vector<16xf32> to vector<16xf32>
    tpu.vector_store %arg9[%swap3A_232], %swap3A_235 {strides = array<i32>} : memref<1024xf32, #tpu.memory_space<vmem>>, vector<16xf32>,
    %broadcast_in_dim3A_236 = arith.constant 0.000000e+00 : f32
    %broadcast_in_dim3A_237 = vector.broadcast %broadcast_in_dim3A_236 : f32 to vector<16xf32>
    %swap3A_238 = arith.constant 448 : index
    %swap3A_239 = tpu.vector_load %arg9[%swap3A_238] {strides = array<i32>} : memref<1024xf32, #tpu.memory_space<vmem>>, vector<16xf32>,
    %swap3A_240 = vector.shape_cast %swap3A_239 : vector<16xf32> to vector<16xf32>
    %swap3A_241 = vector.shape_cast %broadcast_in_dim3A_237 : vector<16xf32> to vector<16xf32>
    tpu.vector_store %arg9[%swap3A_238], %swap3A_241 {strides = array<i32>} : memref<1024xf32, #tpu.memory_space<vmem>>, vector<16xf32>,
    %broadcast_in_dim3A_242 = arith.constant 0.000000e+00 : f32
    %broadcast_in_dim3A_243 = vector.broadcast %broadcast_in_dim3A_242 : f32 to vector<16xf32>
    %swap3A_244 = arith.constant 464 : index
    %swap3A_245 = tpu.vector_load %arg9[%swap3A_244] {strides = array<i32>} : memref<1024xf32, #tpu.memory_space<vmem>>, vector<16xf32>,
    %swap3A_246 = vector.shape_cast %swap3A_245 : vector<16xf32> to vector<16xf32>
    %swap3A_247 = vector.shape_cast %broadcast_in_dim3A_243 : vector<16xf32> to vector<16xf32>
    tpu.vector_store %arg9[%swap3A_244], %swap3A_247 {strides = array<i32>} : memref<1024xf32, #tpu.memory_space<vmem>>, vector<16xf32>,
    %broadcast_in_dim3A_248 = arith.constant 0.000000e+00 : f32
    %broadcast_in_dim3A_249 = vector.broadcast %broadcast_in_dim3A_248 : f32 to vector<16xf32>
    %swap3A_250 = arith.constant 480 : index
    %swap3A_251 = tpu.vector_load %arg9[%swap3A_250] {strides = array<i32>} : memref<1024xf32, #tpu.memory_space<vmem>>, vector<16xf32>,
    %swap3A_252 = vector.shape_cast %swap3A_251 : vector<16xf32> to vector<16xf32>
    %swap3A_253 = vector.shape_cast %broadcast_in_dim3A_249 : vector<16xf32> to vector<16xf32>
    tpu.vector_store %arg9[%swap3A_250], %swap3A_253 {strides = array<i32>} : memref<1024xf32, #tpu.memory_space<vmem>>, vector<16xf32>,
    %broadcast_in_dim3A_254 = arith.constant 0.000000e+00 : f32
    %broadcast_in_dim3A_255 = vector.broadcast %broadcast_in_dim3A_254 : f32 to vector<16xf32>
    %swap3A_256 = arith.constant 496 : index
    %swap3A_257 = tpu.vector_load %arg9[%swap3A_256] {strides = array<i32>} : memref<1024xf32, #tpu.memory_space<vmem>>, vector<16xf32>,
    %swap3A_258 = vector.shape_cast %swap3A_257 : vector<16xf32> to vector<16xf32>
    %swap3A_259 = vector.shape_cast %broadcast_in_dim3A_255 : vector<16xf32> to vector<16xf32>
    tpu.vector_store %arg9[%swap3A_256], %swap3A_259 {strides = array<i32>} : memref<1024xf32, #tpu.memory_space<vmem>>, vector<16xf32>,
    %broadcast_in_dim3A_260 = arith.constant 0.000000e+00 : f32
    %broadcast_in_dim3A_261 = vector.broadcast %broadcast_in_dim3A_260 : f32 to vector<16xf32>
    %swap3A_262 = arith.constant 512 : index
    %swap3A_263 = tpu.vector_load %arg9[%swap3A_262] {strides = array<i32>} : memref<1024xf32, #tpu.memory_space<vmem>>, vector<16xf32>,
    %swap3A_264 = vector.shape_cast %swap3A_263 : vector<16xf32> to vector<16xf32>
    %swap3A_265 = vector.shape_cast %broadcast_in_dim3A_261 : vector<16xf32> to vector<16xf32>
    tpu.vector_store %arg9[%swap3A_262], %swap3A_265 {strides = array<i32>} : memref<1024xf32, #tpu.memory_space<vmem>>, vector<16xf32>,
    %broadcast_in_dim3A_266 = arith.constant 0.000000e+00 : f32
    %broadcast_in_dim3A_267 = vector.broadcast %broadcast_in_dim3A_266 : f32 to vector<16xf32>
    %swap3A_268 = arith.constant 528 : index
    %swap3A_269 = tpu.vector_load %arg9[%swap3A_268] {strides = array<i32>} : memref<1024xf32, #tpu.memory_space<vmem>>, vector<16xf32>,
    %swap3A_270 = vector.shape_cast %swap3A_269 : vector<16xf32> to vector<16xf32>
    %swap3A_271 = vector.shape_cast %broadcast_in_dim3A_267 : vector<16xf32> to vector<16xf32>
    tpu.vector_store %arg9[%swap3A_268], %swap3A_271 {strides = array<i32>} : memref<1024xf32, #tpu.memory_space<vmem>>, vector<16xf32>,
    %broadcast_in_dim3A_272 = arith.constant 0.000000e+00 : f32
    %broadcast_in_dim3A_273 = vector.broadcast %broadcast_in_dim3A_272 : f32 to vector<16xf32>
    %swap3A_274 = arith.constant 544 : index
    %swap3A_275 = tpu.vector_load %arg9[%swap3A_274] {strides = array<i32>} : memref<1024xf32, #tpu.memory_space<vmem>>, vector<16xf32>,
    %swap3A_276 = vector.shape_cast %swap3A_275 : vector<16xf32> to vector<16xf32>
    %swap3A_277 = vector.shape_cast %broadcast_in_dim3A_273 : vector<16xf32> to vector<16xf32>
    tpu.vector_store %arg9[%swap3A_274], %swap3A_277 {strides = array<i32>} : memref<1024xf32, #tpu.memory_space<vmem>>, vector<16xf32>,
    %broadcast_in_dim3A_278 = arith.constant 0.000000e+00 : f32
    %broadcast_in_dim3A_279 = vector.broadcast %broadcast_in_dim3A_278 : f32 to vector<16xf32>
    %swap3A_280 = arith.constant 560 : index
    %swap3A_281 = tpu.vector_load %arg9[%swap3A_280] {strides = array<i32>} : memref<1024xf32, #tpu.memory_space<vmem>>, vector<16xf32>,
    %swap3A_282 = vector.shape_cast %swap3A_281 : vector<16xf32> to vector<16xf32>
    %swap3A_283 = vector.shape_cast %broadcast_in_dim3A_279 : vector<16xf32> to vector<16xf32>
    tpu.vector_store %arg9[%swap3A_280], %swap3A_283 {strides = array<i32>} : memref<1024xf32, #tpu.memory_space<vmem>>, vector<16xf32>,
    %broadcast_in_dim3A_284 = arith.constant 0.000000e+00 : f32
    %broadcast_in_dim3A_285 = vector.broadcast %broadcast_in_dim3A_284 : f32 to vector<16xf32>
    %swap3A_286 = arith.constant 576 : index
    %swap3A_287 = tpu.vector_load %arg9[%swap3A_286] {strides = array<i32>} : memref<1024xf32, #tpu.memory_space<vmem>>, vector<16xf32>,
    %swap3A_288 = vector.shape_cast %swap3A_287 : vector<16xf32> to vector<16xf32>
    %swap3A_289 = vector.shape_cast %broadcast_in_dim3A_285 : vector<16xf32> to vector<16xf32>
    tpu.vector_store %arg9[%swap3A_286], %swap3A_289 {strides = array<i32>} : memref<1024xf32, #tpu.memory_space<vmem>>, vector<16xf32>,
    %broadcast_in_dim3A_290 = arith.constant 0.000000e+00 : f32
    %broadcast_in_dim3A_291 = vector.broadcast %broadcast_in_dim3A_290 : f32 to vector<16xf32>
    %swap3A_292 = arith.constant 592 : index
    %swap3A_293 = tpu.vector_load %arg9[%swap3A_292] {strides = array<i32>} : memref<1024xf32, #tpu.memory_space<vmem>>, vector<16xf32>,
    %swap3A_294 = vector.shape_cast %swap3A_293 : vector<16xf32> to vector<16xf32>
    %swap3A_295 = vector.shape_cast %broadcast_in_dim3A_291 : vector<16xf32> to vector<16xf32>
    tpu.vector_store %arg9[%swap3A_292], %swap3A_295 {strides = array<i32>} : memref<1024xf32, #tpu.memory_space<vmem>>, vector<16xf32>,
    %broadcast_in_dim3A_296 = arith.constant 0.000000e+00 : f32
    %broadcast_in_dim3A_297 = vector.broadcast %broadcast_in_dim3A_296 : f32 to vector<16xf32>
    %swap3A_298 = arith.constant 608 : index
    %swap3A_299 = tpu.vector_load %arg9[%swap3A_298] {strides = array<i32>} : memref<1024xf32, #tpu.memory_space<vmem>>, vector<16xf32>,
    %swap3A_300 = vector.shape_cast %swap3A_299 : vector<16xf32> to vector<16xf32>
    %swap3A_301 = vector.shape_cast %broadcast_in_dim3A_297 : vector<16xf32> to vector<16xf32>
    tpu.vector_store %arg9[%swap3A_298], %swap3A_301 {strides = array<i32>} : memref<1024xf32, #tpu.memory_space<vmem>>, vector<16xf32>,
    %broadcast_in_dim3A_302 = arith.constant 0.000000e+00 : f32
    %broadcast_in_dim3A_303 = vector.broadcast %broadcast_in_dim3A_302 : f32 to vector<16xf32>
    %swap3A_304 = arith.constant 624 : index
    %swap3A_305 = tpu.vector_load %arg9[%swap3A_304] {strides = array<i32>} : memref<1024xf32, #tpu.memory_space<vmem>>, vector<16xf32>,
    %swap3A_306 = vector.shape_cast %swap3A_305 : vector<16xf32> to vector<16xf32>
    %swap3A_307 = vector.shape_cast %broadcast_in_dim3A_303 : vector<16xf32> to vector<16xf32>
    tpu.vector_store %arg9[%swap3A_304], %swap3A_307 {strides = array<i32>} : memref<1024xf32, #tpu.memory_space<vmem>>, vector<16xf32>,
    %broadcast_in_dim3A_308 = arith.constant 0.000000e+00 : f32
    %broadcast_in_dim3A_309 = vector.broadcast %broadcast_in_dim3A_308 : f32 to vector<16xf32>
    %swap3A_310 = arith.constant 640 : index
    %swap3A_311 = tpu.vector_load %arg9[%swap3A_310] {strides = array<i32>} : memref<1024xf32, #tpu.memory_space<vmem>>, vector<16xf32>,
    %swap3A_312 = vector.shape_cast %swap3A_311 : vector<16xf32> to vector<16xf32>
    %swap3A_313 = vector.shape_cast %broadcast_in_dim3A_309 : vector<16xf32> to vector<16xf32>
    tpu.vector_store %arg9[%swap3A_310], %swap3A_313 {strides = array<i32>} : memref<1024xf32, #tpu.memory_space<vmem>>, vector<16xf32>,
    %broadcast_in_dim3A_314 = arith.constant 0.000000e+00 : f32
    %broadcast_in_dim3A_315 = vector.broadcast %broadcast_in_dim3A_314 : f32 to vector<16xf32>
    %swap3A_316 = arith.constant 656 : index
    %swap3A_317 = tpu.vector_load %arg9[%swap3A_316] {strides = array<i32>} : memref<1024xf32, #tpu.memory_space<vmem>>, vector<16xf32>,
    %swap3A_318 = vector.shape_cast %swap3A_317 : vector<16xf32> to vector<16xf32>
    %swap3A_319 = vector.shape_cast %broadcast_in_dim3A_315 : vector<16xf32> to vector<16xf32>
    tpu.vector_store %arg9[%swap3A_316], %swap3A_319 {strides = array<i32>} : memref<1024xf32, #tpu.memory_space<vmem>>, vector<16xf32>,
    %broadcast_in_dim3A_320 = arith.constant 0.000000e+00 : f32
    %broadcast_in_dim3A_321 = vector.broadcast %broadcast_in_dim3A_320 : f32 to vector<16xf32>
    %swap3A_322 = arith.constant 672 : index
    %swap3A_323 = tpu.vector_load %arg9[%swap3A_322] {strides = array<i32>} : memref<1024xf32, #tpu.memory_space<vmem>>, vector<16xf32>,
    %swap3A_324 = vector.shape_cast %swap3A_323 : vector<16xf32> to vector<16xf32>
    %swap3A_325 = vector.shape_cast %broadcast_in_dim3A_321 : vector<16xf32> to vector<16xf32>
    tpu.vector_store %arg9[%swap3A_322], %swap3A_325 {strides = array<i32>} : memref<1024xf32, #tpu.memory_space<vmem>>, vector<16xf32>,
    %broadcast_in_dim3A_326 = arith.constant 0.000000e+00 : f32
    %broadcast_in_dim3A_327 = vector.broadcast %broadcast_in_dim3A_326 : f32 to vector<16xf32>
    %swap3A_328 = arith.constant 688 : index
    %swap3A_329 = tpu.vector_load %arg9[%swap3A_328] {strides = array<i32>} : memref<1024xf32, #tpu.memory_space<vmem>>, vector<16xf32>,
    %swap3A_330 = vector.shape_cast %swap3A_329 : vector<16xf32> to vector<16xf32>
    %swap3A_331 = vector.shape_cast %broadcast_in_dim3A_327 : vector<16xf32> to vector<16xf32>
    tpu.vector_store %arg9[%swap3A_328], %swap3A_331 {strides = array<i32>} : memref<1024xf32, #tpu.memory_space<vmem>>, vector<16xf32>,
    %broadcast_in_dim3A_332 = arith.constant 0.000000e+00 : f32
    %broadcast_in_dim3A_333 = vector.broadcast %broadcast_in_dim3A_332 : f32 to vector<16xf32>
    %swap3A_334 = arith.constant 704 : index
    %swap3A_335 = tpu.vector_load %arg9[%swap3A_334] {strides = array<i32>} : memref<1024xf32, #tpu.memory_space<vmem>>, vector<16xf32>,
    %swap3A_336 = vector.shape_cast %swap3A_335 : vector<16xf32> to vector<16xf32>
    %swap3A_337 = vector.shape_cast %broadcast_in_dim3A_333 : vector<16xf32> to vector<16xf32>
    tpu.vector_store %arg9[%swap3A_334], %swap3A_337 {strides = array<i32>} : memref<1024xf32, #tpu.memory_space<vmem>>, vector<16xf32>,
    %broadcast_in_dim3A_338 = arith.constant 0.000000e+00 : f32
    %broadcast_in_dim3A_339 = vector.broadcast %broadcast_in_dim3A_338 : f32 to vector<16xf32>
    %swap3A_340 = arith.constant 720 : index
    %swap3A_341 = tpu.vector_load %arg9[%swap3A_340] {strides = array<i32>} : memref<1024xf32, #tpu.memory_space<vmem>>, vector<16xf32>,
    %swap3A_342 = vector.shape_cast %swap3A_341 : vector<16xf32> to vector<16xf32>
    %swap3A_343 = vector.shape_cast %broadcast_in_dim3A_339 : vector<16xf32> to vector<16xf32>
    tpu.vector_store %arg9[%swap3A_340], %swap3A_343 {strides = array<i32>} : memref<1024xf32, #tpu.memory_space<vmem>>, vector<16xf32>,
    %broadcast_in_dim3A_344 = arith.constant 0.000000e+00 : f32
    %broadcast_in_dim3A_345 = vector.broadcast %broadcast_in_dim3A_344 : f32 to vector<16xf32>
    %swap3A_346 = arith.constant 736 : index
    %swap3A_347 = tpu.vector_load %arg9[%swap3A_346] {strides = array<i32>} : memref<1024xf32, #tpu.memory_space<vmem>>, vector<16xf32>,
    %swap3A_348 = vector.shape_cast %swap3A_347 : vector<16xf32> to vector<16xf32>
    %swap3A_349 = vector.shape_cast %broadcast_in_dim3A_345 : vector<16xf32> to vector<16xf32>
    tpu.vector_store %arg9[%swap3A_346], %swap3A_349 {strides = array<i32>} : memref<1024xf32, #tpu.memory_space<vmem>>, vector<16xf32>,
    %broadcast_in_dim3A_350 = arith.constant 0.000000e+00 : f32
    %broadcast_in_dim3A_351 = vector.broadcast %broadcast_in_dim3A_350 : f32 to vector<16xf32>
    %swap3A_352 = arith.constant 752 : index
    %swap3A_353 = tpu.vector_load %arg9[%swap3A_352] {strides = array<i32>} : memref<1024xf32, #tpu.memory_space<vmem>>, vector<16xf32>,
    %swap3A_354 = vector.shape_cast %swap3A_353 : vector<16xf32> to vector<16xf32>
    %swap3A_355 = vector.shape_cast %broadcast_in_dim3A_351 : vector<16xf32> to vector<16xf32>
    tpu.vector_store %arg9[%swap3A_352], %swap3A_355 {strides = array<i32>} : memref<1024xf32, #tpu.memory_space<vmem>>, vector<16xf32>,
    %broadcast_in_dim3A_356 = arith.constant 0.000000e+00 : f32
    %broadcast_in_dim3A_357 = vector.broadcast %broadcast_in_dim3A_356 : f32 to vector<16xf32>
    %swap3A_358 = arith.constant 768 : index
    %swap3A_359 = tpu.vector_load %arg9[%swap3A_358] {strides = array<i32>} : memref<1024xf32, #tpu.memory_space<vmem>>, vector<16xf32>,
    %swap3A_360 = vector.shape_cast %swap3A_359 : vector<16xf32> to vector<16xf32>
    %swap3A_361 = vector.shape_cast %broadcast_in_dim3A_357 : vector<16xf32> to vector<16xf32>
    tpu.vector_store %arg9[%swap3A_358], %swap3A_361 {strides = array<i32>} : memref<1024xf32, #tpu.memory_space<vmem>>, vector<16xf32>,
    %broadcast_in_dim3A_362 = arith.constant 0.000000e+00 : f32
    %broadcast_in_dim3A_363 = vector.broadcast %broadcast_in_dim3A_362 : f32 to vector<16xf32>
    %swap3A_364 = arith.constant 784 : index
    %swap3A_365 = tpu.vector_load %arg9[%swap3A_364] {strides = array<i32>} : memref<1024xf32, #tpu.memory_space<vmem>>, vector<16xf32>,
    %swap3A_366 = vector.shape_cast %swap3A_365 : vector<16xf32> to vector<16xf32>
    %swap3A_367 = vector.shape_cast %broadcast_in_dim3A_363 : vector<16xf32> to vector<16xf32>
    tpu.vector_store %arg9[%swap3A_364], %swap3A_367 {strides = array<i32>} : memref<1024xf32, #tpu.memory_space<vmem>>, vector<16xf32>,
    %broadcast_in_dim3A_368 = arith.constant 0.000000e+00 : f32
    %broadcast_in_dim3A_369 = vector.broadcast %broadcast_in_dim3A_368 : f32 to vector<16xf32>
    %swap3A_370 = arith.constant 800 : index
    %swap3A_371 = tpu.vector_load %arg9[%swap3A_370] {strides = array<i32>} : memref<1024xf32, #tpu.memory_space<vmem>>, vector<16xf32>,
    %swap3A_372 = vector.shape_cast %swap3A_371 : vector<16xf32> to vector<16xf32>
    %swap3A_373 = vector.shape_cast %broadcast_in_dim3A_369 : vector<16xf32> to vector<16xf32>
    tpu.vector_store %arg9[%swap3A_370], %swap3A_373 {strides = array<i32>} : memref<1024xf32, #tpu.memory_space<vmem>>, vector<16xf32>,
    %broadcast_in_dim3A_374 = arith.constant 0.000000e+00 : f32
    %broadcast_in_dim3A_375 = vector.broadcast %broadcast_in_dim3A_374 : f32 to vector<16xf32>
    %swap3A_376 = arith.constant 816 : index
    %swap3A_377 = tpu.vector_load %arg9[%swap3A_376] {strides = array<i32>} : memref<1024xf32, #tpu.memory_space<vmem>>, vector<16xf32>,
    %swap3A_378 = vector.shape_cast %swap3A_377 : vector<16xf32> to vector<16xf32>
    %swap3A_379 = vector.shape_cast %broadcast_in_dim3A_375 : vector<16xf32> to vector<16xf32>
    tpu.vector_store %arg9[%swap3A_376], %swap3A_379 {strides = array<i32>} : memref<1024xf32, #tpu.memory_space<vmem>>, vector<16xf32>,
    %broadcast_in_dim3A_380 = arith.constant 0.000000e+00 : f32
    %broadcast_in_dim3A_381 = vector.broadcast %broadcast_in_dim3A_380 : f32 to vector<16xf32>
    %swap3A_382 = arith.constant 832 : index
    %swap3A_383 = tpu.vector_load %arg9[%swap3A_382] {strides = array<i32>} : memref<1024xf32, #tpu.memory_space<vmem>>, vector<16xf32>,
    %swap3A_384 = vector.shape_cast %swap3A_383 : vector<16xf32> to vector<16xf32>
    %swap3A_385 = vector.shape_cast %broadcast_in_dim3A_381 : vector<16xf32> to vector<16xf32>
    tpu.vector_store %arg9[%swap3A_382], %swap3A_385 {strides = array<i32>} : memref<1024xf32, #tpu.memory_space<vmem>>, vector<16xf32>,
    %broadcast_in_dim3A_386 = arith.constant 0.000000e+00 : f32
    %broadcast_in_dim3A_387 = vector.broadcast %broadcast_in_dim3A_386 : f32 to vector<16xf32>
    %swap3A_388 = arith.constant 848 : index
    %swap3A_389 = tpu.vector_load %arg9[%swap3A_388] {strides = array<i32>} : memref<1024xf32, #tpu.memory_space<vmem>>, vector<16xf32>,
    %swap3A_390 = vector.shape_cast %swap3A_389 : vector<16xf32> to vector<16xf32>
    %swap3A_391 = vector.shape_cast %broadcast_in_dim3A_387 : vector<16xf32> to vector<16xf32>
    tpu.vector_store %arg9[%swap3A_388], %swap3A_391 {strides = array<i32>} : memref<1024xf32, #tpu.memory_space<vmem>>, vector<16xf32>,
    %broadcast_in_dim3A_392 = arith.constant 0.000000e+00 : f32
    %broadcast_in_dim3A_393 = vector.broadcast %broadcast_in_dim3A_392 : f32 to vector<16xf32>
    %swap3A_394 = arith.constant 864 : index
    %swap3A_395 = tpu.vector_load %arg9[%swap3A_394] {strides = array<i32>} : memref<1024xf32, #tpu.memory_space<vmem>>, vector<16xf32>,
    %swap3A_396 = vector.shape_cast %swap3A_395 : vector<16xf32> to vector<16xf32>
    %swap3A_397 = vector.shape_cast %broadcast_in_dim3A_393 : vector<16xf32> to vector<16xf32>
    tpu.vector_store %arg9[%swap3A_394], %swap3A_397 {strides = array<i32>} : memref<1024xf32, #tpu.memory_space<vmem>>, vector<16xf32>,
    %broadcast_in_dim3A_398 = arith.constant 0.000000e+00 : f32
    %broadcast_in_dim3A_399 = vector.broadcast %broadcast_in_dim3A_398 : f32 to vector<16xf32>
    %swap3A_400 = arith.constant 880 : index
    %swap3A_401 = tpu.vector_load %arg9[%swap3A_400] {strides = array<i32>} : memref<1024xf32, #tpu.memory_space<vmem>>, vector<16xf32>,
    %swap3A_402 = vector.shape_cast %swap3A_401 : vector<16xf32> to vector<16xf32>
    %swap3A_403 = vector.shape_cast %broadcast_in_dim3A_399 : vector<16xf32> to vector<16xf32>
    tpu.vector_store %arg9[%swap3A_400], %swap3A_403 {strides = array<i32>} : memref<1024xf32, #tpu.memory_space<vmem>>, vector<16xf32>,
    %broadcast_in_dim3A_404 = arith.constant 0.000000e+00 : f32
    %broadcast_in_dim3A_405 = vector.broadcast %broadcast_in_dim3A_404 : f32 to vector<16xf32>
    %swap3A_406 = arith.constant 896 : index
    %swap3A_407 = tpu.vector_load %arg9[%swap3A_406] {strides = array<i32>} : memref<1024xf32, #tpu.memory_space<vmem>>, vector<16xf32>,
    %swap3A_408 = vector.shape_cast %swap3A_407 : vector<16xf32> to vector<16xf32>
    %swap3A_409 = vector.shape_cast %broadcast_in_dim3A_405 : vector<16xf32> to vector<16xf32>
    tpu.vector_store %arg9[%swap3A_406], %swap3A_409 {strides = array<i32>} : memref<1024xf32, #tpu.memory_space<vmem>>, vector<16xf32>,
    %broadcast_in_dim3A_410 = arith.constant 0.000000e+00 : f32
    %broadcast_in_dim3A_411 = vector.broadcast %broadcast_in_dim3A_410 : f32 to vector<16xf32>
    %swap3A_412 = arith.constant 912 : index
    %swap3A_413 = tpu.vector_load %arg9[%swap3A_412] {strides = array<i32>} : memref<1024xf32, #tpu.memory_space<vmem>>, vector<16xf32>,
    %swap3A_414 = vector.shape_cast %swap3A_413 : vector<16xf32> to vector<16xf32>
    %swap3A_415 = vector.shape_cast %broadcast_in_dim3A_411 : vector<16xf32> to vector<16xf32>
    tpu.vector_store %arg9[%swap3A_412], %swap3A_415 {strides = array<i32>} : memref<1024xf32, #tpu.memory_space<vmem>>, vector<16xf32>,
    %broadcast_in_dim3A_416 = arith.constant 0.000000e+00 : f32
    %broadcast_in_dim3A_417 = vector.broadcast %broadcast_in_dim3A_416 : f32 to vector<16xf32>
    %swap3A_418 = arith.constant 928 : index
    %swap3A_419 = tpu.vector_load %arg9[%swap3A_418] {strides = array<i32>} : memref<1024xf32, #tpu.memory_space<vmem>>, vector<16xf32>,
    %swap3A_420 = vector.shape_cast %swap3A_419 : vector<16xf32> to vector<16xf32>
    %swap3A_421 = vector.shape_cast %broadcast_in_dim3A_417 : vector<16xf32> to vector<16xf32>
    tpu.vector_store %arg9[%swap3A_418], %swap3A_421 {strides = array<i32>} : memref<1024xf32, #tpu.memory_space<vmem>>, vector<16xf32>,
    %broadcast_in_dim3A_422 = arith.constant 0.000000e+00 : f32
    %broadcast_in_dim3A_423 = vector.broadcast %broadcast_in_dim3A_422 : f32 to vector<16xf32>
    %swap3A_424 = arith.constant 944 : index
    %swap3A_425 = tpu.vector_load %arg9[%swap3A_424] {strides = array<i32>} : memref<1024xf32, #tpu.memory_space<vmem>>, vector<16xf32>,
    %swap3A_426 = vector.shape_cast %swap3A_425 : vector<16xf32> to vector<16xf32>
    %swap3A_427 = vector.shape_cast %broadcast_in_dim3A_423 : vector<16xf32> to vector<16xf32>
    tpu.vector_store %arg9[%swap3A_424], %swap3A_427 {strides = array<i32>} : memref<1024xf32, #tpu.memory_space<vmem>>, vector<16xf32>,
    %broadcast_in_dim3A_428 = arith.constant 0.000000e+00 : f32
    %broadcast_in_dim3A_429 = vector.broadcast %broadcast_in_dim3A_428 : f32 to vector<16xf32>
    %swap3A_430 = arith.constant 960 : index
    %swap3A_431 = tpu.vector_load %arg9[%swap3A_430] {strides = array<i32>} : memref<1024xf32, #tpu.memory_space<vmem>>, vector<16xf32>,
    %swap3A_432 = vector.shape_cast %swap3A_431 : vector<16xf32> to vector<16xf32>
    %swap3A_433 = vector.shape_cast %broadcast_in_dim3A_429 : vector<16xf32> to vector<16xf32>
    tpu.vector_store %arg9[%swap3A_430], %swap3A_433 {strides = array<i32>} : memref<1024xf32, #tpu.memory_space<vmem>>, vector<16xf32>,
    %broadcast_in_dim3A_434 = arith.constant 0.000000e+00 : f32
    %broadcast_in_dim3A_435 = vector.broadcast %broadcast_in_dim3A_434 : f32 to vector<16xf32>
    %swap3A_436 = arith.constant 976 : index
    %swap3A_437 = tpu.vector_load %arg9[%swap3A_436] {strides = array<i32>} : memref<1024xf32, #tpu.memory_space<vmem>>, vector<16xf32>,
    %swap3A_438 = vector.shape_cast %swap3A_437 : vector<16xf32> to vector<16xf32>
    %swap3A_439 = vector.shape_cast %broadcast_in_dim3A_435 : vector<16xf32> to vector<16xf32>
    tpu.vector_store %arg9[%swap3A_436], %swap3A_439 {strides = array<i32>} : memref<1024xf32, #tpu.memory_space<vmem>>, vector<16xf32>,
    %broadcast_in_dim3A_440 = arith.constant 0.000000e+00 : f32
    %broadcast_in_dim3A_441 = vector.broadcast %broadcast_in_dim3A_440 : f32 to vector<16xf32>
    %swap3A_442 = arith.constant 992 : index
    %swap3A_443 = tpu.vector_load %arg9[%swap3A_442] {strides = array<i32>} : memref<1024xf32, #tpu.memory_space<vmem>>, vector<16xf32>,
    %swap3A_444 = vector.shape_cast %swap3A_443 : vector<16xf32> to vector<16xf32>
    %swap3A_445 = vector.shape_cast %broadcast_in_dim3A_441 : vector<16xf32> to vector<16xf32>
    tpu.vector_store %arg9[%swap3A_442], %swap3A_445 {strides = array<i32>} : memref<1024xf32, #tpu.memory_space<vmem>>, vector<16xf32>,
    %broadcast_in_dim3A_446 = arith.constant 0.000000e+00 : f32
    %broadcast_in_dim3A_447 = vector.broadcast %broadcast_in_dim3A_446 : f32 to vector<16xf32>
    %swap3A_448 = arith.constant 1008 : index
    %swap3A_449 = tpu.vector_load %arg9[%swap3A_448] {strides = array<i32>} : memref<1024xf32, #tpu.memory_space<vmem>>, vector<16xf32>,
    %swap3A_450 = vector.shape_cast %swap3A_449 : vector<16xf32> to vector<16xf32>
    %swap3A_451 = vector.shape_cast %broadcast_in_dim3A_447 : vector<16xf32> to vector<16xf32>
    tpu.vector_store %arg9[%swap3A_448], %swap3A_451 {strides = array<i32>} : memref<1024xf32, #tpu.memory_space<vmem>>, vector<16xf32>,
    %mul3A_452 = arith.constant 1024 : i32
    %mul3A_453 = arith.muli %arg1, %mul3A_452 : i32
    "tpu.region"() ({
      %run_scoped3A = tpu.sem_alloc : memref<!tpu.dma_semaphore, #tpu.memory_space<semaphore_mem>>
      %dma_start3A = tpu.memref_slice %arg4[%mul3A_453] : memref<16384xf32, #tpu.memory_space<vmem_shared>> -> memref<1024xf32, #tpu.memory_space<vmem_shared>>
      %dma_start3A_482 = tpu.memref_slice %arg4[%mul3A_453] : memref<16384xf32, #tpu.memory_space<vmem_shared>> -> memref<1024xf32, #tpu.memory_space<vmem_shared>>
      tpu.enqueue_dma source(%arg9 : memref<1024xf32, #tpu.memory_space<vmem>>) target(%dma_start3A_482 : memref<1024xf32, #tpu.memory_space<vmem_shared>>) target_semaphore(%run_scoped3A : memref<!tpu.dma_semaphore, #tpu.memory_space<semaphore_mem>>)
      %dma_wait3A = tpu.memref_slice %arg4[%mul3A_453] : memref<16384xf32, #tpu.memory_space<vmem_shared>> -> memref<1024xf32, #tpu.memory_space<vmem_shared>>
      %dma_wait3A_483 = tpu.memref_slice %arg4[%mul3A_453] : memref<16384xf32, #tpu.memory_space<vmem_shared>> -> memref<1024xf32, #tpu.memory_space<vmem_shared>>
      tpu.wait_dma2 semaphore(%run_scoped3A : memref<!tpu.dma_semaphore, #tpu.memory_space<semaphore_mem>>) src(%arg9 : memref<1024xf32, #tpu.memory_space<vmem>>) dst(%dma_wait3A_483 : memref<1024xf32, #tpu.memory_space<vmem_shared>>)
      tpu.yield
    }) : () -> ()
    %barrier3A = arith.constant 0 : index
    tpu.barrier barrier_id(%barrier3A)
    %scan3A_454 = arith.constant 0 : i32
    %scan3A_455 = arith.constant 0 : i32
    %scan3A_456 = arith.constant 78 : i32
    %scan3A_457 = arith.addi %scan3A_455, %scan3A_456 : i32
    %scan3A_458 = arith.constant 1 : i32
    scf.for %scan3A_482 = %scan3A_455 to %scan3A_457 step %scan3A_458  : i32 {
      %dma_start3A = arith.constant 0 : i32
      %dma_start3A_483 = tpu.memref_slice %arg5[%scan3A_482, %dma_start3A] : memref<78x128xi32, #tpu.memory_space<vmem>> -> memref<1x128xi32, #tpu.memory_space<vmem>>
      %dma_start3A_484 = tpu.memref_squeeze %dma_start3A_483 : memref<1x128xi32, #tpu.memory_space<vmem>> -> memref<128xi32, #tpu.memory_space<vmem>>
      %dma_start3A_485 = arith.constant 0 : i32
      %dma_start3A_486 = tpu.memref_slice %arg4[%dma_start3A_485] : memref<16384xf32, #tpu.memory_space<vmem_shared>> -> memref<16384xf32, #tpu.memory_space<vmem_shared>>
      tpu.enqueue_indirect_dma source(%arg6 : memref<128xf32, #tpu.memory_space<vmem>>) target(%dma_start3A_486 : memref<16384xf32, #tpu.memory_space<vmem_shared>>) offsets(%dma_start3A_484 : memref<128xi32, #tpu.memory_space<vmem>>) semaphore(%arg7 : memref<!tpu.dma_semaphore, #tpu.memory_space<semaphore_mem>>) {add = true}
    }
    %scan3A_459 = arith.constant 78 : i32
    %gt3A_460 = arith.constant 78 : i32
    %gt3A_461 = arith.cmpi sgt, %add3A_8, %gt3A_460 : i32
    %convert_element_type3A_462 = arith.extui %gt3A_461 : i1 to i32
    %cond3A_463 = arith.constant 0 : i32
    %cond3A_464 = arith.cmpi ne, %convert_element_type3A_462, %cond3A_463 : i32
    scf.if %cond3A_464 {
      %dma_start3A = arith.constant 0 : i32
      %dma_start3A_482 = tpu.memref_slice %arg4[%dma_start3A] : memref<16384xf32, #tpu.memory_space<vmem_shared>> -> memref<16384xf32, #tpu.memory_space<vmem_shared>>
      tpu.enqueue_indirect_dma source(%arg6 : memref<128xf32, #tpu.memory_space<vmem>>) target(%dma_start3A_482 : memref<16384xf32, #tpu.memory_space<vmem_shared>>) offsets(%arg8 : memref<128xi32, #tpu.memory_space<vmem>>) semaphore(%arg7 : memref<!tpu.dma_semaphore, #tpu.memory_space<semaphore_mem>>) {add = true}
    } else {
    }
    %while3A = arith.constant 0 : i32
    %while3A_465 = arith.constant 0 : i32
    %while3A_466 = arith.subi %add3A_8, %while3A_465 : i32
    %while3A_467 = arith.addi %while3A_465, %while3A_466 : i32
    %while3A_468 = arith.constant 1 : i32
    %while3A_469 = arith.divsi %while3A_466, %while3A_468 : i32
    %while3A_470 = arith.muli %while3A_469, %while3A_468 : i32
    %while3A_471 = arith.addi %while3A_465, %while3A_470 : i32
    %while3A_472 = arith.constant 1 : i32
    scf.for %while3A_482 = %while3A_465 to %while3A_471 step %while3A_472  : i32 {
      %dma_wait3A = arith.constant 0 : i32
      %dma_wait3A_483 = arith.constant 0 : i32
      %dma_wait3A_484 = tpu.memref_slice %arg5[%dma_wait3A, %dma_wait3A_483] : memref<78x128xi32, #tpu.memory_space<vmem>> -> memref<1x128xi32, #tpu.memory_space<vmem>>
      %dma_wait3A_485 = tpu.memref_squeeze %dma_wait3A_484 : memref<1x128xi32, #tpu.memory_space<vmem>> -> memref<128xi32, #tpu.memory_space<vmem>>
      %dma_wait3A_486 = arith.constant 0 : i32
      %dma_wait3A_487 = tpu.memref_slice %arg4[%dma_wait3A_486] : memref<16384xf32, #tpu.memory_space<vmem_shared>> -> memref<16384xf32, #tpu.memory_space<vmem_shared>>
      tpu.wait_indirect_dma semaphore(%arg7 : memref<!tpu.dma_semaphore, #tpu.memory_space<semaphore_mem>>) src(%arg6 : memref<128xf32, #tpu.memory_space<vmem>>) dst(%dma_wait3A_487 : memref<16384xf32, #tpu.memory_space<vmem_shared>>)
    }
    %while3A_473 = arith.constant 1 : i32
    scf.for %while3A_482 = %while3A_471 to %while3A_467 step %while3A_473  : i32 {
      %dma_wait3A = arith.constant 0 : i32
      %dma_wait3A_483 = arith.constant 0 : i32
      %dma_wait3A_484 = tpu.memref_slice %arg5[%dma_wait3A, %dma_wait3A_483] : memref<78x128xi32, #tpu.memory_space<vmem>> -> memref<1x128xi32, #tpu.memory_space<vmem>>
      %dma_wait3A_485 = tpu.memref_squeeze %dma_wait3A_484 : memref<1x128xi32, #tpu.memory_space<vmem>> -> memref<128xi32, #tpu.memory_space<vmem>>
      %dma_wait3A_486 = arith.constant 0 : i32
      %dma_wait3A_487 = tpu.memref_slice %arg4[%dma_wait3A_486] : memref<16384xf32, #tpu.memory_space<vmem_shared>> -> memref<16384xf32, #tpu.memory_space<vmem_shared>>
      tpu.wait_indirect_dma semaphore(%arg7 : memref<!tpu.dma_semaphore, #tpu.memory_space<semaphore_mem>>) src(%arg6 : memref<128xf32, #tpu.memory_space<vmem>>) dst(%dma_wait3A_487 : memref<16384xf32, #tpu.memory_space<vmem_shared>>)
    }
    %barrier3A_474 = arith.constant 0 : index
    tpu.barrier barrier_id(%barrier3A_474)
    %mul3A_475 = arith.constant 1024 : i32
    %mul3A_476 = arith.muli %arg1, %mul3A_475 : i32
    %mul3A_477 = arith.constant 16384 : i32
    %mul3A_478 = arith.muli %arg0, %mul3A_477 : i32
    %mul3A_479 = arith.constant 1024 : i32
    %mul3A_480 = arith.muli %arg1, %mul3A_479 : i32
    %add3A_481 = arith.addi %mul3A_478, %mul3A_480 : i32
    "tpu.region"() ({
      %run_scoped3A = tpu.sem_alloc : memref<!tpu.dma_semaphore, #tpu.memory_space<semaphore_mem>>
      %dma_start3A = tpu.memref_slice %arg3[%add3A_481] : memref<32768xf32, #tpu.memory_space<hbm>> -> memref<1024xf32, #tpu.memory_space<hbm>>
      %dma_start3A_482 = tpu.memref_slice %arg4[%mul3A_476] : memref<16384xf32, #tpu.memory_space<vmem_shared>> -> memref<1024xf32, #tpu.memory_space<vmem_shared>>
      tpu.enqueue_dma source(%dma_start3A_482 : memref<1024xf32, #tpu.memory_space<vmem_shared>>) target(%dma_start3A : memref<1024xf32, #tpu.memory_space<hbm>>) target_semaphore(%run_scoped3A : memref<!tpu.dma_semaphore, #tpu.memory_space<semaphore_mem>>)
      %dma_wait3A = tpu.memref_slice %arg3[%add3A_481] : memref<32768xf32, #tpu.memory_space<hbm>> -> memref<1024xf32, #tpu.memory_space<hbm>>
      %dma_wait3A_483 = tpu.memref_slice %arg4[%mul3A_476] : memref<16384xf32, #tpu.memory_space<vmem_shared>> -> memref<1024xf32, #tpu.memory_space<vmem_shared>>
      tpu.wait_dma2 semaphore(%run_scoped3A : memref<!tpu.dma_semaphore, #tpu.memory_space<semaphore_mem>>) src(%dma_wait3A_483 : memref<1024xf32, #tpu.memory_space<vmem_shared>>) dst(%dma_wait3A : memref<1024xf32, #tpu.memory_space<hbm>>)
      tpu.yield
    }) : () -> ()
    return
  }
}

#map = affine_map<(d0, d1) -> (0)>
#map1 = affine_map<(d0, d1) -> (0, 0)>
#map2 = affine_map<(d0, d1) -> (0, 0, 0)>
module attributes {stable_mosaic.version = 14 : i64} {
  func.func @_sc_scatter(%arg0: i32, %arg1: i32, %arg2: memref<640000xi32, #tpu.memory_space<hbm>>, %arg3: memref<10240x128xf32, #tpu.memory_space<hbm>>, %arg4: memref<2x10112x128xf32, #tpu.memory_space<hbm>>, %arg5: memref<10112x128xf32, #tpu.memory_space<vmem_shared>>, %arg6: memref<128xi32, #tpu.memory_space<vmem>>, %arg7: memref<128xi32, #tpu.memory_space<vmem>>, %arg8: memref<128xi32, #tpu.memory_space<vmem>>, %arg9: memref<128xi32, #tpu.memory_space<vmem>>, %arg10: memref<128x128xf32, #tpu.memory_space<vmem>>, %arg11: memref<128x128xf32, #tpu.memory_space<vmem>>, %arg12: memref<!tpu.dma_semaphore, #tpu.memory_space<semaphore_mem>>, %arg13: memref<!tpu.dma_semaphore, #tpu.memory_space<semaphore_mem>>, %arg14: memref<!tpu.dma_semaphore, #tpu.memory_space<semaphore_mem>>, %arg15: memref<!tpu.dma_semaphore, #tpu.memory_space<semaphore_mem>>, %arg16: memref<!tpu.dma_semaphore, #tpu.memory_space<semaphore_mem>>, %arg17: memref<!tpu.dma_semaphore, #tpu.memory_space<semaphore_mem>>) attributes {dimension_semantics = [#tpu.dimension_semantics<core_parallel>, #tpu.dimension_semantics<subcore_parallel>], iteration_bounds = array<i64: 2, 16>, scalar_prefetch = 0 : i64, scratch_operands = 13 : i64, tpu.core_type = #tpu.core_type<sc_vector_subcore>, window_params = [{transform_indices = #map}, {transform_indices = #map1}, {transform_indices = #map2}]} {
    %mul3A = arith.constant 16 : i32
    %mul3A_0 = arith.muli %arg0, %mul3A : i32
    %add3A = arith.addi %mul3A_0, %arg1 : i32
    %mul3A_1 = arith.constant 78 : i32
    %mul3A_2 = arith.muli %add3A, %mul3A_1 : i32
    %min3A = arith.constant 4 : i32
    %min3A_3 = arith.minsi %add3A, %min3A : i32
    %add3A_4 = arith.addi %mul3A_2, %min3A_3 : i32
    %lt3A = arith.constant 4 : i32
    %lt3A_5 = arith.cmpi slt, %add3A, %lt3A : i32
    %jit3A = arith.constant 1 : i32
    %jit3A_6 = arith.constant 0 : i32
    %select_n3A = arith.select %lt3A_5, %jit3A, %jit3A_6 : i32
    %add3A_7 = arith.constant 78 : i32
    %add3A_8 = arith.addi %add3A_7, %select_n3A : i32
    %scan3A = arith.constant 0 : i32
    %scan3A_9 = arith.constant 0 : i32
    %scan3A_10 = arith.constant 128 : i32
    %scan3A_11 = arith.addi %scan3A_9, %scan3A_10 : i32
    %scan3A_12 = arith.constant 1 : i32
    scf.for %scan3A_158 = %scan3A_9 to %scan3A_11 step %scan3A_12  : i32 {
      %broadcast_in_dim3A = arith.constant 0.000000e+00 : f32
      %broadcast_in_dim3A_159 = vector.broadcast %broadcast_in_dim3A : f32 to vector<16xf32>
      %swap3A = arith.index_cast %scan3A_158 : i32 to index
      %swap3A_160 = arith.constant 0 : index
      %swap3A_161 = tpu.vector_load %arg10[%swap3A, %swap3A_160] {strides = array<i32>} : memref<128x128xf32, #tpu.memory_space<vmem>>, vector<1x16xf32>,
      %swap3A_162 = vector.shape_cast %swap3A_161 : vector<1x16xf32> to vector<16xf32>
      %swap3A_163 = vector.shape_cast %broadcast_in_dim3A_159 : vector<16xf32> to vector<1x16xf32>
      tpu.vector_store %arg10[%swap3A, %swap3A_160], %swap3A_163 {strides = array<i32>} : memref<128x128xf32, #tpu.memory_space<vmem>>, vector<1x16xf32>,
      %broadcast_in_dim3A_164 = arith.constant 0.000000e+00 : f32
      %broadcast_in_dim3A_165 = vector.broadcast %broadcast_in_dim3A_164 : f32 to vector<16xf32>
      %swap3A_166 = arith.index_cast %scan3A_158 : i32 to index
      %swap3A_167 = arith.constant 16 : index
      %swap3A_168 = tpu.vector_load %arg10[%swap3A_166, %swap3A_167] {strides = array<i32>} : memref<128x128xf32, #tpu.memory_space<vmem>>, vector<1x16xf32>,
      %swap3A_169 = vector.shape_cast %swap3A_168 : vector<1x16xf32> to vector<16xf32>
      %swap3A_170 = vector.shape_cast %broadcast_in_dim3A_165 : vector<16xf32> to vector<1x16xf32>
      tpu.vector_store %arg10[%swap3A_166, %swap3A_167], %swap3A_170 {strides = array<i32>} : memref<128x128xf32, #tpu.memory_space<vmem>>, vector<1x16xf32>,
      %broadcast_in_dim3A_171 = arith.constant 0.000000e+00 : f32
      %broadcast_in_dim3A_172 = vector.broadcast %broadcast_in_dim3A_171 : f32 to vector<16xf32>
      %swap3A_173 = arith.index_cast %scan3A_158 : i32 to index
      %swap3A_174 = arith.constant 32 : index
      %swap3A_175 = tpu.vector_load %arg10[%swap3A_173, %swap3A_174] {strides = array<i32>} : memref<128x128xf32, #tpu.memory_space<vmem>>, vector<1x16xf32>,
      %swap3A_176 = vector.shape_cast %swap3A_175 : vector<1x16xf32> to vector<16xf32>
      %swap3A_177 = vector.shape_cast %broadcast_in_dim3A_172 : vector<16xf32> to vector<1x16xf32>
      tpu.vector_store %arg10[%swap3A_173, %swap3A_174], %swap3A_177 {strides = array<i32>} : memref<128x128xf32, #tpu.memory_space<vmem>>, vector<1x16xf32>,
      %broadcast_in_dim3A_178 = arith.constant 0.000000e+00 : f32
      %broadcast_in_dim3A_179 = vector.broadcast %broadcast_in_dim3A_178 : f32 to vector<16xf32>
      %swap3A_180 = arith.index_cast %scan3A_158 : i32 to index
      %swap3A_181 = arith.constant 48 : index
      %swap3A_182 = tpu.vector_load %arg10[%swap3A_180, %swap3A_181] {strides = array<i32>} : memref<128x128xf32, #tpu.memory_space<vmem>>, vector<1x16xf32>,
      %swap3A_183 = vector.shape_cast %swap3A_182 : vector<1x16xf32> to vector<16xf32>
      %swap3A_184 = vector.shape_cast %broadcast_in_dim3A_179 : vector<16xf32> to vector<1x16xf32>
      tpu.vector_store %arg10[%swap3A_180, %swap3A_181], %swap3A_184 {strides = array<i32>} : memref<128x128xf32, #tpu.memory_space<vmem>>, vector<1x16xf32>,
      %broadcast_in_dim3A_185 = arith.constant 0.000000e+00 : f32
      %broadcast_in_dim3A_186 = vector.broadcast %broadcast_in_dim3A_185 : f32 to vector<16xf32>
      %swap3A_187 = arith.index_cast %scan3A_158 : i32 to index
      %swap3A_188 = arith.constant 64 : index
      %swap3A_189 = tpu.vector_load %arg10[%swap3A_187, %swap3A_188] {strides = array<i32>} : memref<128x128xf32, #tpu.memory_space<vmem>>, vector<1x16xf32>,
      %swap3A_190 = vector.shape_cast %swap3A_189 : vector<1x16xf32> to vector<16xf32>
      %swap3A_191 = vector.shape_cast %broadcast_in_dim3A_186 : vector<16xf32> to vector<1x16xf32>
      tpu.vector_store %arg10[%swap3A_187, %swap3A_188], %swap3A_191 {strides = array<i32>} : memref<128x128xf32, #tpu.memory_space<vmem>>, vector<1x16xf32>,
      %broadcast_in_dim3A_192 = arith.constant 0.000000e+00 : f32
      %broadcast_in_dim3A_193 = vector.broadcast %broadcast_in_dim3A_192 : f32 to vector<16xf32>
      %swap3A_194 = arith.index_cast %scan3A_158 : i32 to index
      %swap3A_195 = arith.constant 80 : index
      %swap3A_196 = tpu.vector_load %arg10[%swap3A_194, %swap3A_195] {strides = array<i32>} : memref<128x128xf32, #tpu.memory_space<vmem>>, vector<1x16xf32>,
      %swap3A_197 = vector.shape_cast %swap3A_196 : vector<1x16xf32> to vector<16xf32>
      %swap3A_198 = vector.shape_cast %broadcast_in_dim3A_193 : vector<16xf32> to vector<1x16xf32>
      tpu.vector_store %arg10[%swap3A_194, %swap3A_195], %swap3A_198 {strides = array<i32>} : memref<128x128xf32, #tpu.memory_space<vmem>>, vector<1x16xf32>,
      %broadcast_in_dim3A_199 = arith.constant 0.000000e+00 : f32
      %broadcast_in_dim3A_200 = vector.broadcast %broadcast_in_dim3A_199 : f32 to vector<16xf32>
      %swap3A_201 = arith.index_cast %scan3A_158 : i32 to index
      %swap3A_202 = arith.constant 96 : index
      %swap3A_203 = tpu.vector_load %arg10[%swap3A_201, %swap3A_202] {strides = array<i32>} : memref<128x128xf32, #tpu.memory_space<vmem>>, vector<1x16xf32>,
      %swap3A_204 = vector.shape_cast %swap3A_203 : vector<1x16xf32> to vector<16xf32>
      %swap3A_205 = vector.shape_cast %broadcast_in_dim3A_200 : vector<16xf32> to vector<1x16xf32>
      tpu.vector_store %arg10[%swap3A_201, %swap3A_202], %swap3A_205 {strides = array<i32>} : memref<128x128xf32, #tpu.memory_space<vmem>>, vector<1x16xf32>,
      %broadcast_in_dim3A_206 = arith.constant 0.000000e+00 : f32
      %broadcast_in_dim3A_207 = vector.broadcast %broadcast_in_dim3A_206 : f32 to vector<16xf32>
      %swap3A_208 = arith.index_cast %scan3A_158 : i32 to index
      %swap3A_209 = arith.constant 112 : index
      %swap3A_210 = tpu.vector_load %arg10[%swap3A_208, %swap3A_209] {strides = array<i32>} : memref<128x128xf32, #tpu.memory_space<vmem>>, vector<1x16xf32>,
      %swap3A_211 = vector.shape_cast %swap3A_210 : vector<1x16xf32> to vector<16xf32>
      %swap3A_212 = vector.shape_cast %broadcast_in_dim3A_207 : vector<16xf32> to vector<1x16xf32>
      tpu.vector_store %arg10[%swap3A_208, %swap3A_209], %swap3A_212 {strides = array<i32>} : memref<128x128xf32, #tpu.memory_space<vmem>>, vector<1x16xf32>,
    }
    %scan3A_13 = arith.constant 128 : i32
    %mul3A_14 = arith.constant 632 : i32
    %mul3A_15 = arith.muli %arg1, %mul3A_14 : i32
    %add3A_16 = arith.constant 0 : i32
    %add3A_17 = arith.addi %mul3A_15, %add3A_16 : i32
    %dma_start3A = arith.constant 0 : i32
    %dma_start3A_18 = tpu.memref_slice %arg5[%add3A_17, %dma_start3A] : memref<10112x128xf32, #tpu.memory_space<vmem_shared>> -> memref<128x128xf32, #tpu.memory_space<vmem_shared>>
    %dma_start3A_19 = arith.constant 0 : i32
    %dma_start3A_20 = tpu.memref_slice %arg5[%add3A_17, %dma_start3A_19] : memref<10112x128xf32, #tpu.memory_space<vmem_shared>> -> memref<128x128xf32, #tpu.memory_space<vmem_shared>>
    tpu.enqueue_dma source(%arg10 : memref<128x128xf32, #tpu.memory_space<vmem>>) target(%dma_start3A_20 : memref<128x128xf32, #tpu.memory_space<vmem_shared>>) target_semaphore(%arg12 : memref<!tpu.dma_semaphore, #tpu.memory_space<semaphore_mem>>)
    %mul3A_21 = arith.constant 632 : i32
    %mul3A_22 = arith.muli %arg1, %mul3A_21 : i32
    %add3A_23 = arith.constant 128 : i32
    %add3A_24 = arith.addi %mul3A_22, %add3A_23 : i32
    %dma_start3A_25 = arith.constant 0 : i32
    %dma_start3A_26 = tpu.memref_slice %arg5[%add3A_24, %dma_start3A_25] : memref<10112x128xf32, #tpu.memory_space<vmem_shared>> -> memref<128x128xf32, #tpu.memory_space<vmem_shared>>
    %dma_start3A_27 = arith.constant 0 : i32
    %dma_start3A_28 = tpu.memref_slice %arg5[%add3A_24, %dma_start3A_27] : memref<10112x128xf32, #tpu.memory_space<vmem_shared>> -> memref<128x128xf32, #tpu.memory_space<vmem_shared>>
    tpu.enqueue_dma source(%arg10 : memref<128x128xf32, #tpu.memory_space<vmem>>) target(%dma_start3A_28 : memref<128x128xf32, #tpu.memory_space<vmem_shared>>) target_semaphore(%arg12 : memref<!tpu.dma_semaphore, #tpu.memory_space<semaphore_mem>>)
    %mul3A_29 = arith.constant 632 : i32
    %mul3A_30 = arith.muli %arg1, %mul3A_29 : i32
    %add3A_31 = arith.constant 256 : i32
    %add3A_32 = arith.addi %mul3A_30, %add3A_31 : i32
    %dma_start3A_33 = arith.constant 0 : i32
    %dma_start3A_34 = tpu.memref_slice %arg5[%add3A_32, %dma_start3A_33] : memref<10112x128xf32, #tpu.memory_space<vmem_shared>> -> memref<128x128xf32, #tpu.memory_space<vmem_shared>>
    %dma_start3A_35 = arith.constant 0 : i32
    %dma_start3A_36 = tpu.memref_slice %arg5[%add3A_32, %dma_start3A_35] : memref<10112x128xf32, #tpu.memory_space<vmem_shared>> -> memref<128x128xf32, #tpu.memory_space<vmem_shared>>
    tpu.enqueue_dma source(%arg10 : memref<128x128xf32, #tpu.memory_space<vmem>>) target(%dma_start3A_36 : memref<128x128xf32, #tpu.memory_space<vmem_shared>>) target_semaphore(%arg12 : memref<!tpu.dma_semaphore, #tpu.memory_space<semaphore_mem>>)
    %mul3A_37 = arith.constant 632 : i32
    %mul3A_38 = arith.muli %arg1, %mul3A_37 : i32
    %add3A_39 = arith.constant 384 : i32
    %add3A_40 = arith.addi %mul3A_38, %add3A_39 : i32
    %dma_start3A_41 = arith.constant 0 : i32
    %dma_start3A_42 = tpu.memref_slice %arg5[%add3A_40, %dma_start3A_41] : memref<10112x128xf32, #tpu.memory_space<vmem_shared>> -> memref<128x128xf32, #tpu.memory_space<vmem_shared>>
    %dma_start3A_43 = arith.constant 0 : i32
    %dma_start3A_44 = tpu.memref_slice %arg5[%add3A_40, %dma_start3A_43] : memref<10112x128xf32, #tpu.memory_space<vmem_shared>> -> memref<128x128xf32, #tpu.memory_space<vmem_shared>>
    tpu.enqueue_dma source(%arg10 : memref<128x128xf32, #tpu.memory_space<vmem>>) target(%dma_start3A_44 : memref<128x128xf32, #tpu.memory_space<vmem_shared>>) target_semaphore(%arg12 : memref<!tpu.dma_semaphore, #tpu.memory_space<semaphore_mem>>)
    %mul3A_45 = arith.constant 632 : i32
    %mul3A_46 = arith.muli %arg1, %mul3A_45 : i32
    %add3A_47 = arith.constant 512 : i32
    %add3A_48 = arith.addi %mul3A_46, %add3A_47 : i32
    %dma_start3A_49 = arith.constant 0 : i32
    %dma_start3A_50 = arith.constant 0 : i32
    %dma_start3A_51 = tpu.memref_slice %arg10[%dma_start3A_49, %dma_start3A_50] : memref<128x128xf32, #tpu.memory_space<vmem>> -> memref<120x128xf32, #tpu.memory_space<vmem>>
    %dma_start3A_52 = arith.constant 0 : i32
    %dma_start3A_53 = tpu.memref_slice %arg5[%add3A_48, %dma_start3A_52] : memref<10112x128xf32, #tpu.memory_space<vmem_shared>> -> memref<120x128xf32, #tpu.memory_space<vmem_shared>>
    %dma_start3A_54 = arith.constant 0 : i32
    %dma_start3A_55 = tpu.memref_slice %arg5[%add3A_48, %dma_start3A_54] : memref<10112x128xf32, #tpu.memory_space<vmem_shared>> -> memref<120x128xf32, #tpu.memory_space<vmem_shared>>
    %dma_start3A_56 = arith.constant 0 : i32
    %dma_start3A_57 = arith.constant 0 : i32
    %dma_start3A_58 = tpu.memref_slice %arg10[%dma_start3A_56, %dma_start3A_57] : memref<128x128xf32, #tpu.memory_space<vmem>> -> memref<120x128xf32, #tpu.memory_space<vmem>>
    tpu.enqueue_dma source(%dma_start3A_58 : memref<120x128xf32, #tpu.memory_space<vmem>>) target(%dma_start3A_55 : memref<120x128xf32, #tpu.memory_space<vmem_shared>>) target_semaphore(%arg13 : memref<!tpu.dma_semaphore, #tpu.memory_space<semaphore_mem>>)
    %mul3A_59 = arith.constant 632 : i32
    %mul3A_60 = arith.muli %arg1, %mul3A_59 : i32
    %dma_wait3A = arith.constant 0 : i32
    %dma_wait3A_61 = tpu.memref_slice %arg5[%mul3A_60, %dma_wait3A] : memref<10112x128xf32, #tpu.memory_space<vmem_shared>> -> memref<128x128xf32, #tpu.memory_space<vmem_shared>>
    %dma_wait3A_62 = arith.constant 0 : i32
    %dma_wait3A_63 = tpu.memref_slice %arg5[%mul3A_60, %dma_wait3A_62] : memref<10112x128xf32, #tpu.memory_space<vmem_shared>> -> memref<128x128xf32, #tpu.memory_space<vmem_shared>>
    tpu.wait_dma2 semaphore(%arg12 : memref<!tpu.dma_semaphore, #tpu.memory_space<semaphore_mem>>) src(%arg10 : memref<128x128xf32, #tpu.memory_space<vmem>>) dst(%dma_wait3A_63 : memref<128x128xf32, #tpu.memory_space<vmem_shared>>)
    %mul3A_64 = arith.constant 632 : i32
    %mul3A_65 = arith.muli %arg1, %mul3A_64 : i32
    %dma_wait3A_66 = arith.constant 0 : i32
    %dma_wait3A_67 = tpu.memref_slice %arg5[%mul3A_65, %dma_wait3A_66] : memref<10112x128xf32, #tpu.memory_space<vmem_shared>> -> memref<128x128xf32, #tpu.memory_space<vmem_shared>>
    %dma_wait3A_68 = arith.constant 0 : i32
    %dma_wait3A_69 = tpu.memref_slice %arg5[%mul3A_65, %dma_wait3A_68] : memref<10112x128xf32, #tpu.memory_space<vmem_shared>> -> memref<128x128xf32, #tpu.memory_space<vmem_shared>>
    tpu.wait_dma2 semaphore(%arg12 : memref<!tpu.dma_semaphore, #tpu.memory_space<semaphore_mem>>) src(%arg10 : memref<128x128xf32, #tpu.memory_space<vmem>>) dst(%dma_wait3A_69 : memref<128x128xf32, #tpu.memory_space<vmem_shared>>)
    %mul3A_70 = arith.constant 632 : i32
    %mul3A_71 = arith.muli %arg1, %mul3A_70 : i32
    %dma_wait3A_72 = arith.constant 0 : i32
    %dma_wait3A_73 = tpu.memref_slice %arg5[%mul3A_71, %dma_wait3A_72] : memref<10112x128xf32, #tpu.memory_space<vmem_shared>> -> memref<128x128xf32, #tpu.memory_space<vmem_shared>>
    %dma_wait3A_74 = arith.constant 0 : i32
    %dma_wait3A_75 = tpu.memref_slice %arg5[%mul3A_71, %dma_wait3A_74] : memref<10112x128xf32, #tpu.memory_space<vmem_shared>> -> memref<128x128xf32, #tpu.memory_space<vmem_shared>>
    tpu.wait_dma2 semaphore(%arg12 : memref<!tpu.dma_semaphore, #tpu.memory_space<semaphore_mem>>) src(%arg10 : memref<128x128xf32, #tpu.memory_space<vmem>>) dst(%dma_wait3A_75 : memref<128x128xf32, #tpu.memory_space<vmem_shared>>)
    %mul3A_76 = arith.constant 632 : i32
    %mul3A_77 = arith.muli %arg1, %mul3A_76 : i32
    %dma_wait3A_78 = arith.constant 0 : i32
    %dma_wait3A_79 = tpu.memref_slice %arg5[%mul3A_77, %dma_wait3A_78] : memref<10112x128xf32, #tpu.memory_space<vmem_shared>> -> memref<128x128xf32, #tpu.memory_space<vmem_shared>>
    %dma_wait3A_80 = arith.constant 0 : i32
    %dma_wait3A_81 = tpu.memref_slice %arg5[%mul3A_77, %dma_wait3A_80] : memref<10112x128xf32, #tpu.memory_space<vmem_shared>> -> memref<128x128xf32, #tpu.memory_space<vmem_shared>>
    tpu.wait_dma2 semaphore(%arg12 : memref<!tpu.dma_semaphore, #tpu.memory_space<semaphore_mem>>) src(%arg10 : memref<128x128xf32, #tpu.memory_space<vmem>>) dst(%dma_wait3A_81 : memref<128x128xf32, #tpu.memory_space<vmem_shared>>)
    %mul3A_82 = arith.constant 632 : i32
    %mul3A_83 = arith.muli %arg1, %mul3A_82 : i32
    %dma_wait3A_84 = arith.constant 0 : i32
    %dma_wait3A_85 = arith.constant 0 : i32
    %dma_wait3A_86 = tpu.memref_slice %arg10[%dma_wait3A_84, %dma_wait3A_85] : memref<128x128xf32, #tpu.memory_space<vmem>> -> memref<120x128xf32, #tpu.memory_space<vmem>>
    %dma_wait3A_87 = arith.constant 0 : i32
    %dma_wait3A_88 = tpu.memref_slice %arg5[%mul3A_83, %dma_wait3A_87] : memref<10112x128xf32, #tpu.memory_space<vmem_shared>> -> memref<120x128xf32, #tpu.memory_space<vmem_shared>>
    %dma_wait3A_89 = arith.constant 0 : i32
    %dma_wait3A_90 = tpu.memref_slice %arg5[%mul3A_83, %dma_wait3A_89] : memref<10112x128xf32, #tpu.memory_space<vmem_shared>> -> memref<120x128xf32, #tpu.memory_space<vmem_shared>>
    %dma_wait3A_91 = arith.constant 0 : i32
    %dma_wait3A_92 = arith.constant 0 : i32
    %dma_wait3A_93 = tpu.memref_slice %arg10[%dma_wait3A_91, %dma_wait3A_92] : memref<128x128xf32, #tpu.memory_space<vmem>> -> memref<120x128xf32, #tpu.memory_space<vmem>>
    tpu.wait_dma2 semaphore(%arg13 : memref<!tpu.dma_semaphore, #tpu.memory_space<semaphore_mem>>) src(%dma_wait3A_93 : memref<120x128xf32, #tpu.memory_space<vmem>>) dst(%dma_wait3A_90 : memref<120x128xf32, #tpu.memory_space<vmem_shared>>)
    %barrier3A = arith.constant 0 : index
    tpu.barrier barrier_id(%barrier3A)
    %add3A_94 = arith.constant 0 : i32
    %add3A_95 = arith.addi %add3A_4, %add3A_94 : i32
    %mul3A_96 = arith.constant 128 : i32
    %mul3A_97 = arith.muli %add3A_95, %mul3A_96 : i32
    %multiple_of3A = tpu.assume_multiple %mul3A_97, 8 : i32
    %dma_start3A_98 = tpu.memref_slice %arg2[%multiple_of3A] : memref<640000xi32, #tpu.memory_space<hbm>> -> memref<128xi32, #tpu.memory_space<hbm>>
    %dma_start3A_99 = tpu.memref_slice %arg2[%multiple_of3A] : memref<640000xi32, #tpu.memory_space<hbm>> -> memref<128xi32, #tpu.memory_space<hbm>>
    tpu.enqueue_dma source(%dma_start3A_99 : memref<128xi32, #tpu.memory_space<hbm>>) target(%arg7 : memref<128xi32, #tpu.memory_space<vmem>>) target_semaphore(%arg15 : memref<!tpu.dma_semaphore, #tpu.memory_space<semaphore_mem>>)
    %add3A_100 = arith.constant 1 : i32
    %add3A_101 = arith.addi %add3A_4, %add3A_100 : i32
    %mul3A_102 = arith.constant 128 : i32
    %mul3A_103 = arith.muli %add3A_101, %mul3A_102 : i32
    %multiple_of3A_104 = tpu.assume_multiple %mul3A_103, 8 : i32
    %dma_start3A_105 = tpu.memref_slice %arg2[%multiple_of3A_104] : memref<640000xi32, #tpu.memory_space<hbm>> -> memref<128xi32, #tpu.memory_space<hbm>>
    %dma_start3A_106 = tpu.memref_slice %arg2[%multiple_of3A_104] : memref<640000xi32, #tpu.memory_space<hbm>> -> memref<128xi32, #tpu.memory_space<hbm>>
    tpu.enqueue_dma source(%dma_start3A_106 : memref<128xi32, #tpu.memory_space<hbm>>) target(%arg9 : memref<128xi32, #tpu.memory_space<vmem>>) target_semaphore(%arg17 : memref<!tpu.dma_semaphore, #tpu.memory_space<semaphore_mem>>)
    %add3A_107 = arith.constant 0 : i32
    %add3A_108 = arith.addi %add3A_4, %add3A_107 : i32
    %mul3A_109 = arith.constant 128 : i32
    %mul3A_110 = arith.muli %add3A_108, %mul3A_109 : i32
    %add3A_111 = arith.constant 320000 : i32
    %add3A_112 = arith.addi %add3A_111, %mul3A_110 : i32
    %multiple_of3A_113 = tpu.assume_multiple %add3A_112, 8 : i32
    %dma_start3A_114 = tpu.memref_slice %arg2[%multiple_of3A_113] : memref<640000xi32, #tpu.memory_space<hbm>> -> memref<128xi32, #tpu.memory_space<hbm>>
    %dma_start3A_115 = tpu.memref_slice %arg2[%multiple_of3A_113] : memref<640000xi32, #tpu.memory_space<hbm>> -> memref<128xi32, #tpu.memory_space<hbm>>
    tpu.enqueue_dma source(%dma_start3A_115 : memref<128xi32, #tpu.memory_space<hbm>>) target(%arg6 : memref<128xi32, #tpu.memory_space<vmem>>) target_semaphore(%arg14 : memref<!tpu.dma_semaphore, #tpu.memory_space<semaphore_mem>>)
    %add3A_116 = arith.constant 1 : i32
    %add3A_117 = arith.addi %add3A_4, %add3A_116 : i32
    %mul3A_118 = arith.constant 128 : i32
    %mul3A_119 = arith.muli %add3A_117, %mul3A_118 : i32
    %add3A_120 = arith.constant 320000 : i32
    %add3A_121 = arith.addi %add3A_120, %mul3A_119 : i32
    %multiple_of3A_122 = tpu.assume_multiple %add3A_121, 8 : i32
    %dma_start3A_123 = tpu.memref_slice %arg2[%multiple_of3A_122] : memref<640000xi32, #tpu.memory_space<hbm>> -> memref<128xi32, #tpu.memory_space<hbm>>
    %dma_start3A_124 = tpu.memref_slice %arg2[%multiple_of3A_122] : memref<640000xi32, #tpu.memory_space<hbm>> -> memref<128xi32, #tpu.memory_space<hbm>>
    tpu.enqueue_dma source(%dma_start3A_124 : memref<128xi32, #tpu.memory_space<hbm>>) target(%arg8 : memref<128xi32, #tpu.memory_space<vmem>>) target_semaphore(%arg16 : memref<!tpu.dma_semaphore, #tpu.memory_space<semaphore_mem>>)
    %add3A_125 = arith.constant 0 : i32
    %add3A_126 = arith.addi %add3A_4, %add3A_125 : i32
    %mul3A_127 = arith.constant 128 : i32
    %mul3A_128 = arith.muli %add3A_126, %mul3A_127 : i32
    %multiple_of3A_129 = tpu.assume_multiple %mul3A_128, 8 : i32
    %dma_wait3A_130 = tpu.memref_slice %arg2[%multiple_of3A_129] : memref<640000xi32, #tpu.memory_space<hbm>> -> memref<128xi32, #tpu.memory_space<hbm>>
    %dma_wait3A_131 = tpu.memref_slice %arg2[%multiple_of3A_129] : memref<640000xi32, #tpu.memory_space<hbm>> -> memref<128xi32, #tpu.memory_space<hbm>>
    tpu.wait_dma2 semaphore(%arg15 : memref<!tpu.dma_semaphore, #tpu.memory_space<semaphore_mem>>) src(%dma_wait3A_131 : memref<128xi32, #tpu.memory_space<hbm>>) dst(%arg7 : memref<128xi32, #tpu.memory_space<vmem>>)
    %dma_start3A_132 = arith.constant 0 : i32
    %dma_start3A_133 = arith.constant 0 : i32
    %dma_start3A_134 = tpu.memref_slice %arg3[%dma_start3A_132, %dma_start3A_133] : memref<10240x128xf32, #tpu.memory_space<hbm>> -> memref<10240x128xf32, #tpu.memory_space<hbm>>
    tpu.enqueue_indirect_dma source(%dma_start3A_134 : memref<10240x128xf32, #tpu.memory_space<hbm>>) target(%arg10 : memref<128x128xf32, #tpu.memory_space<vmem>>) offsets(%arg7 : memref<128xi32, #tpu.memory_space<vmem>>) semaphore(%arg12 : memref<!tpu.dma_semaphore, #tpu.memory_space<semaphore_mem>>)
    %add3A_135 = arith.constant 1 : i32
    %add3A_136 = arith.addi %add3A_4, %add3A_135 : i32
    %mul3A_137 = arith.constant 128 : i32
    %mul3A_138 = arith.muli %add3A_136, %mul3A_137 : i32
    %multiple_of3A_139 = tpu.assume_multiple %mul3A_138, 8 : i32
    %dma_wait3A_140 = tpu.memref_slice %arg2[%multiple_of3A_139] : memref<640000xi32, #tpu.memory_space<hbm>> -> memref<128xi32, #tpu.memory_space<hbm>>
    %dma_wait3A_141 = tpu.memref_slice %arg2[%multiple_of3A_139] : memref<640000xi32, #tpu.memory_space<hbm>> -> memref<128xi32, #tpu.memory_space<hbm>>
    tpu.wait_dma2 semaphore(%arg17 : memref<!tpu.dma_semaphore, #tpu.memory_space<semaphore_mem>>) src(%dma_wait3A_141 : memref<128xi32, #tpu.memory_space<hbm>>) dst(%arg9 : memref<128xi32, #tpu.memory_space<vmem>>)
    %dma_start3A_142 = arith.constant 0 : i32
    %dma_start3A_143 = arith.constant 0 : i32
    %dma_start3A_144 = tpu.memref_slice %arg3[%dma_start3A_142, %dma_start3A_143] : memref<10240x128xf32, #tpu.memory_space<hbm>> -> memref<10240x128xf32, #tpu.memory_space<hbm>>
    tpu.enqueue_indirect_dma source(%dma_start3A_144 : memref<10240x128xf32, #tpu.memory_space<hbm>>) target(%arg11 : memref<128x128xf32, #tpu.memory_space<vmem>>) offsets(%arg9 : memref<128xi32, #tpu.memory_space<vmem>>) semaphore(%arg13 : memref<!tpu.dma_semaphore, #tpu.memory_space<semaphore_mem>>)
    %scan3A_145 = arith.constant 0 : i32
    %scan3A_146 = arith.constant 0 : i32
    %scan3A_147 = arith.constant 39 : i32
    %scan3A_148 = arith.addi %scan3A_146, %scan3A_147 : i32
    %scan3A_149 = arith.constant 1 : i32
    scf.for %scan3A_158 = %scan3A_146 to %scan3A_148 step %scan3A_149  : i32 {
      %mul3A_159 = arith.constant 2 : i32
      %mul3A_160 = arith.muli %mul3A_159, %scan3A_158 : i32
      %dma_wait3A_161 = arith.constant 0 : i32
      %dma_wait3A_162 = arith.constant 0 : i32
      %dma_wait3A_163 = tpu.memref_slice %arg3[%dma_wait3A_161, %dma_wait3A_162] : memref<10240x128xf32, #tpu.memory_space<hbm>> -> memref<10240x128xf32, #tpu.memory_space<hbm>>
      tpu.wait_indirect_dma semaphore(%arg12 : memref<!tpu.dma_semaphore, #tpu.memory_space<semaphore_mem>>) src(%dma_wait3A_163 : memref<10240x128xf32, #tpu.memory_space<hbm>>) dst(%arg10 : memref<128x128xf32, #tpu.memory_space<vmem>>)
      %add3A_164 = arith.constant 0 : i32
      %add3A_165 = arith.addi %add3A_4, %add3A_164 : i32
      %mul3A_166 = arith.constant 128 : i32
      %mul3A_167 = arith.muli %add3A_165, %mul3A_166 : i32
      %add3A_168 = arith.constant 320000 : i32
      %add3A_169 = arith.addi %add3A_168, %mul3A_167 : i32
      %multiple_of3A_170 = tpu.assume_multiple %add3A_169, 8 : i32
      %dma_wait3A_171 = tpu.memref_slice %arg2[%multiple_of3A_170] : memref<640000xi32, #tpu.memory_space<hbm>> -> memref<128xi32, #tpu.memory_space<hbm>>
      %dma_wait3A_172 = tpu.memref_slice %arg2[%multiple_of3A_170] : memref<640000xi32, #tpu.memory_space<hbm>> -> memref<128xi32, #tpu.memory_space<hbm>>
      tpu.wait_dma2 semaphore(%arg14 : memref<!tpu.dma_semaphore, #tpu.memory_space<semaphore_mem>>) src(%dma_wait3A_172 : memref<128xi32, #tpu.memory_space<hbm>>) dst(%arg6 : memref<128xi32, #tpu.memory_space<vmem>>)
      %add3A_173 = arith.constant 2 : i32
      %add3A_174 = arith.addi %mul3A_160, %add3A_173 : i32
      %lt3A_175 = arith.cmpi slt, %add3A_174, %add3A_8 : i32
      %convert_element_type3A_176 = arith.extui %lt3A_175 : i1 to i32
      %cond3A_177 = arith.constant 0 : i32
      %cond3A_178 = arith.cmpi ne, %convert_element_type3A_176, %cond3A_177 : i32
      scf.if %cond3A_178 {
        %add3A_209 = arith.constant 2 : i32
        %add3A_210 = arith.addi %mul3A_160, %add3A_209 : i32
        %add3A_211 = arith.addi %add3A_4, %add3A_210 : i32
        %mul3A_212 = arith.constant 128 : i32
        %mul3A_213 = arith.muli %add3A_211, %mul3A_212 : i32
        %multiple_of3A_214 = tpu.assume_multiple %mul3A_213, 8 : i32
        %dma_start3A_215 = tpu.memref_slice %arg2[%multiple_of3A_214] : memref<640000xi32, #tpu.memory_space<hbm>> -> memref<128xi32, #tpu.memory_space<hbm>>
        %dma_start3A_216 = tpu.memref_slice %arg2[%multiple_of3A_214] : memref<640000xi32, #tpu.memory_space<hbm>> -> memref<128xi32, #tpu.memory_space<hbm>>
        tpu.enqueue_dma source(%dma_start3A_216 : memref<128xi32, #tpu.memory_space<hbm>>) target(%arg7 : memref<128xi32, #tpu.memory_space<vmem>>) target_semaphore(%arg15 : memref<!tpu.dma_semaphore, #tpu.memory_space<semaphore_mem>>)
      } else {
      }
      "tpu.region"() ({
        %run_scoped3A = tpu.sem_alloc : memref<!tpu.dma_semaphore, #tpu.memory_space<semaphore_mem>>
        %dma_start3A_209 = arith.constant 0 : i32
        %dma_start3A_210 = arith.constant 0 : i32
        %dma_start3A_211 = tpu.memref_slice %arg5[%dma_start3A_209, %dma_start3A_210] : memref<10112x128xf32, #tpu.memory_space<vmem_shared>> -> memref<10112x128xf32, #tpu.memory_space<vmem_shared>>
        tpu.enqueue_indirect_dma source(%arg10 : memref<128x128xf32, #tpu.memory_space<vmem>>) target(%dma_start3A_211 : memref<10112x128xf32, #tpu.memory_space<vmem_shared>>) offsets(%arg6 : memref<128xi32, #tpu.memory_space<vmem>>) semaphore(%run_scoped3A : memref<!tpu.dma_semaphore, #tpu.memory_space<semaphore_mem>>) {add = true}
        %dma_wait3A_212 = arith.constant 0 : i32
        %dma_wait3A_213 = arith.constant 0 : i32
        %dma_wait3A_214 = tpu.memref_slice %arg5[%dma_wait3A_212, %dma_wait3A_213] : memref<10112x128xf32, #tpu.memory_space<vmem_shared>> -> memref<10112x128xf32, #tpu.memory_space<vmem_shared>>
        tpu.wait_indirect_dma semaphore(%run_scoped3A : memref<!tpu.dma_semaphore, #tpu.memory_space<semaphore_mem>>) src(%arg10 : memref<128x128xf32, #tpu.memory_space<vmem>>) dst(%dma_wait3A_214 : memref<10112x128xf32, #tpu.memory_space<vmem_shared>>)
        tpu.yield
      }) : () -> ()
      %add3A_179 = arith.constant 2 : i32
      %add3A_180 = arith.addi %mul3A_160, %add3A_179 : i32
      %lt3A_181 = arith.cmpi slt, %add3A_180, %add3A_8 : i32
      %convert_element_type3A_182 = arith.extui %lt3A_181 : i1 to i32
      %cond3A_183 = arith.constant 0 : i32
      %cond3A_184 = arith.cmpi ne, %convert_element_type3A_182, %cond3A_183 : i32
      scf.if %cond3A_184 {
        %add3A_209 = arith.constant 2 : i32
        %add3A_210 = arith.addi %mul3A_160, %add3A_209 : i32
        %add3A_211 = arith.addi %add3A_4, %add3A_210 : i32
        %mul3A_212 = arith.constant 128 : i32
        %mul3A_213 = arith.muli %add3A_211, %mul3A_212 : i32
        %add3A_214 = arith.constant 320000 : i32
        %add3A_215 = arith.addi %add3A_214, %mul3A_213 : i32
        %multiple_of3A_216 = tpu.assume_multiple %add3A_215, 8 : i32
        %dma_start3A_217 = tpu.memref_slice %arg2[%multiple_of3A_216] : memref<640000xi32, #tpu.memory_space<hbm>> -> memref<128xi32, #tpu.memory_space<hbm>>
        %dma_start3A_218 = tpu.memref_slice %arg2[%multiple_of3A_216] : memref<640000xi32, #tpu.memory_space<hbm>> -> memref<128xi32, #tpu.memory_space<hbm>>
        tpu.enqueue_dma source(%dma_start3A_218 : memref<128xi32, #tpu.memory_space<hbm>>) target(%arg6 : memref<128xi32, #tpu.memory_space<vmem>>) target_semaphore(%arg14 : memref<!tpu.dma_semaphore, #tpu.memory_space<semaphore_mem>>)
        %add3A_219 = arith.constant 0 : i32
        %add3A_220 = arith.addi %add3A_4, %add3A_219 : i32
        %mul3A_221 = arith.constant 128 : i32
        %mul3A_222 = arith.muli %add3A_220, %mul3A_221 : i32
        %multiple_of3A_223 = tpu.assume_multiple %mul3A_222, 8 : i32
        %dma_wait3A_224 = tpu.memref_slice %arg2[%multiple_of3A_223] : memref<640000xi32, #tpu.memory_space<hbm>> -> memref<128xi32, #tpu.memory_space<hbm>>
        %dma_wait3A_225 = tpu.memref_slice %arg2[%multiple_of3A_223] : memref<640000xi32, #tpu.memory_space<hbm>> -> memref<128xi32, #tpu.memory_space<hbm>>
        tpu.wait_dma2 semaphore(%arg15 : memref<!tpu.dma_semaphore, #tpu.memory_space<semaphore_mem>>) src(%dma_wait3A_225 : memref<128xi32, #tpu.memory_space<hbm>>) dst(%arg7 : memref<128xi32, #tpu.memory_space<vmem>>)
        %dma_start3A_226 = arith.constant 0 : i32
        %dma_start3A_227 = arith.constant 0 : i32
        %dma_start3A_228 = tpu.memref_slice %arg3[%dma_start3A_226, %dma_start3A_227] : memref<10240x128xf32, #tpu.memory_space<hbm>> -> memref<10240x128xf32, #tpu.memory_space<hbm>>
        tpu.enqueue_indirect_dma source(%dma_start3A_228 : memref<10240x128xf32, #tpu.memory_space<hbm>>) target(%arg10 : memref<128x128xf32, #tpu.memory_space<vmem>>) offsets(%arg7 : memref<128xi32, #tpu.memory_space<vmem>>) semaphore(%arg12 : memref<!tpu.dma_semaphore, #tpu.memory_space<semaphore_mem>>)
      } else {
      }
      %dma_wait3A_185 = arith.constant 0 : i32
      %dma_wait3A_186 = arith.constant 0 : i32
      %dma_wait3A_187 = tpu.memref_slice %arg3[%dma_wait3A_185, %dma_wait3A_186] : memref<10240x128xf32, #tpu.memory_space<hbm>> -> memref<10240x128xf32, #tpu.memory_space<hbm>>
      tpu.wait_indirect_dma semaphore(%arg13 : memref<!tpu.dma_semaphore, #tpu.memory_space<semaphore_mem>>) src(%dma_wait3A_187 : memref<10240x128xf32, #tpu.memory_space<hbm>>) dst(%arg11 : memref<128x128xf32, #tpu.memory_space<vmem>>)
      %add3A_188 = arith.constant 1 : i32
      %add3A_189 = arith.addi %add3A_4, %add3A_188 : i32
      %mul3A_190 = arith.constant 128 : i32
      %mul3A_191 = arith.muli %add3A_189, %mul3A_190 : i32
      %add3A_192 = arith.constant 320000 : i32
      %add3A_193 = arith.addi %add3A_192, %mul3A_191 : i32
      %multiple_of3A_194 = tpu.assume_multiple %add3A_193, 8 : i32
      %dma_wait3A_195 = tpu.memref_slice %arg2[%multiple_of3A_194] : memref<640000xi32, #tpu.memory_space<hbm>> -> memref<128xi32, #tpu.memory_space<hbm>>
      %dma_wait3A_196 = tpu.memref_slice %arg2[%multiple_of3A_194] : memref<640000xi32, #tpu.memory_space<hbm>> -> memref<128xi32, #tpu.memory_space<hbm>>
      tpu.wait_dma2 semaphore(%arg16 : memref<!tpu.dma_semaphore, #tpu.memory_space<semaphore_mem>>) src(%dma_wait3A_196 : memref<128xi32, #tpu.memory_space<hbm>>) dst(%arg8 : memref<128xi32, #tpu.memory_space<vmem>>)
      %add3A_197 = arith.constant 3 : i32
      %add3A_198 = arith.addi %mul3A_160, %add3A_197 : i32
      %lt3A_199 = arith.cmpi slt, %add3A_198, %add3A_8 : i32
      %convert_element_type3A_200 = arith.extui %lt3A_199 : i1 to i32
      %cond3A_201 = arith.constant 0 : i32
      %cond3A_202 = arith.cmpi ne, %convert_element_type3A_200, %cond3A_201 : i32
      scf.if %cond3A_202 {
        %add3A_209 = arith.constant 3 : i32
        %add3A_210 = arith.addi %mul3A_160, %add3A_209 : i32
        %add3A_211 = arith.addi %add3A_4, %add3A_210 : i32
        %mul3A_212 = arith.constant 128 : i32
        %mul3A_213 = arith.muli %add3A_211, %mul3A_212 : i32
        %multiple_of3A_214 = tpu.assume_multiple %mul3A_213, 8 : i32
        %dma_start3A_215 = tpu.memref_slice %arg2[%multiple_of3A_214] : memref<640000xi32, #tpu.memory_space<hbm>> -> memref<128xi32, #tpu.memory_space<hbm>>
        %dma_start3A_216 = tpu.memref_slice %arg2[%multiple_of3A_214] : memref<640000xi32, #tpu.memory_space<hbm>> -> memref<128xi32, #tpu.memory_space<hbm>>
        tpu.enqueue_dma source(%dma_start3A_216 : memref<128xi32, #tpu.memory_space<hbm>>) target(%arg9 : memref<128xi32, #tpu.memory_space<vmem>>) target_semaphore(%arg17 : memref<!tpu.dma_semaphore, #tpu.memory_space<semaphore_mem>>)
      } else {
      }
      "tpu.region"() ({
        %run_scoped3A = tpu.sem_alloc : memref<!tpu.dma_semaphore, #tpu.memory_space<semaphore_mem>>
        %dma_start3A_209 = arith.constant 0 : i32
        %dma_start3A_210 = arith.constant 0 : i32
        %dma_start3A_211 = tpu.memref_slice %arg5[%dma_start3A_209, %dma_start3A_210] : memref<10112x128xf32, #tpu.memory_space<vmem_shared>> -> memref<10112x128xf32, #tpu.memory_space<vmem_shared>>
        tpu.enqueue_indirect_dma source(%arg11 : memref<128x128xf32, #tpu.memory_space<vmem>>) target(%dma_start3A_211 : memref<10112x128xf32, #tpu.memory_space<vmem_shared>>) offsets(%arg8 : memref<128xi32, #tpu.memory_space<vmem>>) semaphore(%run_scoped3A : memref<!tpu.dma_semaphore, #tpu.memory_space<semaphore_mem>>) {add = true}
        %dma_wait3A_212 = arith.constant 0 : i32
        %dma_wait3A_213 = arith.constant 0 : i32
        %dma_wait3A_214 = tpu.memref_slice %arg5[%dma_wait3A_212, %dma_wait3A_213] : memref<10112x128xf32, #tpu.memory_space<vmem_shared>> -> memref<10112x128xf32, #tpu.memory_space<vmem_shared>>
        tpu.wait_indirect_dma semaphore(%run_scoped3A : memref<!tpu.dma_semaphore, #tpu.memory_space<semaphore_mem>>) src(%arg11 : memref<128x128xf32, #tpu.memory_space<vmem>>) dst(%dma_wait3A_214 : memref<10112x128xf32, #tpu.memory_space<vmem_shared>>)
        tpu.yield
      }) : () -> ()
      %add3A_203 = arith.constant 3 : i32
      %add3A_204 = arith.addi %mul3A_160, %add3A_203 : i32
      %lt3A_205 = arith.cmpi slt, %add3A_204, %add3A_8 : i32
      %convert_element_type3A_206 = arith.extui %lt3A_205 : i1 to i32
      %cond3A_207 = arith.constant 0 : i32
      %cond3A_208 = arith.cmpi ne, %convert_element_type3A_206, %cond3A_207 : i32
      scf.if %cond3A_208 {
        %add3A_209 = arith.constant 3 : i32
        %add3A_210 = arith.addi %mul3A_160, %add3A_209 : i32
        %add3A_211 = arith.addi %add3A_4, %add3A_210 : i32
        %mul3A_212 = arith.constant 128 : i32
        %mul3A_213 = arith.muli %add3A_211, %mul3A_212 : i32
        %add3A_214 = arith.constant 320000 : i32
        %add3A_215 = arith.addi %add3A_214, %mul3A_213 : i32
        %multiple_of3A_216 = tpu.assume_multiple %add3A_215, 8 : i32
        %dma_start3A_217 = tpu.memref_slice %arg2[%multiple_of3A_216] : memref<640000xi32, #tpu.memory_space<hbm>> -> memref<128xi32, #tpu.memory_space<hbm>>
        %dma_start3A_218 = tpu.memref_slice %arg2[%multiple_of3A_216] : memref<640000xi32, #tpu.memory_space<hbm>> -> memref<128xi32, #tpu.memory_space<hbm>>
        tpu.enqueue_dma source(%dma_start3A_218 : memref<128xi32, #tpu.memory_space<hbm>>) target(%arg8 : memref<128xi32, #tpu.memory_space<vmem>>) target_semaphore(%arg16 : memref<!tpu.dma_semaphore, #tpu.memory_space<semaphore_mem>>)
        %add3A_219 = arith.constant 0 : i32
        %add3A_220 = arith.addi %add3A_4, %add3A_219 : i32
        %mul3A_221 = arith.constant 128 : i32
        %mul3A_222 = arith.muli %add3A_220, %mul3A_221 : i32
        %multiple_of3A_223 = tpu.assume_multiple %mul3A_222, 8 : i32
        %dma_wait3A_224 = tpu.memref_slice %arg2[%multiple_of3A_223] : memref<640000xi32, #tpu.memory_space<hbm>> -> memref<128xi32, #tpu.memory_space<hbm>>
        %dma_wait3A_225 = tpu.memref_slice %arg2[%multiple_of3A_223] : memref<640000xi32, #tpu.memory_space<hbm>> -> memref<128xi32, #tpu.memory_space<hbm>>
        tpu.wait_dma2 semaphore(%arg17 : memref<!tpu.dma_semaphore, #tpu.memory_space<semaphore_mem>>) src(%dma_wait3A_225 : memref<128xi32, #tpu.memory_space<hbm>>) dst(%arg9 : memref<128xi32, #tpu.memory_space<vmem>>)
        %dma_start3A_226 = arith.constant 0 : i32
        %dma_start3A_227 = arith.constant 0 : i32
        %dma_start3A_228 = tpu.memref_slice %arg3[%dma_start3A_226, %dma_start3A_227] : memref<10240x128xf32, #tpu.memory_space<hbm>> -> memref<10240x128xf32, #tpu.memory_space<hbm>>
        tpu.enqueue_indirect_dma source(%dma_start3A_228 : memref<10240x128xf32, #tpu.memory_space<hbm>>) target(%arg11 : memref<128x128xf32, #tpu.memory_space<vmem>>) offsets(%arg9 : memref<128xi32, #tpu.memory_space<vmem>>) semaphore(%arg13 : memref<!tpu.dma_semaphore, #tpu.memory_space<semaphore_mem>>)
      } else {
      }
    }
    %scan3A_150 = arith.constant 39 : i32
    %gt3A = arith.constant 78 : i32
    %gt3A_151 = arith.cmpi sgt, %add3A_8, %gt3A : i32
    %convert_element_type3A = arith.extui %gt3A_151 : i1 to i32
    %cond3A = arith.constant 0 : i32
    %cond3A_152 = arith.cmpi ne, %convert_element_type3A, %cond3A : i32
    scf.if %cond3A_152 {
      %dma_wait3A_158 = arith.constant 0 : i32
      %dma_wait3A_159 = arith.constant 0 : i32
      %dma_wait3A_160 = tpu.memref_slice %arg3[%dma_wait3A_158, %dma_wait3A_159] : memref<10240x128xf32, #tpu.memory_space<hbm>> -> memref<10240x128xf32, #tpu.memory_space<hbm>>
      tpu.wait_indirect_dma semaphore(%arg12 : memref<!tpu.dma_semaphore, #tpu.memory_space<semaphore_mem>>) src(%dma_wait3A_160 : memref<10240x128xf32, #tpu.memory_space<hbm>>) dst(%arg10 : memref<128x128xf32, #tpu.memory_space<vmem>>)
      %add3A_161 = arith.constant 0 : i32
      %add3A_162 = arith.addi %add3A_4, %add3A_161 : i32
      %mul3A_163 = arith.constant 128 : i32
      %mul3A_164 = arith.muli %add3A_162, %mul3A_163 : i32
      %add3A_165 = arith.constant 320000 : i32
      %add3A_166 = arith.addi %add3A_165, %mul3A_164 : i32
      %multiple_of3A_167 = tpu.assume_multiple %add3A_166, 8 : i32
      %dma_wait3A_168 = tpu.memref_slice %arg2[%multiple_of3A_167] : memref<640000xi32, #tpu.memory_space<hbm>> -> memref<128xi32, #tpu.memory_space<hbm>>
      %dma_wait3A_169 = tpu.memref_slice %arg2[%multiple_of3A_167] : memref<640000xi32, #tpu.memory_space<hbm>> -> memref<128xi32, #tpu.memory_space<hbm>>
      tpu.wait_dma2 semaphore(%arg14 : memref<!tpu.dma_semaphore, #tpu.memory_space<semaphore_mem>>) src(%dma_wait3A_169 : memref<128xi32, #tpu.memory_space<hbm>>) dst(%arg6 : memref<128xi32, #tpu.memory_space<vmem>>)
      "tpu.region"() ({
        %run_scoped3A = tpu.sem_alloc : memref<!tpu.dma_semaphore, #tpu.memory_space<semaphore_mem>>
        %dma_start3A_170 = arith.constant 0 : i32
        %dma_start3A_171 = arith.constant 0 : i32
        %dma_start3A_172 = tpu.memref_slice %arg5[%dma_start3A_170, %dma_start3A_171] : memref<10112x128xf32, #tpu.memory_space<vmem_shared>> -> memref<10112x128xf32, #tpu.memory_space<vmem_shared>>
        tpu.enqueue_indirect_dma source(%arg10 : memref<128x128xf32, #tpu.memory_space<vmem>>) target(%dma_start3A_172 : memref<10112x128xf32, #tpu.memory_space<vmem_shared>>) offsets(%arg6 : memref<128xi32, #tpu.memory_space<vmem>>) semaphore(%run_scoped3A : memref<!tpu.dma_semaphore, #tpu.memory_space<semaphore_mem>>) {add = true}
        %dma_wait3A_173 = arith.constant 0 : i32
        %dma_wait3A_174 = arith.constant 0 : i32
        %dma_wait3A_175 = tpu.memref_slice %arg5[%dma_wait3A_173, %dma_wait3A_174] : memref<10112x128xf32, #tpu.memory_space<vmem_shared>> -> memref<10112x128xf32, #tpu.memory_space<vmem_shared>>
        tpu.wait_indirect_dma semaphore(%run_scoped3A : memref<!tpu.dma_semaphore, #tpu.memory_space<semaphore_mem>>) src(%arg10 : memref<128x128xf32, #tpu.memory_space<vmem>>) dst(%dma_wait3A_175 : memref<10112x128xf32, #tpu.memory_space<vmem_shared>>)
        tpu.yield
      }) : () -> ()
    } else {
    }
    %barrier3A_153 = arith.constant 0 : index
    tpu.barrier barrier_id(%barrier3A_153)
    %mul3A_154 = arith.constant 632 : i32
    %mul3A_155 = arith.muli %arg1, %mul3A_154 : i32
    %mul3A_156 = arith.constant 632 : i32
    %mul3A_157 = arith.muli %arg1, %mul3A_156 : i32
    "tpu.region"() ({
      %run_scoped3A = tpu.sem_alloc : memref<!tpu.dma_semaphore, #tpu.memory_space<semaphore_mem>>
      %dma_start3A_158 = arith.constant 0 : i32
      %dma_start3A_159 = tpu.memref_slice %arg4[%arg0, %mul3A_157, %dma_start3A_158] : memref<2x10112x128xf32, #tpu.memory_space<hbm>> -> memref<1x632x128xf32, #tpu.memory_space<hbm>>
      %dma_start3A_160 = tpu.memref_squeeze %dma_start3A_159 : memref<1x632x128xf32, #tpu.memory_space<hbm>> -> memref<632x128xf32, #tpu.memory_space<hbm>>
      %dma_start3A_161 = arith.constant 0 : i32
      %dma_start3A_162 = tpu.memref_slice %arg5[%mul3A_155, %dma_start3A_161] : memref<10112x128xf32, #tpu.memory_space<vmem_shared>> -> memref<632x128xf32, #tpu.memory_space<vmem_shared>>
      tpu.enqueue_dma source(%dma_start3A_162 : memref<632x128xf32, #tpu.memory_space<vmem_shared>>) target(%dma_start3A_160 : memref<632x128xf32, #tpu.memory_space<hbm>>) target_semaphore(%run_scoped3A : memref<!tpu.dma_semaphore, #tpu.memory_space<semaphore_mem>>)
      %dma_wait3A_163 = arith.constant 0 : i32
      %dma_wait3A_164 = tpu.memref_slice %arg4[%arg0, %mul3A_157, %dma_wait3A_163] : memref<2x10112x128xf32, #tpu.memory_space<hbm>> -> memref<1x632x128xf32, #tpu.memory_space<hbm>>
      %dma_wait3A_165 = tpu.memref_squeeze %dma_wait3A_164 : memref<1x632x128xf32, #tpu.memory_space<hbm>> -> memref<632x128xf32, #tpu.memory_space<hbm>>
      %dma_wait3A_166 = arith.constant 0 : i32
      %dma_wait3A_167 = tpu.memref_slice %arg5[%mul3A_155, %dma_wait3A_166] : memref<10112x128xf32, #tpu.memory_space<vmem_shared>> -> memref<632x128xf32, #tpu.memory_space<vmem_shared>>
      tpu.wait_dma2 semaphore(%run_scoped3A : memref<!tpu.dma_semaphore, #tpu.memory_space<semaphore_mem>>) src(%dma_wait3A_167 : memref<632x128xf32, #tpu.memory_space<vmem_shared>>) dst(%dma_wait3A_165 : memref<632x128xf32, #tpu.memory_space<hbm>>)
      tpu.yield
    }) : () -> ()
    return
  }
}

#map = affine_map<(d0, d1) -> (0)>
#map1 = affine_map<(d0, d1) -> (0, 0)>
#map2 = affine_map<(d0, d1) -> (0, 0, 0)>
module attributes {stable_mosaic.version = 14 : i64} {
  func.func @_sc_scatter(%arg0: i32, %arg1: i32, %arg2: memref<640000xi32, #tpu.memory_space<hbm>>, %arg3: memref<10240x128xf32, #tpu.memory_space<hbm>>, %arg4: memref<2x10112x128xf32, #tpu.memory_space<hbm>>, %arg5: memref<10112x128xf32, #tpu.memory_space<vmem_shared>>, %arg6: memref<128xi32, #tpu.memory_space<vmem>>, %arg7: memref<128xi32, #tpu.memory_space<vmem>>, %arg8: memref<128xi32, #tpu.memory_space<vmem>>, %arg9: memref<128xi32, #tpu.memory_space<vmem>>, %arg10: memref<128x128xf32, #tpu.memory_space<vmem>>, %arg11: memref<128x128xf32, #tpu.memory_space<vmem>>, %arg12: memref<!tpu.dma_semaphore, #tpu.memory_space<semaphore_mem>>, %arg13: memref<!tpu.dma_semaphore, #tpu.memory_space<semaphore_mem>>, %arg14: memref<!tpu.dma_semaphore, #tpu.memory_space<semaphore_mem>>, %arg15: memref<!tpu.dma_semaphore, #tpu.memory_space<semaphore_mem>>, %arg16: memref<!tpu.dma_semaphore, #tpu.memory_space<semaphore_mem>>, %arg17: memref<!tpu.dma_semaphore, #tpu.memory_space<semaphore_mem>>) attributes {dimension_semantics = [#tpu.dimension_semantics<core_parallel>, #tpu.dimension_semantics<subcore_parallel>], iteration_bounds = array<i64: 2, 16>, scalar_prefetch = 0 : i64, scratch_operands = 13 : i64, tpu.core_type = #tpu.core_type<sc_vector_subcore>, window_params = [{transform_indices = #map}, {transform_indices = #map1}, {transform_indices = #map2}]} {
    %mul3A = arith.constant 16 : i32
    %mul3A_0 = arith.muli %arg0, %mul3A : i32
    %add3A = arith.addi %mul3A_0, %arg1 : i32
    %mul3A_1 = arith.constant 78 : i32
    %mul3A_2 = arith.muli %add3A, %mul3A_1 : i32
    %min3A = arith.constant 4 : i32
    %min3A_3 = arith.minsi %add3A, %min3A : i32
    %add3A_4 = arith.addi %mul3A_2, %min3A_3 : i32
    %lt3A = arith.constant 4 : i32
    %lt3A_5 = arith.cmpi slt, %add3A, %lt3A : i32
    %jit3A = arith.constant 1 : i32
    %jit3A_6 = arith.constant 0 : i32
    %select_n3A = arith.select %lt3A_5, %jit3A, %jit3A_6 : i32
    %add3A_7 = arith.constant 78 : i32
    %add3A_8 = arith.addi %add3A_7, %select_n3A : i32
    %scan3A = arith.constant 0 : i32
    %scan3A_9 = arith.constant 0 : i32
    %scan3A_10 = arith.constant 128 : i32
    %scan3A_11 = arith.addi %scan3A_9, %scan3A_10 : i32
    %scan3A_12 = arith.constant 1 : i32
    scf.for %scan3A_158 = %scan3A_9 to %scan3A_11 step %scan3A_12  : i32 {
      %broadcast_in_dim3A = arith.constant 0.000000e+00 : f32
      %broadcast_in_dim3A_159 = vector.broadcast %broadcast_in_dim3A : f32 to vector<16xf32>
      %swap3A = arith.index_cast %scan3A_158 : i32 to index
      %swap3A_160 = arith.constant 0 : index
      %swap3A_161 = tpu.vector_load %arg10[%swap3A, %swap3A_160] {strides = array<i32>} : memref<128x128xf32, #tpu.memory_space<vmem>>, vector<1x16xf32>,
      %swap3A_162 = vector.shape_cast %swap3A_161 : vector<1x16xf32> to vector<16xf32>
      %swap3A_163 = vector.shape_cast %broadcast_in_dim3A_159 : vector<16xf32> to vector<1x16xf32>
      tpu.vector_store %arg10[%swap3A, %swap3A_160], %swap3A_163 {strides = array<i32>} : memref<128x128xf32, #tpu.memory_space<vmem>>, vector<1x16xf32>,
      %broadcast_in_dim3A_164 = arith.constant 0.000000e+00 : f32
      %broadcast_in_dim3A_165 = vector.broadcast %broadcast_in_dim3A_164 : f32 to vector<16xf32>
      %swap3A_166 = arith.index_cast %scan3A_158 : i32 to index
      %swap3A_167 = arith.constant 16 : index
      %swap3A_168 = tpu.vector_load %arg10[%swap3A_166, %swap3A_167] {strides = array<i32>} : memref<128x128xf32, #tpu.memory_space<vmem>>, vector<1x16xf32>,
      %swap3A_169 = vector.shape_cast %swap3A_168 : vector<1x16xf32> to vector<16xf32>
      %swap3A_170 = vector.shape_cast %broadcast_in_dim3A_165 : vector<16xf32> to vector<1x16xf32>
      tpu.vector_store %arg10[%swap3A_166, %swap3A_167], %swap3A_170 {strides = array<i32>} : memref<128x128xf32, #tpu.memory_space<vmem>>, vector<1x16xf32>,
      %broadcast_in_dim3A_171 = arith.constant 0.000000e+00 : f32
      %broadcast_in_dim3A_172 = vector.broadcast %broadcast_in_dim3A_171 : f32 to vector<16xf32>
      %swap3A_173 = arith.index_cast %scan3A_158 : i32 to index
      %swap3A_174 = arith.constant 32 : index
      %swap3A_175 = tpu.vector_load %arg10[%swap3A_173, %swap3A_174] {strides = array<i32>} : memref<128x128xf32, #tpu.memory_space<vmem>>, vector<1x16xf32>,
      %swap3A_176 = vector.shape_cast %swap3A_175 : vector<1x16xf32> to vector<16xf32>
      %swap3A_177 = vector.shape_cast %broadcast_in_dim3A_172 : vector<16xf32> to vector<1x16xf32>
      tpu.vector_store %arg10[%swap3A_173, %swap3A_174], %swap3A_177 {strides = array<i32>} : memref<128x128xf32, #tpu.memory_space<vmem>>, vector<1x16xf32>,
      %broadcast_in_dim3A_178 = arith.constant 0.000000e+00 : f32
      %broadcast_in_dim3A_179 = vector.broadcast %broadcast_in_dim3A_178 : f32 to vector<16xf32>
      %swap3A_180 = arith.index_cast %scan3A_158 : i32 to index
      %swap3A_181 = arith.constant 48 : index
      %swap3A_182 = tpu.vector_load %arg10[%swap3A_180, %swap3A_181] {strides = array<i32>} : memref<128x128xf32, #tpu.memory_space<vmem>>, vector<1x16xf32>,
      %swap3A_183 = vector.shape_cast %swap3A_182 : vector<1x16xf32> to vector<16xf32>
      %swap3A_184 = vector.shape_cast %broadcast_in_dim3A_179 : vector<16xf32> to vector<1x16xf32>
      tpu.vector_store %arg10[%swap3A_180, %swap3A_181], %swap3A_184 {strides = array<i32>} : memref<128x128xf32, #tpu.memory_space<vmem>>, vector<1x16xf32>,
      %broadcast_in_dim3A_185 = arith.constant 0.000000e+00 : f32
      %broadcast_in_dim3A_186 = vector.broadcast %broadcast_in_dim3A_185 : f32 to vector<16xf32>
      %swap3A_187 = arith.index_cast %scan3A_158 : i32 to index
      %swap3A_188 = arith.constant 64 : index
      %swap3A_189 = tpu.vector_load %arg10[%swap3A_187, %swap3A_188] {strides = array<i32>} : memref<128x128xf32, #tpu.memory_space<vmem>>, vector<1x16xf32>,
      %swap3A_190 = vector.shape_cast %swap3A_189 : vector<1x16xf32> to vector<16xf32>
      %swap3A_191 = vector.shape_cast %broadcast_in_dim3A_186 : vector<16xf32> to vector<1x16xf32>
      tpu.vector_store %arg10[%swap3A_187, %swap3A_188], %swap3A_191 {strides = array<i32>} : memref<128x128xf32, #tpu.memory_space<vmem>>, vector<1x16xf32>,
      %broadcast_in_dim3A_192 = arith.constant 0.000000e+00 : f32
      %broadcast_in_dim3A_193 = vector.broadcast %broadcast_in_dim3A_192 : f32 to vector<16xf32>
      %swap3A_194 = arith.index_cast %scan3A_158 : i32 to index
      %swap3A_195 = arith.constant 80 : index
      %swap3A_196 = tpu.vector_load %arg10[%swap3A_194, %swap3A_195] {strides = array<i32>} : memref<128x128xf32, #tpu.memory_space<vmem>>, vector<1x16xf32>,
      %swap3A_197 = vector.shape_cast %swap3A_196 : vector<1x16xf32> to vector<16xf32>
      %swap3A_198 = vector.shape_cast %broadcast_in_dim3A_193 : vector<16xf32> to vector<1x16xf32>
      tpu.vector_store %arg10[%swap3A_194, %swap3A_195], %swap3A_198 {strides = array<i32>} : memref<128x128xf32, #tpu.memory_space<vmem>>, vector<1x16xf32>,
      %broadcast_in_dim3A_199 = arith.constant 0.000000e+00 : f32
      %broadcast_in_dim3A_200 = vector.broadcast %broadcast_in_dim3A_199 : f32 to vector<16xf32>
      %swap3A_201 = arith.index_cast %scan3A_158 : i32 to index
      %swap3A_202 = arith.constant 96 : index
      %swap3A_203 = tpu.vector_load %arg10[%swap3A_201, %swap3A_202] {strides = array<i32>} : memref<128x128xf32, #tpu.memory_space<vmem>>, vector<1x16xf32>,
      %swap3A_204 = vector.shape_cast %swap3A_203 : vector<1x16xf32> to vector<16xf32>
      %swap3A_205 = vector.shape_cast %broadcast_in_dim3A_200 : vector<16xf32> to vector<1x16xf32>
      tpu.vector_store %arg10[%swap3A_201, %swap3A_202], %swap3A_205 {strides = array<i32>} : memref<128x128xf32, #tpu.memory_space<vmem>>, vector<1x16xf32>,
      %broadcast_in_dim3A_206 = arith.constant 0.000000e+00 : f32
      %broadcast_in_dim3A_207 = vector.broadcast %broadcast_in_dim3A_206 : f32 to vector<16xf32>
      %swap3A_208 = arith.index_cast %scan3A_158 : i32 to index
      %swap3A_209 = arith.constant 112 : index
      %swap3A_210 = tpu.vector_load %arg10[%swap3A_208, %swap3A_209] {strides = array<i32>} : memref<128x128xf32, #tpu.memory_space<vmem>>, vector<1x16xf32>,
      %swap3A_211 = vector.shape_cast %swap3A_210 : vector<1x16xf32> to vector<16xf32>
      %swap3A_212 = vector.shape_cast %broadcast_in_dim3A_207 : vector<16xf32> to vector<1x16xf32>
      tpu.vector_store %arg10[%swap3A_208, %swap3A_209], %swap3A_212 {strides = array<i32>} : memref<128x128xf32, #tpu.memory_space<vmem>>, vector<1x16xf32>,
    }
    %scan3A_13 = arith.constant 128 : i32
    %mul3A_14 = arith.constant 632 : i32
    %mul3A_15 = arith.muli %arg1, %mul3A_14 : i32
    %add3A_16 = arith.constant 0 : i32
    %add3A_17 = arith.addi %mul3A_15, %add3A_16 : i32
    %dma_start3A = arith.constant 0 : i32
    %dma_start3A_18 = tpu.memref_slice %arg5[%add3A_17, %dma_start3A] : memref<10112x128xf32, #tpu.memory_space<vmem_shared>> -> memref<128x128xf32, #tpu.memory_space<vmem_shared>>
    %dma_start3A_19 = arith.constant 0 : i32
    %dma_start3A_20 = tpu.memref_slice %arg5[%add3A_17, %dma_start3A_19] : memref<10112x128xf32, #tpu.memory_space<vmem_shared>> -> memref<128x128xf32, #tpu.memory_space<vmem_shared>>
    tpu.enqueue_dma source(%arg10 : memref<128x128xf32, #tpu.memory_space<vmem>>) target(%dma_start3A_20 : memref<128x128xf32, #tpu.memory_space<vmem_shared>>) target_semaphore(%arg12 : memref<!tpu.dma_semaphore, #tpu.memory_space<semaphore_mem>>)
    %mul3A_21 = arith.constant 632 : i32
    %mul3A_22 = arith.muli %arg1, %mul3A_21 : i32
    %add3A_23 = arith.constant 128 : i32
    %add3A_24 = arith.addi %mul3A_22, %add3A_23 : i32
    %dma_start3A_25 = arith.constant 0 : i32
    %dma_start3A_26 = tpu.memref_slice %arg5[%add3A_24, %dma_start3A_25] : memref<10112x128xf32, #tpu.memory_space<vmem_shared>> -> memref<128x128xf32, #tpu.memory_space<vmem_shared>>
    %dma_start3A_27 = arith.constant 0 : i32
    %dma_start3A_28 = tpu.memref_slice %arg5[%add3A_24, %dma_start3A_27] : memref<10112x128xf32, #tpu.memory_space<vmem_shared>> -> memref<128x128xf32, #tpu.memory_space<vmem_shared>>
    tpu.enqueue_dma source(%arg10 : memref<128x128xf32, #tpu.memory_space<vmem>>) target(%dma_start3A_28 : memref<128x128xf32, #tpu.memory_space<vmem_shared>>) target_semaphore(%arg12 : memref<!tpu.dma_semaphore, #tpu.memory_space<semaphore_mem>>)
    %mul3A_29 = arith.constant 632 : i32
    %mul3A_30 = arith.muli %arg1, %mul3A_29 : i32
    %add3A_31 = arith.constant 256 : i32
    %add3A_32 = arith.addi %mul3A_30, %add3A_31 : i32
    %dma_start3A_33 = arith.constant 0 : i32
    %dma_start3A_34 = tpu.memref_slice %arg5[%add3A_32, %dma_start3A_33] : memref<10112x128xf32, #tpu.memory_space<vmem_shared>> -> memref<128x128xf32, #tpu.memory_space<vmem_shared>>
    %dma_start3A_35 = arith.constant 0 : i32
    %dma_start3A_36 = tpu.memref_slice %arg5[%add3A_32, %dma_start3A_35] : memref<10112x128xf32, #tpu.memory_space<vmem_shared>> -> memref<128x128xf32, #tpu.memory_space<vmem_shared>>
    tpu.enqueue_dma source(%arg10 : memref<128x128xf32, #tpu.memory_space<vmem>>) target(%dma_start3A_36 : memref<128x128xf32, #tpu.memory_space<vmem_shared>>) target_semaphore(%arg12 : memref<!tpu.dma_semaphore, #tpu.memory_space<semaphore_mem>>)
    %mul3A_37 = arith.constant 632 : i32
    %mul3A_38 = arith.muli %arg1, %mul3A_37 : i32
    %add3A_39 = arith.constant 384 : i32
    %add3A_40 = arith.addi %mul3A_38, %add3A_39 : i32
    %dma_start3A_41 = arith.constant 0 : i32
    %dma_start3A_42 = tpu.memref_slice %arg5[%add3A_40, %dma_start3A_41] : memref<10112x128xf32, #tpu.memory_space<vmem_shared>> -> memref<128x128xf32, #tpu.memory_space<vmem_shared>>
    %dma_start3A_43 = arith.constant 0 : i32
    %dma_start3A_44 = tpu.memref_slice %arg5[%add3A_40, %dma_start3A_43] : memref<10112x128xf32, #tpu.memory_space<vmem_shared>> -> memref<128x128xf32, #tpu.memory_space<vmem_shared>>
    tpu.enqueue_dma source(%arg10 : memref<128x128xf32, #tpu.memory_space<vmem>>) target(%dma_start3A_44 : memref<128x128xf32, #tpu.memory_space<vmem_shared>>) target_semaphore(%arg12 : memref<!tpu.dma_semaphore, #tpu.memory_space<semaphore_mem>>)
    %mul3A_45 = arith.constant 632 : i32
    %mul3A_46 = arith.muli %arg1, %mul3A_45 : i32
    %add3A_47 = arith.constant 512 : i32
    %add3A_48 = arith.addi %mul3A_46, %add3A_47 : i32
    %dma_start3A_49 = arith.constant 0 : i32
    %dma_start3A_50 = arith.constant 0 : i32
    %dma_start3A_51 = tpu.memref_slice %arg10[%dma_start3A_49, %dma_start3A_50] : memref<128x128xf32, #tpu.memory_space<vmem>> -> memref<120x128xf32, #tpu.memory_space<vmem>>
    %dma_start3A_52 = arith.constant 0 : i32
    %dma_start3A_53 = tpu.memref_slice %arg5[%add3A_48, %dma_start3A_52] : memref<10112x128xf32, #tpu.memory_space<vmem_shared>> -> memref<120x128xf32, #tpu.memory_space<vmem_shared>>
    %dma_start3A_54 = arith.constant 0 : i32
    %dma_start3A_55 = tpu.memref_slice %arg5[%add3A_48, %dma_start3A_54] : memref<10112x128xf32, #tpu.memory_space<vmem_shared>> -> memref<120x128xf32, #tpu.memory_space<vmem_shared>>
    %dma_start3A_56 = arith.constant 0 : i32
    %dma_start3A_57 = arith.constant 0 : i32
    %dma_start3A_58 = tpu.memref_slice %arg10[%dma_start3A_56, %dma_start3A_57] : memref<128x128xf32, #tpu.memory_space<vmem>> -> memref<120x128xf32, #tpu.memory_space<vmem>>
    tpu.enqueue_dma source(%dma_start3A_58 : memref<120x128xf32, #tpu.memory_space<vmem>>) target(%dma_start3A_55 : memref<120x128xf32, #tpu.memory_space<vmem_shared>>) target_semaphore(%arg13 : memref<!tpu.dma_semaphore, #tpu.memory_space<semaphore_mem>>)
    %mul3A_59 = arith.constant 632 : i32
    %mul3A_60 = arith.muli %arg1, %mul3A_59 : i32
    %dma_wait3A = arith.constant 0 : i32
    %dma_wait3A_61 = tpu.memref_slice %arg5[%mul3A_60, %dma_wait3A] : memref<10112x128xf32, #tpu.memory_space<vmem_shared>> -> memref<128x128xf32, #tpu.memory_space<vmem_shared>>
    %dma_wait3A_62 = arith.constant 0 : i32
    %dma_wait3A_63 = tpu.memref_slice %arg5[%mul3A_60, %dma_wait3A_62] : memref<10112x128xf32, #tpu.memory_space<vmem_shared>> -> memref<128x128xf32, #tpu.memory_space<vmem_shared>>
    tpu.wait_dma2 semaphore(%arg12 : memref<!tpu.dma_semaphore, #tpu.memory_space<semaphore_mem>>) src(%arg10 : memref<128x128xf32, #tpu.memory_space<vmem>>) dst(%dma_wait3A_63 : memref<128x128xf32, #tpu.memory_space<vmem_shared>>)
    %mul3A_64 = arith.constant 632 : i32
    %mul3A_65 = arith.muli %arg1, %mul3A_64 : i32
    %dma_wait3A_66 = arith.constant 0 : i32
    %dma_wait3A_67 = tpu.memref_slice %arg5[%mul3A_65, %dma_wait3A_66] : memref<10112x128xf32, #tpu.memory_space<vmem_shared>> -> memref<128x128xf32, #tpu.memory_space<vmem_shared>>
    %dma_wait3A_68 = arith.constant 0 : i32
    %dma_wait3A_69 = tpu.memref_slice %arg5[%mul3A_65, %dma_wait3A_68] : memref<10112x128xf32, #tpu.memory_space<vmem_shared>> -> memref<128x128xf32, #tpu.memory_space<vmem_shared>>
    tpu.wait_dma2 semaphore(%arg12 : memref<!tpu.dma_semaphore, #tpu.memory_space<semaphore_mem>>) src(%arg10 : memref<128x128xf32, #tpu.memory_space<vmem>>) dst(%dma_wait3A_69 : memref<128x128xf32, #tpu.memory_space<vmem_shared>>)
    %mul3A_70 = arith.constant 632 : i32
    %mul3A_71 = arith.muli %arg1, %mul3A_70 : i32
    %dma_wait3A_72 = arith.constant 0 : i32
    %dma_wait3A_73 = tpu.memref_slice %arg5[%mul3A_71, %dma_wait3A_72] : memref<10112x128xf32, #tpu.memory_space<vmem_shared>> -> memref<128x128xf32, #tpu.memory_space<vmem_shared>>
    %dma_wait3A_74 = arith.constant 0 : i32
    %dma_wait3A_75 = tpu.memref_slice %arg5[%mul3A_71, %dma_wait3A_74] : memref<10112x128xf32, #tpu.memory_space<vmem_shared>> -> memref<128x128xf32, #tpu.memory_space<vmem_shared>>
    tpu.wait_dma2 semaphore(%arg12 : memref<!tpu.dma_semaphore, #tpu.memory_space<semaphore_mem>>) src(%arg10 : memref<128x128xf32, #tpu.memory_space<vmem>>) dst(%dma_wait3A_75 : memref<128x128xf32, #tpu.memory_space<vmem_shared>>)
    %mul3A_76 = arith.constant 632 : i32
    %mul3A_77 = arith.muli %arg1, %mul3A_76 : i32
    %dma_wait3A_78 = arith.constant 0 : i32
    %dma_wait3A_79 = tpu.memref_slice %arg5[%mul3A_77, %dma_wait3A_78] : memref<10112x128xf32, #tpu.memory_space<vmem_shared>> -> memref<128x128xf32, #tpu.memory_space<vmem_shared>>
    %dma_wait3A_80 = arith.constant 0 : i32
    %dma_wait3A_81 = tpu.memref_slice %arg5[%mul3A_77, %dma_wait3A_80] : memref<10112x128xf32, #tpu.memory_space<vmem_shared>> -> memref<128x128xf32, #tpu.memory_space<vmem_shared>>
    tpu.wait_dma2 semaphore(%arg12 : memref<!tpu.dma_semaphore, #tpu.memory_space<semaphore_mem>>) src(%arg10 : memref<128x128xf32, #tpu.memory_space<vmem>>) dst(%dma_wait3A_81 : memref<128x128xf32, #tpu.memory_space<vmem_shared>>)
    %mul3A_82 = arith.constant 632 : i32
    %mul3A_83 = arith.muli %arg1, %mul3A_82 : i32
    %dma_wait3A_84 = arith.constant 0 : i32
    %dma_wait3A_85 = arith.constant 0 : i32
    %dma_wait3A_86 = tpu.memref_slice %arg10[%dma_wait3A_84, %dma_wait3A_85] : memref<128x128xf32, #tpu.memory_space<vmem>> -> memref<120x128xf32, #tpu.memory_space<vmem>>
    %dma_wait3A_87 = arith.constant 0 : i32
    %dma_wait3A_88 = tpu.memref_slice %arg5[%mul3A_83, %dma_wait3A_87] : memref<10112x128xf32, #tpu.memory_space<vmem_shared>> -> memref<120x128xf32, #tpu.memory_space<vmem_shared>>
    %dma_wait3A_89 = arith.constant 0 : i32
    %dma_wait3A_90 = tpu.memref_slice %arg5[%mul3A_83, %dma_wait3A_89] : memref<10112x128xf32, #tpu.memory_space<vmem_shared>> -> memref<120x128xf32, #tpu.memory_space<vmem_shared>>
    %dma_wait3A_91 = arith.constant 0 : i32
    %dma_wait3A_92 = arith.constant 0 : i32
    %dma_wait3A_93 = tpu.memref_slice %arg10[%dma_wait3A_91, %dma_wait3A_92] : memref<128x128xf32, #tpu.memory_space<vmem>> -> memref<120x128xf32, #tpu.memory_space<vmem>>
    tpu.wait_dma2 semaphore(%arg13 : memref<!tpu.dma_semaphore, #tpu.memory_space<semaphore_mem>>) src(%dma_wait3A_93 : memref<120x128xf32, #tpu.memory_space<vmem>>) dst(%dma_wait3A_90 : memref<120x128xf32, #tpu.memory_space<vmem_shared>>)
    %barrier3A = arith.constant 0 : index
    tpu.barrier barrier_id(%barrier3A)
    %add3A_94 = arith.constant 0 : i32
    %add3A_95 = arith.addi %add3A_4, %add3A_94 : i32
    %mul3A_96 = arith.constant 128 : i32
    %mul3A_97 = arith.muli %add3A_95, %mul3A_96 : i32
    %multiple_of3A = tpu.assume_multiple %mul3A_97, 8 : i32
    %dma_start3A_98 = tpu.memref_slice %arg2[%multiple_of3A] : memref<640000xi32, #tpu.memory_space<hbm>> -> memref<128xi32, #tpu.memory_space<hbm>>
    %dma_start3A_99 = tpu.memref_slice %arg2[%multiple_of3A] : memref<640000xi32, #tpu.memory_space<hbm>> -> memref<128xi32, #tpu.memory_space<hbm>>
    tpu.enqueue_dma source(%dma_start3A_99 : memref<128xi32, #tpu.memory_space<hbm>>) target(%arg7 : memref<128xi32, #tpu.memory_space<vmem>>) target_semaphore(%arg15 : memref<!tpu.dma_semaphore, #tpu.memory_space<semaphore_mem>>)
    %add3A_100 = arith.constant 1 : i32
    %add3A_101 = arith.addi %add3A_4, %add3A_100 : i32
    %mul3A_102 = arith.constant 128 : i32
    %mul3A_103 = arith.muli %add3A_101, %mul3A_102 : i32
    %multiple_of3A_104 = tpu.assume_multiple %mul3A_103, 8 : i32
    %dma_start3A_105 = tpu.memref_slice %arg2[%multiple_of3A_104] : memref<640000xi32, #tpu.memory_space<hbm>> -> memref<128xi32, #tpu.memory_space<hbm>>
    %dma_start3A_106 = tpu.memref_slice %arg2[%multiple_of3A_104] : memref<640000xi32, #tpu.memory_space<hbm>> -> memref<128xi32, #tpu.memory_space<hbm>>
    tpu.enqueue_dma source(%dma_start3A_106 : memref<128xi32, #tpu.memory_space<hbm>>) target(%arg9 : memref<128xi32, #tpu.memory_space<vmem>>) target_semaphore(%arg17 : memref<!tpu.dma_semaphore, #tpu.memory_space<semaphore_mem>>)
    %add3A_107 = arith.constant 0 : i32
    %add3A_108 = arith.addi %add3A_4, %add3A_107 : i32
    %mul3A_109 = arith.constant 128 : i32
    %mul3A_110 = arith.muli %add3A_108, %mul3A_109 : i32
    %add3A_111 = arith.constant 320000 : i32
    %add3A_112 = arith.addi %add3A_111, %mul3A_110 : i32
    %multiple_of3A_113 = tpu.assume_multiple %add3A_112, 8 : i32
    %dma_start3A_114 = tpu.memref_slice %arg2[%multiple_of3A_113] : memref<640000xi32, #tpu.memory_space<hbm>> -> memref<128xi32, #tpu.memory_space<hbm>>
    %dma_start3A_115 = tpu.memref_slice %arg2[%multiple_of3A_113] : memref<640000xi32, #tpu.memory_space<hbm>> -> memref<128xi32, #tpu.memory_space<hbm>>
    tpu.enqueue_dma source(%dma_start3A_115 : memref<128xi32, #tpu.memory_space<hbm>>) target(%arg6 : memref<128xi32, #tpu.memory_space<vmem>>) target_semaphore(%arg14 : memref<!tpu.dma_semaphore, #tpu.memory_space<semaphore_mem>>)
    %add3A_116 = arith.constant 1 : i32
    %add3A_117 = arith.addi %add3A_4, %add3A_116 : i32
    %mul3A_118 = arith.constant 128 : i32
    %mul3A_119 = arith.muli %add3A_117, %mul3A_118 : i32
    %add3A_120 = arith.constant 320000 : i32
    %add3A_121 = arith.addi %add3A_120, %mul3A_119 : i32
    %multiple_of3A_122 = tpu.assume_multiple %add3A_121, 8 : i32
    %dma_start3A_123 = tpu.memref_slice %arg2[%multiple_of3A_122] : memref<640000xi32, #tpu.memory_space<hbm>> -> memref<128xi32, #tpu.memory_space<hbm>>
    %dma_start3A_124 = tpu.memref_slice %arg2[%multiple_of3A_122] : memref<640000xi32, #tpu.memory_space<hbm>> -> memref<128xi32, #tpu.memory_space<hbm>>
    tpu.enqueue_dma source(%dma_start3A_124 : memref<128xi32, #tpu.memory_space<hbm>>) target(%arg8 : memref<128xi32, #tpu.memory_space<vmem>>) target_semaphore(%arg16 : memref<!tpu.dma_semaphore, #tpu.memory_space<semaphore_mem>>)
    %add3A_125 = arith.constant 0 : i32
    %add3A_126 = arith.addi %add3A_4, %add3A_125 : i32
    %mul3A_127 = arith.constant 128 : i32
    %mul3A_128 = arith.muli %add3A_126, %mul3A_127 : i32
    %multiple_of3A_129 = tpu.assume_multiple %mul3A_128, 8 : i32
    %dma_wait3A_130 = tpu.memref_slice %arg2[%multiple_of3A_129] : memref<640000xi32, #tpu.memory_space<hbm>> -> memref<128xi32, #tpu.memory_space<hbm>>
    %dma_wait3A_131 = tpu.memref_slice %arg2[%multiple_of3A_129] : memref<640000xi32, #tpu.memory_space<hbm>> -> memref<128xi32, #tpu.memory_space<hbm>>
    tpu.wait_dma2 semaphore(%arg15 : memref<!tpu.dma_semaphore, #tpu.memory_space<semaphore_mem>>) src(%dma_wait3A_131 : memref<128xi32, #tpu.memory_space<hbm>>) dst(%arg7 : memref<128xi32, #tpu.memory_space<vmem>>)
    %dma_start3A_132 = arith.constant 0 : i32
    %dma_start3A_133 = arith.constant 0 : i32
    %dma_start3A_134 = tpu.memref_slice %arg3[%dma_start3A_132, %dma_start3A_133] : memref<10240x128xf32, #tpu.memory_space<hbm>> -> memref<10240x128xf32, #tpu.memory_space<hbm>>
    tpu.enqueue_indirect_dma source(%dma_start3A_134 : memref<10240x128xf32, #tpu.memory_space<hbm>>) target(%arg10 : memref<128x128xf32, #tpu.memory_space<vmem>>) offsets(%arg7 : memref<128xi32, #tpu.memory_space<vmem>>) semaphore(%arg12 : memref<!tpu.dma_semaphore, #tpu.memory_space<semaphore_mem>>)
    %add3A_135 = arith.constant 1 : i32
    %add3A_136 = arith.addi %add3A_4, %add3A_135 : i32
    %mul3A_137 = arith.constant 128 : i32
    %mul3A_138 = arith.muli %add3A_136, %mul3A_137 : i32
    %multiple_of3A_139 = tpu.assume_multiple %mul3A_138, 8 : i32
    %dma_wait3A_140 = tpu.memref_slice %arg2[%multiple_of3A_139] : memref<640000xi32, #tpu.memory_space<hbm>> -> memref<128xi32, #tpu.memory_space<hbm>>
    %dma_wait3A_141 = tpu.memref_slice %arg2[%multiple_of3A_139] : memref<640000xi32, #tpu.memory_space<hbm>> -> memref<128xi32, #tpu.memory_space<hbm>>
    tpu.wait_dma2 semaphore(%arg17 : memref<!tpu.dma_semaphore, #tpu.memory_space<semaphore_mem>>) src(%dma_wait3A_141 : memref<128xi32, #tpu.memory_space<hbm>>) dst(%arg9 : memref<128xi32, #tpu.memory_space<vmem>>)
    %dma_start3A_142 = arith.constant 0 : i32
    %dma_start3A_143 = arith.constant 0 : i32
    %dma_start3A_144 = tpu.memref_slice %arg3[%dma_start3A_142, %dma_start3A_143] : memref<10240x128xf32, #tpu.memory_space<hbm>> -> memref<10240x128xf32, #tpu.memory_space<hbm>>
    tpu.enqueue_indirect_dma source(%dma_start3A_144 : memref<10240x128xf32, #tpu.memory_space<hbm>>) target(%arg11 : memref<128x128xf32, #tpu.memory_space<vmem>>) offsets(%arg9 : memref<128xi32, #tpu.memory_space<vmem>>) semaphore(%arg13 : memref<!tpu.dma_semaphore, #tpu.memory_space<semaphore_mem>>)
    %scan3A_145 = arith.constant 0 : i32
    %scan3A_146 = arith.constant 0 : i32
    %scan3A_147 = arith.constant 39 : i32
    %scan3A_148 = arith.addi %scan3A_146, %scan3A_147 : i32
    %scan3A_149 = arith.constant 1 : i32
    scf.for %scan3A_158 = %scan3A_146 to %scan3A_148 step %scan3A_149  : i32 {
      %mul3A_159 = arith.constant 2 : i32
      %mul3A_160 = arith.muli %mul3A_159, %scan3A_158 : i32
      %dma_wait3A_161 = arith.constant 0 : i32
      %dma_wait3A_162 = arith.constant 0 : i32
      %dma_wait3A_163 = tpu.memref_slice %arg3[%dma_wait3A_161, %dma_wait3A_162] : memref<10240x128xf32, #tpu.memory_space<hbm>> -> memref<10240x128xf32, #tpu.memory_space<hbm>>
      tpu.wait_indirect_dma semaphore(%arg12 : memref<!tpu.dma_semaphore, #tpu.memory_space<semaphore_mem>>) src(%dma_wait3A_163 : memref<10240x128xf32, #tpu.memory_space<hbm>>) dst(%arg10 : memref<128x128xf32, #tpu.memory_space<vmem>>)
      %add3A_164 = arith.constant 0 : i32
      %add3A_165 = arith.addi %add3A_4, %add3A_164 : i32
      %mul3A_166 = arith.constant 128 : i32
      %mul3A_167 = arith.muli %add3A_165, %mul3A_166 : i32
      %add3A_168 = arith.constant 320000 : i32
      %add3A_169 = arith.addi %add3A_168, %mul3A_167 : i32
      %multiple_of3A_170 = tpu.assume_multiple %add3A_169, 8 : i32
      %dma_wait3A_171 = tpu.memref_slice %arg2[%multiple_of3A_170] : memref<640000xi32, #tpu.memory_space<hbm>> -> memref<128xi32, #tpu.memory_space<hbm>>
      %dma_wait3A_172 = tpu.memref_slice %arg2[%multiple_of3A_170] : memref<640000xi32, #tpu.memory_space<hbm>> -> memref<128xi32, #tpu.memory_space<hbm>>
      tpu.wait_dma2 semaphore(%arg14 : memref<!tpu.dma_semaphore, #tpu.memory_space<semaphore_mem>>) src(%dma_wait3A_172 : memref<128xi32, #tpu.memory_space<hbm>>) dst(%arg6 : memref<128xi32, #tpu.memory_space<vmem>>)
      %add3A_173 = arith.constant 2 : i32
      %add3A_174 = arith.addi %mul3A_160, %add3A_173 : i32
      %lt3A_175 = arith.cmpi slt, %add3A_174, %add3A_8 : i32
      %convert_element_type3A_176 = arith.extui %lt3A_175 : i1 to i32
      %cond3A_177 = arith.constant 0 : i32
      %cond3A_178 = arith.cmpi ne, %convert_element_type3A_176, %cond3A_177 : i32
      scf.if %cond3A_178 {
        %add3A_209 = arith.constant 2 : i32
        %add3A_210 = arith.addi %mul3A_160, %add3A_209 : i32
        %add3A_211 = arith.addi %add3A_4, %add3A_210 : i32
        %mul3A_212 = arith.constant 128 : i32
        %mul3A_213 = arith.muli %add3A_211, %mul3A_212 : i32
        %multiple_of3A_214 = tpu.assume_multiple %mul3A_213, 8 : i32
        %dma_start3A_215 = tpu.memref_slice %arg2[%multiple_of3A_214] : memref<640000xi32, #tpu.memory_space<hbm>> -> memref<128xi32, #tpu.memory_space<hbm>>
        %dma_start3A_216 = tpu.memref_slice %arg2[%multiple_of3A_214] : memref<640000xi32, #tpu.memory_space<hbm>> -> memref<128xi32, #tpu.memory_space<hbm>>
        tpu.enqueue_dma source(%dma_start3A_216 : memref<128xi32, #tpu.memory_space<hbm>>) target(%arg7 : memref<128xi32, #tpu.memory_space<vmem>>) target_semaphore(%arg15 : memref<!tpu.dma_semaphore, #tpu.memory_space<semaphore_mem>>)
      } else {
      }
      "tpu.region"() ({
        %run_scoped3A = tpu.sem_alloc : memref<!tpu.dma_semaphore, #tpu.memory_space<semaphore_mem>>
        %dma_start3A_209 = arith.constant 0 : i32
        %dma_start3A_210 = arith.constant 0 : i32
        %dma_start3A_211 = tpu.memref_slice %arg5[%dma_start3A_209, %dma_start3A_210] : memref<10112x128xf32, #tpu.memory_space<vmem_shared>> -> memref<10112x128xf32, #tpu.memory_space<vmem_shared>>
        tpu.enqueue_indirect_dma source(%arg10 : memref<128x128xf32, #tpu.memory_space<vmem>>) target(%dma_start3A_211 : memref<10112x128xf32, #tpu.memory_space<vmem_shared>>) offsets(%arg6 : memref<128xi32, #tpu.memory_space<vmem>>) semaphore(%run_scoped3A : memref<!tpu.dma_semaphore, #tpu.memory_space<semaphore_mem>>) {add = true}
        %dma_wait3A_212 = arith.constant 0 : i32
        %dma_wait3A_213 = arith.constant 0 : i32
        %dma_wait3A_214 = tpu.memref_slice %arg5[%dma_wait3A_212, %dma_wait3A_213] : memref<10112x128xf32, #tpu.memory_space<vmem_shared>> -> memref<10112x128xf32, #tpu.memory_space<vmem_shared>>
        tpu.wait_indirect_dma semaphore(%run_scoped3A : memref<!tpu.dma_semaphore, #tpu.memory_space<semaphore_mem>>) src(%arg10 : memref<128x128xf32, #tpu.memory_space<vmem>>) dst(%dma_wait3A_214 : memref<10112x128xf32, #tpu.memory_space<vmem_shared>>)
        tpu.yield
      }) : () -> ()
      %add3A_179 = arith.constant 2 : i32
      %add3A_180 = arith.addi %mul3A_160, %add3A_179 : i32
      %lt3A_181 = arith.cmpi slt, %add3A_180, %add3A_8 : i32
      %convert_element_type3A_182 = arith.extui %lt3A_181 : i1 to i32
      %cond3A_183 = arith.constant 0 : i32
      %cond3A_184 = arith.cmpi ne, %convert_element_type3A_182, %cond3A_183 : i32
      scf.if %cond3A_184 {
        %add3A_209 = arith.constant 2 : i32
        %add3A_210 = arith.addi %mul3A_160, %add3A_209 : i32
        %add3A_211 = arith.addi %add3A_4, %add3A_210 : i32
        %mul3A_212 = arith.constant 128 : i32
        %mul3A_213 = arith.muli %add3A_211, %mul3A_212 : i32
        %add3A_214 = arith.constant 320000 : i32
        %add3A_215 = arith.addi %add3A_214, %mul3A_213 : i32
        %multiple_of3A_216 = tpu.assume_multiple %add3A_215, 8 : i32
        %dma_start3A_217 = tpu.memref_slice %arg2[%multiple_of3A_216] : memref<640000xi32, #tpu.memory_space<hbm>> -> memref<128xi32, #tpu.memory_space<hbm>>
        %dma_start3A_218 = tpu.memref_slice %arg2[%multiple_of3A_216] : memref<640000xi32, #tpu.memory_space<hbm>> -> memref<128xi32, #tpu.memory_space<hbm>>
        tpu.enqueue_dma source(%dma_start3A_218 : memref<128xi32, #tpu.memory_space<hbm>>) target(%arg6 : memref<128xi32, #tpu.memory_space<vmem>>) target_semaphore(%arg14 : memref<!tpu.dma_semaphore, #tpu.memory_space<semaphore_mem>>)
        %add3A_219 = arith.constant 0 : i32
        %add3A_220 = arith.addi %add3A_4, %add3A_219 : i32
        %mul3A_221 = arith.constant 128 : i32
        %mul3A_222 = arith.muli %add3A_220, %mul3A_221 : i32
        %multiple_of3A_223 = tpu.assume_multiple %mul3A_222, 8 : i32
        %dma_wait3A_224 = tpu.memref_slice %arg2[%multiple_of3A_223] : memref<640000xi32, #tpu.memory_space<hbm>> -> memref<128xi32, #tpu.memory_space<hbm>>
        %dma_wait3A_225 = tpu.memref_slice %arg2[%multiple_of3A_223] : memref<640000xi32, #tpu.memory_space<hbm>> -> memref<128xi32, #tpu.memory_space<hbm>>
        tpu.wait_dma2 semaphore(%arg15 : memref<!tpu.dma_semaphore, #tpu.memory_space<semaphore_mem>>) src(%dma_wait3A_225 : memref<128xi32, #tpu.memory_space<hbm>>) dst(%arg7 : memref<128xi32, #tpu.memory_space<vmem>>)
        %dma_start3A_226 = arith.constant 0 : i32
        %dma_start3A_227 = arith.constant 0 : i32
        %dma_start3A_228 = tpu.memref_slice %arg3[%dma_start3A_226, %dma_start3A_227] : memref<10240x128xf32, #tpu.memory_space<hbm>> -> memref<10240x128xf32, #tpu.memory_space<hbm>>
        tpu.enqueue_indirect_dma source(%dma_start3A_228 : memref<10240x128xf32, #tpu.memory_space<hbm>>) target(%arg10 : memref<128x128xf32, #tpu.memory_space<vmem>>) offsets(%arg7 : memref<128xi32, #tpu.memory_space<vmem>>) semaphore(%arg12 : memref<!tpu.dma_semaphore, #tpu.memory_space<semaphore_mem>>)
      } else {
      }
      %dma_wait3A_185 = arith.constant 0 : i32
      %dma_wait3A_186 = arith.constant 0 : i32
      %dma_wait3A_187 = tpu.memref_slice %arg3[%dma_wait3A_185, %dma_wait3A_186] : memref<10240x128xf32, #tpu.memory_space<hbm>> -> memref<10240x128xf32, #tpu.memory_space<hbm>>
      tpu.wait_indirect_dma semaphore(%arg13 : memref<!tpu.dma_semaphore, #tpu.memory_space<semaphore_mem>>) src(%dma_wait3A_187 : memref<10240x128xf32, #tpu.memory_space<hbm>>) dst(%arg11 : memref<128x128xf32, #tpu.memory_space<vmem>>)
      %add3A_188 = arith.constant 1 : i32
      %add3A_189 = arith.addi %add3A_4, %add3A_188 : i32
      %mul3A_190 = arith.constant 128 : i32
      %mul3A_191 = arith.muli %add3A_189, %mul3A_190 : i32
      %add3A_192 = arith.constant 320000 : i32
      %add3A_193 = arith.addi %add3A_192, %mul3A_191 : i32
      %multiple_of3A_194 = tpu.assume_multiple %add3A_193, 8 : i32
      %dma_wait3A_195 = tpu.memref_slice %arg2[%multiple_of3A_194] : memref<640000xi32, #tpu.memory_space<hbm>> -> memref<128xi32, #tpu.memory_space<hbm>>
      %dma_wait3A_196 = tpu.memref_slice %arg2[%multiple_of3A_194] : memref<640000xi32, #tpu.memory_space<hbm>> -> memref<128xi32, #tpu.memory_space<hbm>>
      tpu.wait_dma2 semaphore(%arg16 : memref<!tpu.dma_semaphore, #tpu.memory_space<semaphore_mem>>) src(%dma_wait3A_196 : memref<128xi32, #tpu.memory_space<hbm>>) dst(%arg8 : memref<128xi32, #tpu.memory_space<vmem>>)
      %add3A_197 = arith.constant 3 : i32
      %add3A_198 = arith.addi %mul3A_160, %add3A_197 : i32
      %lt3A_199 = arith.cmpi slt, %add3A_198, %add3A_8 : i32
      %convert_element_type3A_200 = arith.extui %lt3A_199 : i1 to i32
      %cond3A_201 = arith.constant 0 : i32
      %cond3A_202 = arith.cmpi ne, %convert_element_type3A_200, %cond3A_201 : i32
      scf.if %cond3A_202 {
        %add3A_209 = arith.constant 3 : i32
        %add3A_210 = arith.addi %mul3A_160, %add3A_209 : i32
        %add3A_211 = arith.addi %add3A_4, %add3A_210 : i32
        %mul3A_212 = arith.constant 128 : i32
        %mul3A_213 = arith.muli %add3A_211, %mul3A_212 : i32
        %multiple_of3A_214 = tpu.assume_multiple %mul3A_213, 8 : i32
        %dma_start3A_215 = tpu.memref_slice %arg2[%multiple_of3A_214] : memref<640000xi32, #tpu.memory_space<hbm>> -> memref<128xi32, #tpu.memory_space<hbm>>
        %dma_start3A_216 = tpu.memref_slice %arg2[%multiple_of3A_214] : memref<640000xi32, #tpu.memory_space<hbm>> -> memref<128xi32, #tpu.memory_space<hbm>>
        tpu.enqueue_dma source(%dma_start3A_216 : memref<128xi32, #tpu.memory_space<hbm>>) target(%arg9 : memref<128xi32, #tpu.memory_space<vmem>>) target_semaphore(%arg17 : memref<!tpu.dma_semaphore, #tpu.memory_space<semaphore_mem>>)
      } else {
      }
      "tpu.region"() ({
        %run_scoped3A = tpu.sem_alloc : memref<!tpu.dma_semaphore, #tpu.memory_space<semaphore_mem>>
        %dma_start3A_209 = arith.constant 0 : i32
        %dma_start3A_210 = arith.constant 0 : i32
        %dma_start3A_211 = tpu.memref_slice %arg5[%dma_start3A_209, %dma_start3A_210] : memref<10112x128xf32, #tpu.memory_space<vmem_shared>> -> memref<10112x128xf32, #tpu.memory_space<vmem_shared>>
        tpu.enqueue_indirect_dma source(%arg11 : memref<128x128xf32, #tpu.memory_space<vmem>>) target(%dma_start3A_211 : memref<10112x128xf32, #tpu.memory_space<vmem_shared>>) offsets(%arg8 : memref<128xi32, #tpu.memory_space<vmem>>) semaphore(%run_scoped3A : memref<!tpu.dma_semaphore, #tpu.memory_space<semaphore_mem>>) {add = true}
        %dma_wait3A_212 = arith.constant 0 : i32
        %dma_wait3A_213 = arith.constant 0 : i32
        %dma_wait3A_214 = tpu.memref_slice %arg5[%dma_wait3A_212, %dma_wait3A_213] : memref<10112x128xf32, #tpu.memory_space<vmem_shared>> -> memref<10112x128xf32, #tpu.memory_space<vmem_shared>>
        tpu.wait_indirect_dma semaphore(%run_scoped3A : memref<!tpu.dma_semaphore, #tpu.memory_space<semaphore_mem>>) src(%arg11 : memref<128x128xf32, #tpu.memory_space<vmem>>) dst(%dma_wait3A_214 : memref<10112x128xf32, #tpu.memory_space<vmem_shared>>)
        tpu.yield
      }) : () -> ()
      %add3A_203 = arith.constant 3 : i32
      %add3A_204 = arith.addi %mul3A_160, %add3A_203 : i32
      %lt3A_205 = arith.cmpi slt, %add3A_204, %add3A_8 : i32
      %convert_element_type3A_206 = arith.extui %lt3A_205 : i1 to i32
      %cond3A_207 = arith.constant 0 : i32
      %cond3A_208 = arith.cmpi ne, %convert_element_type3A_206, %cond3A_207 : i32
      scf.if %cond3A_208 {
        %add3A_209 = arith.constant 3 : i32
        %add3A_210 = arith.addi %mul3A_160, %add3A_209 : i32
        %add3A_211 = arith.addi %add3A_4, %add3A_210 : i32
        %mul3A_212 = arith.constant 128 : i32
        %mul3A_213 = arith.muli %add3A_211, %mul3A_212 : i32
        %add3A_214 = arith.constant 320000 : i32
        %add3A_215 = arith.addi %add3A_214, %mul3A_213 : i32
        %multiple_of3A_216 = tpu.assume_multiple %add3A_215, 8 : i32
        %dma_start3A_217 = tpu.memref_slice %arg2[%multiple_of3A_216] : memref<640000xi32, #tpu.memory_space<hbm>> -> memref<128xi32, #tpu.memory_space<hbm>>
        %dma_start3A_218 = tpu.memref_slice %arg2[%multiple_of3A_216] : memref<640000xi32, #tpu.memory_space<hbm>> -> memref<128xi32, #tpu.memory_space<hbm>>
        tpu.enqueue_dma source(%dma_start3A_218 : memref<128xi32, #tpu.memory_space<hbm>>) target(%arg8 : memref<128xi32, #tpu.memory_space<vmem>>) target_semaphore(%arg16 : memref<!tpu.dma_semaphore, #tpu.memory_space<semaphore_mem>>)
        %add3A_219 = arith.constant 0 : i32
        %add3A_220 = arith.addi %add3A_4, %add3A_219 : i32
        %mul3A_221 = arith.constant 128 : i32
        %mul3A_222 = arith.muli %add3A_220, %mul3A_221 : i32
        %multiple_of3A_223 = tpu.assume_multiple %mul3A_222, 8 : i32
        %dma_wait3A_224 = tpu.memref_slice %arg2[%multiple_of3A_223] : memref<640000xi32, #tpu.memory_space<hbm>> -> memref<128xi32, #tpu.memory_space<hbm>>
        %dma_wait3A_225 = tpu.memref_slice %arg2[%multiple_of3A_223] : memref<640000xi32, #tpu.memory_space<hbm>> -> memref<128xi32, #tpu.memory_space<hbm>>
        tpu.wait_dma2 semaphore(%arg17 : memref<!tpu.dma_semaphore, #tpu.memory_space<semaphore_mem>>) src(%dma_wait3A_225 : memref<128xi32, #tpu.memory_space<hbm>>) dst(%arg9 : memref<128xi32, #tpu.memory_space<vmem>>)
        %dma_start3A_226 = arith.constant 0 : i32
        %dma_start3A_227 = arith.constant 0 : i32
        %dma_start3A_228 = tpu.memref_slice %arg3[%dma_start3A_226, %dma_start3A_227] : memref<10240x128xf32, #tpu.memory_space<hbm>> -> memref<10240x128xf32, #tpu.memory_space<hbm>>
        tpu.enqueue_indirect_dma source(%dma_start3A_228 : memref<10240x128xf32, #tpu.memory_space<hbm>>) target(%arg11 : memref<128x128xf32, #tpu.memory_space<vmem>>) offsets(%arg9 : memref<128xi32, #tpu.memory_space<vmem>>) semaphore(%arg13 : memref<!tpu.dma_semaphore, #tpu.memory_space<semaphore_mem>>)
      } else {
      }
    }
    %scan3A_150 = arith.constant 39 : i32
    %gt3A = arith.constant 78 : i32
    %gt3A_151 = arith.cmpi sgt, %add3A_8, %gt3A : i32
    %convert_element_type3A = arith.extui %gt3A_151 : i1 to i32
    %cond3A = arith.constant 0 : i32
    %cond3A_152 = arith.cmpi ne, %convert_element_type3A, %cond3A : i32
    scf.if %cond3A_152 {
      %dma_wait3A_158 = arith.constant 0 : i32
      %dma_wait3A_159 = arith.constant 0 : i32
      %dma_wait3A_160 = tpu.memref_slice %arg3[%dma_wait3A_158, %dma_wait3A_159] : memref<10240x128xf32, #tpu.memory_space<hbm>> -> memref<10240x128xf32, #tpu.memory_space<hbm>>
      tpu.wait_indirect_dma semaphore(%arg12 : memref<!tpu.dma_semaphore, #tpu.memory_space<semaphore_mem>>) src(%dma_wait3A_160 : memref<10240x128xf32, #tpu.memory_space<hbm>>) dst(%arg10 : memref<128x128xf32, #tpu.memory_space<vmem>>)
      %add3A_161 = arith.constant 0 : i32
      %add3A_162 = arith.addi %add3A_4, %add3A_161 : i32
      %mul3A_163 = arith.constant 128 : i32
      %mul3A_164 = arith.muli %add3A_162, %mul3A_163 : i32
      %add3A_165 = arith.constant 320000 : i32
      %add3A_166 = arith.addi %add3A_165, %mul3A_164 : i32
      %multiple_of3A_167 = tpu.assume_multiple %add3A_166, 8 : i32
      %dma_wait3A_168 = tpu.memref_slice %arg2[%multiple_of3A_167] : memref<640000xi32, #tpu.memory_space<hbm>> -> memref<128xi32, #tpu.memory_space<hbm>>
      %dma_wait3A_169 = tpu.memref_slice %arg2[%multiple_of3A_167] : memref<640000xi32, #tpu.memory_space<hbm>> -> memref<128xi32, #tpu.memory_space<hbm>>
      tpu.wait_dma2 semaphore(%arg14 : memref<!tpu.dma_semaphore, #tpu.memory_space<semaphore_mem>>) src(%dma_wait3A_169 : memref<128xi32, #tpu.memory_space<hbm>>) dst(%arg6 : memref<128xi32, #tpu.memory_space<vmem>>)
      "tpu.region"() ({
        %run_scoped3A = tpu.sem_alloc : memref<!tpu.dma_semaphore, #tpu.memory_space<semaphore_mem>>
        %dma_start3A_170 = arith.constant 0 : i32
        %dma_start3A_171 = arith.constant 0 : i32
        %dma_start3A_172 = tpu.memref_slice %arg5[%dma_start3A_170, %dma_start3A_171] : memref<10112x128xf32, #tpu.memory_space<vmem_shared>> -> memref<10112x128xf32, #tpu.memory_space<vmem_shared>>
        tpu.enqueue_indirect_dma source(%arg10 : memref<128x128xf32, #tpu.memory_space<vmem>>) target(%dma_start3A_172 : memref<10112x128xf32, #tpu.memory_space<vmem_shared>>) offsets(%arg6 : memref<128xi32, #tpu.memory_space<vmem>>) semaphore(%run_scoped3A : memref<!tpu.dma_semaphore, #tpu.memory_space<semaphore_mem>>) {add = true}
        %dma_wait3A_173 = arith.constant 0 : i32
        %dma_wait3A_174 = arith.constant 0 : i32
        %dma_wait3A_175 = tpu.memref_slice %arg5[%dma_wait3A_173, %dma_wait3A_174] : memref<10112x128xf32, #tpu.memory_space<vmem_shared>> -> memref<10112x128xf32, #tpu.memory_space<vmem_shared>>
        tpu.wait_indirect_dma semaphore(%run_scoped3A : memref<!tpu.dma_semaphore, #tpu.memory_space<semaphore_mem>>) src(%arg10 : memref<128x128xf32, #tpu.memory_space<vmem>>) dst(%dma_wait3A_175 : memref<10112x128xf32, #tpu.memory_space<vmem_shared>>)
        tpu.yield
      }) : () -> ()
    } else {
    }
    %barrier3A_153 = arith.constant 0 : index
    tpu.barrier barrier_id(%barrier3A_153)
    %mul3A_154 = arith.constant 632 : i32
    %mul3A_155 = arith.muli %arg1, %mul3A_154 : i32
    %mul3A_156 = arith.constant 632 : i32
    %mul3A_157 = arith.muli %arg1, %mul3A_156 : i32
    "tpu.region"() ({
      %run_scoped3A = tpu.sem_alloc : memref<!tpu.dma_semaphore, #tpu.memory_space<semaphore_mem>>
      %dma_start3A_158 = arith.constant 0 : i32
      %dma_start3A_159 = tpu.memref_slice %arg4[%arg0, %mul3A_157, %dma_start3A_158] : memref<2x10112x128xf32, #tpu.memory_space<hbm>> -> memref<1x632x128xf32, #tpu.memory_space<hbm>>
      %dma_start3A_160 = tpu.memref_squeeze %dma_start3A_159 : memref<1x632x128xf32, #tpu.memory_space<hbm>> -> memref<632x128xf32, #tpu.memory_space<hbm>>
      %dma_start3A_161 = arith.constant 0 : i32
      %dma_start3A_162 = tpu.memref_slice %arg5[%mul3A_155, %dma_start3A_161] : memref<10112x128xf32, #tpu.memory_space<vmem_shared>> -> memref<632x128xf32, #tpu.memory_space<vmem_shared>>
      tpu.enqueue_dma source(%dma_start3A_162 : memref<632x128xf32, #tpu.memory_space<vmem_shared>>) target(%dma_start3A_160 : memref<632x128xf32, #tpu.memory_space<hbm>>) target_semaphore(%run_scoped3A : memref<!tpu.dma_semaphore, #tpu.memory_space<semaphore_mem>>)
      %dma_wait3A_163 = arith.constant 0 : i32
      %dma_wait3A_164 = tpu.memref_slice %arg4[%arg0, %mul3A_157, %dma_wait3A_163] : memref<2x10112x128xf32, #tpu.memory_space<hbm>> -> memref<1x632x128xf32, #tpu.memory_space<hbm>>
      %dma_wait3A_165 = tpu.memref_squeeze %dma_wait3A_164 : memref<1x632x128xf32, #tpu.memory_space<hbm>> -> memref<632x128xf32, #tpu.memory_space<hbm>>
      %dma_wait3A_166 = arith.constant 0 : i32
      %dma_wait3A_167 = tpu.memref_slice %arg5[%mul3A_155, %dma_wait3A_166] : memref<10112x128xf32, #tpu.memory_space<vmem_shared>> -> memref<632x128xf32, #tpu.memory_space<vmem_shared>>
      tpu.wait_dma2 semaphore(%run_scoped3A : memref<!tpu.dma_semaphore, #tpu.memory_space<semaphore_mem>>) src(%dma_wait3A_167 : memref<632x128xf32, #tpu.memory_space<vmem_shared>>) dst(%dma_wait3A_165 : memref<632x128xf32, #tpu.memory_space<hbm>>)
      tpu.yield
    }) : () -> ()
    return
  }
}

module attributes {stable_mosaic.version = 14 : i64} {
  func.func @_tc_scale_body(%arg0: i32, %arg1: memref<2048x128xf32, #tpu.memory_space<vmem>>, %arg2: memref<2x16x128xf32, #tpu.memory_space<vmem>>, %arg3: memref<2048x128xf32, #tpu.memory_space<vmem>>, %arg4: memref<16x128xf32, #tpu.memory_space<vmem>>) attributes {dimension_semantics = [#tpu.dimension_semantics<arbitrary>], iteration_bounds = array<i64: 5>, scalar_prefetch = 0 : i64, scratch_operands = 0 : i64, tpu.core_type = #tpu.core_type<tc>, window_params = [{transform_indices = @transform_0, window_bounds = array<i64: 2048, 128>}, {transform_indices = @transform_1, window_bounds = array<i64: 2, 16, 128>}, {transform_indices = @transform_2, window_bounds = array<i64: 2048, 128>}, {transform_indices = @transform_3, window_bounds = array<i64: 16, 128>}]} {
    %get3A = arith.constant 0 : index
    %get3A_0 = arith.constant 0 : index
    %get3A_1 = arith.constant 0 : index
    %get3A_2 = vector.load %arg2[%get3A, %get3A_0, %get3A_1] : memref<2x16x128xf32, #tpu.memory_space<vmem>>, vector<1x16x128xf32>
    %get3A_3 = vector.shape_cast %get3A_2 : vector<1x16x128xf32> to vector<16x128xf32>
    %get3A_4 = arith.constant 1 : index
    %get3A_5 = arith.constant 0 : index
    %get3A_6 = arith.constant 0 : index
    %get3A_7 = vector.load %arg2[%get3A_4, %get3A_5, %get3A_6] : memref<2x16x128xf32, #tpu.memory_space<vmem>>, vector<1x16x128xf32>
    %get3A_8 = vector.shape_cast %get3A_7 : vector<1x16x128xf32> to vector<16x128xf32>
    %add3A = arith.addf %get3A_3, %get3A_8 : vector<16x128xf32>
    %add3A_9 = arith.constant 1.000000e+00 : f32
    %add3A_10 = vector.broadcast %add3A_9 : f32 to vector<16x128xf32>
    %add3A_11 = arith.addf %add3A, %add3A_10 : vector<16x128xf32>
    %rsqrt3A = math.rsqrt %add3A_11 : vector<16x128xf32>
    %swap3A = arith.constant 0 : index
    %swap3A_12 = arith.constant 0 : index
    %swap3A_13 = vector.load %arg4[%swap3A, %swap3A_12] : memref<16x128xf32, #tpu.memory_space<vmem>>, vector<16x128xf32>
    tpu.vector_store %arg4[%swap3A, %swap3A_12], %rsqrt3A {strides = array<i32>} : memref<16x128xf32, #tpu.memory_space<vmem>>, vector<16x128xf32>,
    %get3A_14 = arith.constant 0 : index
    %get3A_15 = arith.constant 0 : index
    %get3A_16 = vector.load %arg1[%get3A_14, %get3A_15] : memref<2048x128xf32, #tpu.memory_space<vmem>>, vector<2048x128xf32>
    %reshape3A = vector.shape_cast %get3A_16 : vector<2048x128xf32> to vector<16x128x128xf32>
    %broadcast_in_dim3A = vector.shape_cast %rsqrt3A : vector<16x128xf32> to vector<16x128x1xf32>
    %mul3A = vector.broadcast %broadcast_in_dim3A : vector<16x128x1xf32> to vector<16x128x128xf32>
    %mul3A_17 = arith.mulf %reshape3A, %mul3A : vector<16x128x128xf32>
    %reshape3A_18 = vector.shape_cast %mul3A_17 : vector<16x128x128xf32> to vector<2048x128xf32>
    %swap3A_19 = arith.constant 0 : index
    %swap3A_20 = arith.constant 0 : index
    %swap3A_21 = vector.load %arg3[%swap3A_19, %swap3A_20] : memref<2048x128xf32, #tpu.memory_space<vmem>>, vector<2048x128xf32>
    tpu.vector_store %arg3[%swap3A_19, %swap3A_20], %reshape3A_18 {strides = array<i32>} : memref<2048x128xf32, #tpu.memory_space<vmem>>, vector<2048x128xf32>,
    return
  }
  func.func @transform_0(%arg0: i32) -> (i32, i32) {
    %c0_i32 = arith.constant 0 : i32
    %c0_i32_0 = arith.constant 0 : i32
    return %arg0, %c0_i32 : i32, i32
  }
  func.func @transform_1(%arg0: i32) -> (i32, i32, i32) {
    %c0_i32 = arith.constant 0 : i32
    %c0_i32_0 = arith.constant 0 : i32
    %c0_i32_1 = arith.constant 0 : i32
    return %c0_i32, %arg0, %c0_i32_0 : i32, i32, i32
  }
  func.func @transform_2(%arg0: i32) -> (i32, i32) {
    %c0_i32 = arith.constant 0 : i32
    %c0_i32_0 = arith.constant 0 : i32
    return %arg0, %c0_i32 : i32, i32
  }
  func.func @transform_3(%arg0: i32) -> (i32, i32) {
    %c0_i32 = arith.constant 0 : i32
    %c0_i32_0 = arith.constant 0 : i32
    return %arg0, %c0_i32 : i32, i32
  }
}

module attributes {stable_mosaic.version = 14 : i64} {
  func.func @_tc_mm_body(%arg0: i32, %arg1: memref<2000x128xf32, #tpu.memory_space<vmem>>, %arg2: memref<128x128xf32, #tpu.memory_space<vmem>>, %arg3: memref<2000x128xf32, #tpu.memory_space<vmem>>) attributes {dimension_semantics = [#tpu.dimension_semantics<arbitrary>], iteration_bounds = array<i64: 5>, scalar_prefetch = 0 : i64, scratch_operands = 0 : i64, tpu.core_type = #tpu.core_type<tc>, window_params = [{transform_indices = @transform_0, window_bounds = array<i64: 2000, 128>}, {pipeline_mode = #tpu.pipeline_mode<synchronous>, transform_indices = @transform_1, window_bounds = array<i64: 128, 128>}, {transform_indices = @transform_2, window_bounds = array<i64: 2000, 128>}]} {
    %get3A = arith.constant 0 : index
    %get3A_0 = arith.constant 0 : index
    %get3A_1 = vector.load %arg1[%get3A, %get3A_0] : memref<2000x128xf32, #tpu.memory_space<vmem>>, vector<2000x128xf32>
    %get3A_2 = arith.constant 0 : index
    %get3A_3 = arith.constant 0 : index
    %get3A_4 = vector.load %arg2[%get3A_2, %get3A_3] : memref<128x128xf32, #tpu.memory_space<vmem>>, vector<128x128xf32>
    %dot_general3A = arith.constant dense<0.000000e+00> : vector<2000x128xf32>
    %dot_general3A_5 = tpu.matmul %get3A_1, %get3A_4, %dot_general3A {dimension_numbers = #tpu.dot_dimension_numbers<[1], [0], [0], [1], [0, 0, 1, 1], [], []>, transpose_lhs_hint = false} : vector<2000x128xf32>, vector<128x128xf32>, vector<2000x128xf32> -> vector<2000x128xf32>
    %swap3A = arith.constant 0 : index
    %swap3A_6 = arith.constant 0 : index
    %swap3A_7 = vector.load %arg3[%swap3A, %swap3A_6] : memref<2000x128xf32, #tpu.memory_space<vmem>>, vector<2000x128xf32>
    tpu.vector_store %arg3[%swap3A, %swap3A_6], %dot_general3A_5 {strides = array<i32>} : memref<2000x128xf32, #tpu.memory_space<vmem>>, vector<2000x128xf32>,
    return
  }
  func.func @transform_0(%arg0: i32) -> (i32, i32) {
    %c0_i32 = arith.constant 0 : i32
    %c0_i32_0 = arith.constant 0 : i32
    return %arg0, %c0_i32 : i32, i32
  }
  func.func @transform_1(%arg0: i32) -> (i32, i32) {
    %c0_i32 = arith.constant 0 : i32
    %c0_i32_0 = arith.constant 0 : i32
    %c0_i32_1 = arith.constant 0 : i32
    return %c0_i32, %c0_i32_0 : i32, i32
  }
  func.func @transform_2(%arg0: i32) -> (i32, i32) {
    %c0_i32 = arith.constant 0 : i32
    %c0_i32_0 = arith.constant 0 : i32
    return %arg0, %c0_i32 : i32, i32
  }
}

module attributes {stable_mosaic.version = 14 : i64} {
  func.func @_tc_mid_body(%arg0: i32, %arg1: memref<2x2048x128xf32, #tpu.memory_space<vmem>>, %arg2: memref<2048x128xf32, #tpu.memory_space<vmem>>, %arg3: memref<16x128xf32, #tpu.memory_space<vmem>>, %arg4: memref<1x128xf32, #tpu.memory_space<vmem>>, %arg5: memref<128x128xf32, #tpu.memory_space<vmem>>, %arg6: memref<2048x128xf32, #tpu.memory_space<vmem>>) attributes {dimension_semantics = [#tpu.dimension_semantics<arbitrary>], iteration_bounds = array<i64: 5>, scalar_prefetch = 0 : i64, scratch_operands = 0 : i64, tpu.core_type = #tpu.core_type<tc>, window_params = [{transform_indices = @transform_0, window_bounds = array<i64: 2, 2048, 128>}, {transform_indices = @transform_1, window_bounds = array<i64: 2048, 128>}, {transform_indices = @transform_2, window_bounds = array<i64: 16, 128>}, {pipeline_mode = #tpu.pipeline_mode<synchronous>, transform_indices = @transform_3, window_bounds = array<i64: 1, 128>}, {pipeline_mode = #tpu.pipeline_mode<synchronous>, transform_indices = @transform_4, window_bounds = array<i64: 128, 128>}, {transform_indices = @transform_5, window_bounds = array<i64: 2048, 128>}]} {
    %get3A = arith.constant 0 : index
    %get3A_0 = arith.constant 0 : index
    %get3A_1 = vector.load %arg3[%get3A, %get3A_0] : memref<16x128xf32, #tpu.memory_space<vmem>>, vector<16x128xf32>
    %broadcast_in_dim3A = vector.shape_cast %get3A_1 : vector<16x128xf32> to vector<16x128x1xf32>
    %get3A_2 = arith.constant 0 : index
    %get3A_3 = arith.constant 0 : index
    %get3A_4 = arith.constant 0 : index
    %get3A_5 = vector.load %arg1[%get3A_2, %get3A_3, %get3A_4] : memref<2x2048x128xf32, #tpu.memory_space<vmem>>, vector<1x2048x128xf32>
    %get3A_6 = vector.shape_cast %get3A_5 : vector<1x2048x128xf32> to vector<2048x128xf32>
    %get3A_7 = arith.constant 1 : index
    %get3A_8 = arith.constant 0 : index
    %get3A_9 = arith.constant 0 : index
    %get3A_10 = vector.load %arg1[%get3A_7, %get3A_8, %get3A_9] : memref<2x2048x128xf32, #tpu.memory_space<vmem>>, vector<1x2048x128xf32>
    %get3A_11 = vector.shape_cast %get3A_10 : vector<1x2048x128xf32> to vector<2048x128xf32>
    %add3A = arith.addf %get3A_6, %get3A_11 : vector<2048x128xf32>
    %get3A_12 = arith.constant 0 : index
    %get3A_13 = arith.constant 0 : index
    %get3A_14 = vector.load %arg2[%get3A_12, %get3A_13] : memref<2048x128xf32, #tpu.memory_space<vmem>>, vector<2048x128xf32>
    %add3A_15 = arith.addf %add3A, %get3A_14 : vector<2048x128xf32>
    %reshape3A = vector.shape_cast %add3A_15 : vector<2048x128xf32> to vector<16x128x128xf32>
    %mul3A = vector.broadcast %broadcast_in_dim3A : vector<16x128x1xf32> to vector<16x128x128xf32>
    %mul3A_16 = arith.mulf %reshape3A, %mul3A : vector<16x128x128xf32>
    %get3A_17 = arith.constant 0 : index
    %get3A_18 = arith.constant 0 : index
    %get3A_19 = vector.load %arg4[%get3A_17, %get3A_18] : memref<1x128xf32, #tpu.memory_space<vmem>>, vector<1x128xf32>
    %reshape3A_20 = vector.shape_cast %get3A_19 : vector<1x128xf32> to vector<1x1x128xf32>
    %add3A_21 = vector.broadcast %reshape3A_20 : vector<1x1x128xf32> to vector<16x128x128xf32>
    %add3A_22 = arith.addf %mul3A_16, %add3A_21 : vector<16x128x128xf32>
    %max3A = arith.constant 0.000000e+00 : f32
    %max3A_23 = vector.broadcast %max3A : f32 to vector<16x128x128xf32>
    %max3A_24 = arith.maximumf %add3A_22, %max3A_23 : vector<16x128x128xf32>
    %reshape3A_25 = vector.shape_cast %max3A_24 : vector<16x128x128xf32> to vector<2048x128xf32>
    %get3A_26 = arith.constant 0 : index
    %get3A_27 = arith.constant 0 : index
    %get3A_28 = vector.load %arg5[%get3A_26, %get3A_27] : memref<128x128xf32, #tpu.memory_space<vmem>>, vector<128x128xf32>
    %dot_general3A = arith.constant dense<0.000000e+00> : vector<2048x128xf32>
    %dot_general3A_29 = tpu.matmul %reshape3A_25, %get3A_28, %dot_general3A {dimension_numbers = #tpu.dot_dimension_numbers<[1], [0], [0], [1], [0, 0, 1, 1], [], []>, transpose_lhs_hint = false} : vector<2048x128xf32>, vector<128x128xf32>, vector<2048x128xf32> -> vector<2048x128xf32>
    %reshape3A_30 = vector.shape_cast %dot_general3A_29 : vector<2048x128xf32> to vector<16x128x128xf32>
    %mul3A_31 = vector.broadcast %broadcast_in_dim3A : vector<16x128x1xf32> to vector<16x128x128xf32>
    %mul3A_32 = arith.mulf %reshape3A_30, %mul3A_31 : vector<16x128x128xf32>
    %reshape3A_33 = vector.shape_cast %mul3A_32 : vector<16x128x128xf32> to vector<2048x128xf32>
    %swap3A = arith.constant 0 : index
    %swap3A_34 = arith.constant 0 : index
    %swap3A_35 = vector.load %arg6[%swap3A, %swap3A_34] : memref<2048x128xf32, #tpu.memory_space<vmem>>, vector<2048x128xf32>
    tpu.vector_store %arg6[%swap3A, %swap3A_34], %reshape3A_33 {strides = array<i32>} : memref<2048x128xf32, #tpu.memory_space<vmem>>, vector<2048x128xf32>,
    return
  }
  func.func @transform_0(%arg0: i32) -> (i32, i32, i32) {
    %c0_i32 = arith.constant 0 : i32
    %c0_i32_0 = arith.constant 0 : i32
    %c0_i32_1 = arith.constant 0 : i32
    return %c0_i32, %arg0, %c0_i32_0 : i32, i32, i32
  }
  func.func @transform_1(%arg0: i32) -> (i32, i32) {
    %c0_i32 = arith.constant 0 : i32
    %c0_i32_0 = arith.constant 0 : i32
    return %arg0, %c0_i32 : i32, i32
  }
  func.func @transform_2(%arg0: i32) -> (i32, i32) {
    %c0_i32 = arith.constant 0 : i32
    %c0_i32_0 = arith.constant 0 : i32
    return %arg0, %c0_i32 : i32, i32
  }
  func.func @transform_3(%arg0: i32) -> (i32, i32) {
    %c0_i32 = arith.constant 0 : i32
    %c0_i32_0 = arith.constant 0 : i32
    %c0_i32_1 = arith.constant 0 : i32
    return %c0_i32, %c0_i32_0 : i32, i32
  }
  func.func @transform_4(%arg0: i32) -> (i32, i32) {
    %c0_i32 = arith.constant 0 : i32
    %c0_i32_0 = arith.constant 0 : i32
    %c0_i32_1 = arith.constant 0 : i32
    return %c0_i32, %c0_i32_0 : i32, i32
  }
  func.func @transform_5(%arg0: i32) -> (i32, i32) {
    %c0_i32 = arith.constant 0 : i32
    %c0_i32_0 = arith.constant 0 : i32
    return %arg0, %c0_i32 : i32, i32
  }
}

module attributes {stable_mosaic.version = 14 : i64} {
  func.func @_tc_out_body(%arg0: i32, %arg1: memref<2x2048x128xf32, #tpu.memory_space<vmem>>, %arg2: memref<2048x128xf32, #tpu.memory_space<vmem>>, %arg3: memref<16x128xf32, #tpu.memory_space<vmem>>, %arg4: memref<1x128xf32, #tpu.memory_space<vmem>>, %arg5: memref<2048x128xf32, #tpu.memory_space<vmem>>) attributes {dimension_semantics = [#tpu.dimension_semantics<arbitrary>], iteration_bounds = array<i64: 5>, scalar_prefetch = 0 : i64, scratch_operands = 0 : i64, tpu.core_type = #tpu.core_type<tc>, window_params = [{transform_indices = @transform_0, window_bounds = array<i64: 2, 2048, 128>}, {transform_indices = @transform_1, window_bounds = array<i64: 2048, 128>}, {transform_indices = @transform_2, window_bounds = array<i64: 16, 128>}, {pipeline_mode = #tpu.pipeline_mode<synchronous>, transform_indices = @transform_3, window_bounds = array<i64: 1, 128>}, {transform_indices = @transform_4, window_bounds = array<i64: 2048, 128>}]} {
    %get3A = arith.constant 0 : index
    %get3A_0 = arith.constant 0 : index
    %get3A_1 = vector.load %arg3[%get3A, %get3A_0] : memref<16x128xf32, #tpu.memory_space<vmem>>, vector<16x128xf32>
    %broadcast_in_dim3A = vector.shape_cast %get3A_1 : vector<16x128xf32> to vector<16x128x1xf32>
    %get3A_2 = arith.constant 0 : index
    %get3A_3 = arith.constant 0 : index
    %get3A_4 = arith.constant 0 : index
    %get3A_5 = vector.load %arg1[%get3A_2, %get3A_3, %get3A_4] : memref<2x2048x128xf32, #tpu.memory_space<vmem>>, vector<1x2048x128xf32>
    %get3A_6 = vector.shape_cast %get3A_5 : vector<1x2048x128xf32> to vector<2048x128xf32>
    %get3A_7 = arith.constant 1 : index
    %get3A_8 = arith.constant 0 : index
    %get3A_9 = arith.constant 0 : index
    %get3A_10 = vector.load %arg1[%get3A_7, %get3A_8, %get3A_9] : memref<2x2048x128xf32, #tpu.memory_space<vmem>>, vector<1x2048x128xf32>
    %get3A_11 = vector.shape_cast %get3A_10 : vector<1x2048x128xf32> to vector<2048x128xf32>
    %add3A = arith.addf %get3A_6, %get3A_11 : vector<2048x128xf32>
    %get3A_12 = arith.constant 0 : index
    %get3A_13 = arith.constant 0 : index
    %get3A_14 = vector.load %arg2[%get3A_12, %get3A_13] : memref<2048x128xf32, #tpu.memory_space<vmem>>, vector<2048x128xf32>
    %add3A_15 = arith.addf %add3A, %get3A_14 : vector<2048x128xf32>
    %reshape3A = vector.shape_cast %add3A_15 : vector<2048x128xf32> to vector<16x128x128xf32>
    %mul3A = vector.broadcast %broadcast_in_dim3A : vector<16x128x1xf32> to vector<16x128x128xf32>
    %mul3A_16 = arith.mulf %reshape3A, %mul3A : vector<16x128x128xf32>
    %get3A_17 = arith.constant 0 : index
    %get3A_18 = arith.constant 0 : index
    %get3A_19 = vector.load %arg4[%get3A_17, %get3A_18] : memref<1x128xf32, #tpu.memory_space<vmem>>, vector<1x128xf32>
    %reshape3A_20 = vector.shape_cast %get3A_19 : vector<1x128xf32> to vector<1x1x128xf32>
    %add3A_21 = vector.broadcast %reshape3A_20 : vector<1x1x128xf32> to vector<16x128x128xf32>
    %add3A_22 = arith.addf %mul3A_16, %add3A_21 : vector<16x128x128xf32>
    %max3A = arith.constant 0.000000e+00 : f32
    %max3A_23 = vector.broadcast %max3A : f32 to vector<16x128x128xf32>
    %max3A_24 = arith.maximumf %add3A_22, %max3A_23 : vector<16x128x128xf32>
    %reshape3A_25 = vector.shape_cast %max3A_24 : vector<16x128x128xf32> to vector<2048x128xf32>
    %swap3A = arith.constant 0 : index
    %swap3A_26 = arith.constant 0 : index
    %swap3A_27 = vector.load %arg5[%swap3A, %swap3A_26] : memref<2048x128xf32, #tpu.memory_space<vmem>>, vector<2048x128xf32>
    tpu.vector_store %arg5[%swap3A, %swap3A_26], %reshape3A_25 {strides = array<i32>} : memref<2048x128xf32, #tpu.memory_space<vmem>>, vector<2048x128xf32>,
    return
  }
  func.func @transform_0(%arg0: i32) -> (i32, i32, i32) {
    %c0_i32 = arith.constant 0 : i32
    %c0_i32_0 = arith.constant 0 : i32
    %c0_i32_1 = arith.constant 0 : i32
    return %c0_i32, %arg0, %c0_i32_0 : i32, i32, i32
  }
  func.func @transform_1(%arg0: i32) -> (i32, i32) {
    %c0_i32 = arith.constant 0 : i32
    %c0_i32_0 = arith.constant 0 : i32
    return %arg0, %c0_i32 : i32, i32
  }
  func.func @transform_2(%arg0: i32) -> (i32, i32) {
    %c0_i32 = arith.constant 0 : i32
    %c0_i32_0 = arith.constant 0 : i32
    return %arg0, %c0_i32 : i32, i32
  }
  func.func @transform_3(%arg0: i32) -> (i32, i32) {
    %c0_i32 = arith.constant 0 : i32
    %c0_i32_0 = arith.constant 0 : i32
    %c0_i32_1 = arith.constant 0 : i32
    return %c0_i32, %c0_i32_0 : i32, i32
  }
  func.func @transform_4(%arg0: i32) -> (i32, i32) {
    %c0_i32 = arith.constant 0 : i32
    %c0_i32_0 = arith.constant 0 : i32
    return %arg0, %c0_i32 : i32, i32
  }
}

</mosaic_0001>

<sc_bundles>
// kernel: kernel.12.cloned.1.call-start
scs
__scs_entry_jumppad:
0x0: {  	(pc) =	sbr.rel $0x88, $3  }
0x1: {  	(tag) =	ssettag $0x0;
	lr =	simm.s32 $0x1  }
0x2: {  	[smem:$0x3F9B] =	sst lr;
	_ =	strace $0xD0000000  }
0x3: {  	_ = 	snop  }
0x4: {  	_ = 	snop  }
0x5: {  	_ = 	snop  }
0x6: {  	_ = 	snop  }
0x7: {  	_ = 	snop  }
__scs_overlays_trampoline_lowered:
0x8: {  	[smem:$0x3FAA] =	sst s0  }
0x9: {  	[smem:$0x3FAB] =	sst s1  }
0xa: {  	[smem:$0x3FAC] =	sst s2  }
0xb: {  	[smem:$0x3FAD] =	sst s3  }
0xc: {  	[smem:$0x3FAE] =	sst s4  }
0xd: {  	[smem:$0x3FAF] =	sst s5  }
0xe: {  	[smem:$0x3FB0] =	sst s6  }
0xf: {  	[smem:$0x3FB1] =	sst s7  }
0x10: {  	[smem:$0x3FB2] =	sst s8  }
0x11: {  	[smem:$0x3FB3] =	sst s9;
	s0 =	simm.s32 @!p0 $0x0  }
0x12: {  	s1 =	sld [smem:$0x3F99];
	s0 =	simm.s32 @p0 $0x1  }
0x13: {  	[smem:$0x3FB4] =	sst s0;
	s0 =	simm.s32 @!p1 $0x0  }
0x14: {  	s2 =	sld [smem:$0x3F98];
	s0 =	simm.s32 @p1 $0x1  }
0x15: {  	[smem:$0x3FB5] =	sst s0;
	s0 =	simm.s32 @!p2 $0x0  }
0x16: {  	s3 =	sld [smem:$0x3FDB];
	s0 =	simm.s32 @p2 $0x1  }
0x17: {  	s4 =	simm.s32 $0x1BF5;
	[smem:$0x3FB7] =	sst s0  }
0x18: {  	s0 =	sld [smem:$0x3F9A];
	_ =	swait.ge [sflag:s4], $0x0  }
0x19: {  	s7 =	sld [smem:$0x3F9B]  }
0x1a: {  	s8 =	sadd.s32 $0xFFFFE003, lr  }
0x1b: {  	s9 =	sadd.s32 $0xFFFFFEF7, lr;
	s5 =	simm.s32 $0xFFFFFFFF;
	p2 =	slt.u32 s8, $0xFFFFF086  }
0x1c: {  	p1 =	slt.u32 s9, $0xF7A;
	s5 =	simm.s32 @!p2 $0x0  }
0x1d: {  	s5 =	simm.s32 @p1 $0x1;
	p0 =	seq.s32 s7, s2  }
0x1e: {  	s7 =	smul.u32 @!p0 $0xF7A, s2;
	p2 =	seq.s32 @!p0 s5, $0x0  }
0x1f: {  	s9 =	smul.u32 $0xF7A, s1;
	s8 =	simm.s32 @!p0 $0x1BF5;
	p2 =	por !p2, p0  }
0x20: {  	[sflag:s8] =	ssyncset.s32 @!p0 $0xFFFFF086;
	s6 =	sadd.s32 @!p0 s3, s7;
	s7 =	simm.s32 @!p0 $0x108  }
0x21: {  	s3 =	sadd.s32 s3, s9;
	s6 =	sadd.s32 @!p0 $0x88, s6;
	s7 =	simm.s32 @p2 $0x1082  }
0x22: {  	[simem:s7], [sflag:s8] =	dma.local @!p0 [hbm:s6], $0xF7A  }
0x23: {  	s9 =	sor.u32 $0xD0000000, s2;
	s6 =	simm.s32 $0x108;
	_ =	swait.ge @!p0 [sflag:s8], $0x0  }
0x24: {  	s3 =	sadd.s32 $0x88, s3;
	s6 =	simm.s32 @!p1 $0x1082;
	[sflag:s4] =	ssyncset.s32 $0xFFFFF086  }
0x25: {  	[simem:s6], [sflag:s4] =	dma.local [hbm:s3], $0xF7A  }
0x26: {  	[smem:$0x3F9B] =	sst s1;
	(tag) =	ssettag s2;
	_ =	strace s9  }
0x27: {  	s1 =	sld [smem:$0x3FAB]  }
0x28: {  	s2 =	sld [smem:$0x3FAC]  }
0x29: {  	s4 =	sld [smem:$0x3FAE]  }
0x2a: {  	p0 =	seq.s32 s5, $0x0;
	s5 =	sld [smem:$0x3FAF]  }
0x2b: {  	s6 =	sld [smem:$0x3FB0]  }
0x2c: {  	s7 =	sld [smem:$0x3FB1]  }
0x2d: {  	s3 =	simm.s32 $0x108;
	s8 =	sld [smem:$0x3FB2]  }
0x2e: {  	s3 =	simm.s32 @!p0 $0x1082;
	s9 =	sld [smem:$0x3FB3]  }
0x2f: {  	lr =	sadd.s32 s0, s3;
	s0 =	sld [smem:$0x3FAA]  }
0x30: {  	s3 =	sld [smem:$0x3FAD]  }
0x31: {  	[smem:$0x3FB6] =	sst s10  }
0x32: {  	s10 =	sld [smem:$0x3FB4];
	_ =	sdelay $0x3  }
0x33: {  	p0 =	seq.s32 s10, $0x1;
	s10 =	sld [smem:$0x3FB6];
	_ =	sdelay $0x3  }
0x34: {  	[smem:$0x3FB6] =	sst s10  }
0x35: {  	s10 =	sld [smem:$0x3FB5];
	_ =	sdelay $0x3  }
0x36: {  	p1 =	seq.s32 s10, $0x1;
	s10 =	sld [smem:$0x3FB6];
	_ =	sdelay $0x3  }
0x37: {  	[smem:$0x3FB6] =	sst s10  }
0x38: {  	s10 =	sld [smem:$0x3FB7]  }
0x39: {  	_ = 	snop;
	(pc) =	sbr.ind lr, $3  }
0x3a: {  	_ = 	snop  }
0x3b: {  	_ = 	snop  }
0x3c: {  	p2 =	seq.s32 s10, $0x1;
	s10 =	sld [smem:$0x3FB6]  }
0x3d: {  	_ =	shalt  }
0x3e: {  	_ =	shalt  }
0x3f: {  	_ =	shalt  }
0x40: {  	_ =	shalt  }
0x41: {  	_ =	shalt  }
0x42: {  	_ =	shalt  }
0x43: {  	_ =	shalt  }
0x44: {  	_ =	shalt  }
0x45: {  	_ =	shalt  }
0x46: {  	_ =	shalt  }
0x47: {  	_ =	shalt  }
0x48: {  	_ =	shalt  }
0x49: {  	_ =	shalt  }
0x4a: {  	_ =	shalt  }
0x4b: {  	_ =	shalt  }
0x4c: {  	_ =	shalt  }
0x4d: {  	_ =	shalt  }
0x4e: {  	_ =	shalt  }
0x4f: {  	_ =	shalt  }
0x50: {  	_ =	shalt  }
0x51: {  	_ =	shalt  }
0x52: {  	_ =	shalt  }
0x53: {  	_ =	shalt  }
0x54: {  	_ =	shalt  }
0x55: {  	_ =	shalt  }
0x56: {  	_ =	shalt  }
0x57: {  	_ =	shalt  }
0x58: {  	_ =	shalt  }
0x59: {  	_ =	shalt  }
0x5a: {  	_ =	shalt  }
0x5b: {  	_ =	shalt  }
0x5c: {  	_ =	shalt  }
0x5d: {  	_ =	shalt  }
0x5e: {  	_ =	shalt  }
0x5f: {  	_ =	shalt  }
0x60: {  	_ =	shalt  }
0x61: {  	_ =	shalt  }
0x62: {  	_ =	shalt  }
0x63: {  	_ =	shalt  }
0x64: {  	_ =	shalt  }
0x65: {  	_ =	shalt  }
0x66: {  	_ =	shalt  }
0x67: {  	_ =	shalt  }
0x68: {  	_ =	shalt  }
0x69: {  	_ =	shalt  }
0x6a: {  	_ =	shalt  }
0x6b: {  	_ =	shalt  }
0x6c: {  	_ =	shalt  }
0x6d: {  	_ =	shalt  }
0x6e: {  	_ =	shalt  }
0x6f: {  	_ =	shalt  }
0x70: {  	_ =	shalt  }
0x71: {  	_ =	shalt  }
0x72: {  	_ =	shalt  }
0x73: {  	_ =	shalt  }
0x74: {  	_ =	shalt  }
0x75: {  	_ =	shalt  }
0x76: {  	_ =	shalt  }
0x77: {  	_ =	shalt  }
0x78: {  	_ =	shalt  }
0x79: {  	_ =	shalt  }
0x7a: {  	_ =	shalt  }
0x7b: {  	_ =	shalt  }
0x7c: {  	_ =	shalt  }
0x7d: {  	_ =	shalt  }
0x7e: {  	_ =	shalt  }
0x7f: {  	_ =	shalt  }
0x80: {  	_ =	shalt  }
0x81: {  	_ =	shalt  }
0x82: {  	_ =	shalt  }
0x83: {  	_ =	shalt  }
0x84: {  	_ =	shalt  }
0x85: {  	_ =	shalt  }
0x86: {  	_ =	shalt  }
0x87: {  	_ =	shalt  }
.Lfunc_end0:
.L_simem_size_0:
called_computation.1_lowered:
.L_overlay_start_0:
0x88: {  	s2 =	sld [smem:$0x3FD9]  }
0x89: {  	s3 =	sld [smem:$0x3FFE];
	_ =	sdelay $0x1  }
0x8a: {  	s1 =	srdreg.scid  }
0x8b: {  	s0 =	sand.u32 $0x1, s1  }
0x8c: {  	s17 =	sshll.u32 s0, $0xA;
	s2 =	sadd.s32 s3, s2  }
0x8d: {  	s2 =	sadd.s32 s2, s17  }
0x8e: {  	[smem:$0x3FC2] =	sst s2  }
0x8f: {  	_ = 	snop  }
0x90: {  	s2 =	sld [smem:$0x3FD0];
	(tm) =	ssettm $0x1  }
0x91: {  	s18 =	sld [smem:$0x3FFB];
	_ =	sdelay $0x3  }
0x92: {  	_ =	strace s18  }
0x93: {  	s3 =	sld [smem:$0x3FFC];
	_ =	sdelay $0x3  }
0x94: {  	_ =	strace s3  }
0x95: {  	s3 =	sld [smem:$0x3FFD];
	_ =	sdelay $0x3  }
0x96: {  	_ =	strace s3  }
0x97: {  	_ =	strace $0x8FFFFFFF  }
0x98: {  	s19 =	sld [smem:$0x3FDB];
	_ =	sdelay $0x1  }
0x99: {  	s4 =	simm.s32 $_scs_section_size  }
0x9a: {  	s5 =	simm.s32 $_size__tile_overlayer_lowered;
	s6 =	simm.s32 $_tile_overlayer_lowered  }
0x9b: {  	s22 =	simm.s32 $0x1BFF;
	s21 =	sshll.u32 s6, $0x1;
	s3 =	sadd.s32 s4, s19  }
0x9c: {  	s7 =	simm.s32 $0x0;
	s20 =	sshll.u32 s5, $0x1;
	s5 =	sadd.s32 s21, s3  }
0x9d: {  	[timem:s7], [sflag:s22] =	dma.local [hbm:s5], s20  }
0x9e: {  	_ =	swait.ge [sflag:s22], s20  }
0x9f: {  	s4 =	ssub.s32 $0x0, s20;
	[sflag:s22] =	ssyncset.done $0x0  }
0xa0: {  	[sflag:s22] =	ssyncadd.s32 s4;
	_ =	sdelay $0x1  }
0xa1: {  	s23 =	simm.s32 $0x1B8B  }
0xa2: {  	_ =	swait.ge [sflag:s23], $0x1  }
0xa3: {  	[sflag:s23] =	ssyncset.done $0x0  }
0xa4: {  	s25 =	simm.s32 $0x1B8E;
	s24 =	sld [smem:$0x3FFE];
	[sflag:s23] =	ssyncadd.s32 $0xFFFFFFFF  }
0xa5: {  	s26 =	simm.s32 $execute0_lowered;
	[smem:$0x3FD2] =	sst s25  }
0xa6: {  	s5 =	sshll.u32 s26, $0x1;
	_ =	strace $0x80000049;
	[dreg:$0x1] =	wrdreg $0xFFFFFFFF  }
0xa7: {  	s28 =	simm.s32 $_size_execute0_lowered;
	s3 =	sadd.s32 s3, s5;
	[dreg:$0x0] =	wrdreg $0x0  }
0xa8: {  	s5 =	sshll.u32 s28, $0x1;
	[dreg:$0x2] =	wrdreg s3  }
0xa9: {  	[dreg:$0x3] =	wrdreg s5  }
0xaa: {  	[dreg:$0x4] =	wrdreg $0xC0  }
0xab: {  	_ =	task [dreg:s7], $0x5FFFF  }
0xac: {  	[dreg:$0x1] =	wrdreg $0xFFFFFFFF  }
0xad: {  	[dreg:$0x0] =	wrdreg $0x60  }
0xae: {  	[dreg:$0x2] =	wrdreg s2  }
0xaf: {  	[dreg:$0x3] =	wrdreg s24  }
0xb0: {  	[dreg:$0x4] =	wrdreg $0x0  }
0xb1: {  	[dreg:$0x5] =	wrdreg $0x9  }
0xb2: {  	_ =	task.clear_ibuf [dreg:s7], $0x6FFFF;
	_ =	strace $0x90000049  }
0xb3: {  	s29 =	simm.s32 $0x9;
	_ =	strace $0x8000004B  }
0xb4: {  	_ =	swait.ge [sflag:s29], $0x1  }
0xb5: {  	[sflag:s29] =	ssyncadd.s32 $0xFFFFFFFF  }
0xb6: {  	_ =	strace $0x9000004B  }
0xb7: {  	_ =	sfence  }
0xb8: {  	s30 =	sld [smem:$0x0];
	_ =	sdelay $0x2  }
0xb9: {  	s31 =	sshll.u32 s1, $0xD;
	s1 =	sshrl.u32 s1, $0x2  }
0xba: {  	s3 =	sand.u32 $0x4000, s31;
	s1 =	sadd.s32 s1, s30  }
0xbb: {  	s0 =	sor.u32 s3, s0;
	s1 =	sshll.u32 s1, $0x11  }
0xbc: {  	s0 =	sor.u32 s1, s0  }
0xbd: {  	s0 =	sadd.s32 $0x8F2B, s0  }
0xbe: {  	[sflag:s0] =	ssyncadd.remote.s32 $0x1  }
0xbf: {  	_ =	sfence.sel $0xFFFF  }
0xc0: {  	[dreg:$0x0] =	wrdreg $0xFFFFFFFF;
	(pc) =	sbr.abs _section_cstart, $3  }
0xc1: {  	[dreg:$0x1] =	wrdreg $0xFFFFFFFF  }
0xc2: {  	_ =	task.clear_ibuf [dreg:s7], $0x2FFFF;
	_ =	strace $0x9FFFFFFF  }
0xc3: {  	(tm) =	ssettm $0x7FFFFFFF  }
tec
execute0_lowered:
.L_overlay_start_1:
0x0: {  	(tag) =	ssettag $0x1  }
0x1: {  	s0 =	rddreg [dreg:$0x0]  }
0x2: {  	s2 =	rddreg [dreg:$0x1]  }
0x3: {  	s1 =	rddreg [dreg:$0x2]  }
0x4: {  	s3 =	srdreg.scid;
	s14 =	stileid.u32;
	s28 =	simm.s32 $0x6  }
0x5: {  	s30 =	simm.s32 $0x3;
	s31 =	simm.s32 $0x7;
	s6 =	smul.u32 $0x13C00, s14  }
0x6: {  	s7 =	sand.u32 $0x1, s3;
	s3 =	simm.s32 $0x0;
	s11 =	smul.u32 $0x4F000, s14  }
0x7: {  	s4 =	sadd.s32 $0x2C00, s2;
	s5 =	smul.u32 $0x13C000, s7;
	[smem:$0x7FF] =	sst s3  }
0x8: {  	s8 =	sshll.u32 s7, $0x4;
	s13 =	ssub.s32 $0x2, s7;
	s12 =	smul.u32 $0x4E0, s7  }
0x9: {  	s7 =	smul.u32 $0x4E00, s7;
	_ =	strace $0x8000004A;
	s8 =	sor.u32 s14, s8  }
0xa: {  	s10 =	sshrl.u32 s13, $0x1;
	s15 =	sshrl.u32 s11, $0x2;
	s5 =	sadd.s32 s6, s5  }
0xb: {  	s9 =	smul.u32 $0x4E, s8;
	s16 =	ssub.s32 s13, s10;
	s17 =	smin.u32 s8, $0x4  }
0xc: {  	p0 =	slt.u32 s8, $0x4;
	s6 =	sadd.s32 s15, s1;
	s13 =	smul.u32 $0x4E, s14  }
0xd: {  	s7 =	sadd.s32 s7, s0;
	s5 =	sshrl.u32 s5, $0x3;
	s18 =	sadd.s32 $0x4000, s6  }
0xe: {  	s19 =	sadd.s32 $0x8000, s6;
	s20 =	sadd.s32 $0xC000, s6;
	[dreg:$0x6] =	wrdreg s18  }
0xf: {  	s21 =	sadd.s32 $0x10000, s6;
	s29 =	sshll.u32 s17, $0x4;
	[dreg:$0x7] =	wrdreg s19  }
0x10: {  	s16 =	smax.u32 s16, $0x1;
	s2 =	sadd.s32 s5, s2;
	[dreg:$0x8] =	wrdreg s20  }
0x11: {  	s9 =	sadd.s32 s17, s9;
	s5 =	simm.s32 $0x4F;
	[dreg:$0x9] =	wrdreg s21  }
0x12: {  	s22 =	sadd.s32 s13, s12;
	s18 =	smul.u32 $0x4E0, s14;
	s19 =	simm.s32 $0x1  }
0x13: {  	s20 =	simm.s32 $0x2;
	s21 =	simm.s32 $0x13C80;
	s5 =	simm.s32 @!p0 $0x4E  }
0x14: {  	s9 =	sshll.u32 s9, $0x4;
	s15 =	sadd.s32 $0x2AC00, s2;
	p0 =	sgt.u32 s8, $0x3  }
0x15: {  	s11 =	sadd.s32 s0, s9;
	s9 =	sadd.s32 s17, s22;
	s25 =	sadd.s32 s18, s7  }
0x16: {  	s18 =	simm.s32 $0x13E00;
	s22 =	simm.s32 $0x13D80;
	s23 =	sadd.s32 $0x10, s11  }
0x17: {  	s24 =	sadd.s32 $0x9C40, s11;
	s9 =	sshll.u32 s9, $0x4;
	s14 =	sadd.s32 $0x9C50, s11  }
0x18: {  	s17 =	sadd.s32 s29, s25;
	[dreg:$0xa] =	wrdreg s23;
	s0 =	sadd.s32 s9, s0  }
0x19: {  	s25 =	simm.s32 $0x4;
	[dreg:$0xb] =	wrdreg s24;
	s26 =	sadd.s32 $0x20, s0  }
0x1a: {  	s23 =	simm.s32 $0x13C00;
	s0 =	sadd.s32 $0x30, s0;
	[dreg:$0x4] =	wrdreg s26  }
0x1b: {  	v0 =	vimm.f32 $0.0e+00;
	[dreg:$0x5] =	wrdreg s0;
	s26 =	simm.s32 $0x80;
	s0 =	simm.s32 $0x5  }
.LBB2_1:
0x1c: {  	s2 =	simm.s32 $0x0;
	s7 =	simm.s32 $0x200  }
.LBB2_2:
0x1d: {  	p1 =	sne.s32 s7, $0xFE00;
	[tilespmem:s2+$0x13E70] =	vst v0  }
0x1e: {  	[tilespmem:s2+$0x13E00] =	vst v0  }
0x1f: {  	[tilespmem:s2+$0x13E10] =	vst v0  }
.Ltmp0:
0x20: {  	[tilespmem:s2+$0x13E20] =	vst v0;
	(pc) =	sbr.rel @p1 .LBB2_2-.Ltmp0, $4  }
0x21: {  	[tilespmem:s2+$0x13E30] =	vst v0  }
0x22: {  	[tilespmem:s2+$0x13E40] =	vst v0  }
0x23: {  	[tilespmem:s2+$0x13E50] =	vst v0  }
0x24: {  	[tilespmem:s2+$0x13E60] =	vst v0;
	s2 =	sshra.s32 s7, $0x2;
	s7 =	sadd.s32 $0x200, s7  }
0x25: {  	[tilespmem:s2+$0x13E70] =	vst v0  }
0x26: {  	[tilespmem:s2+$0x13E00] =	vst v0  }
0x27: {  	[tilespmem:s2+$0x13E10] =	vst v0  }
0x28: {  	[tilespmem:s2+$0x13E20] =	vst v0  }
0x29: {  	[tilespmem:s2+$0x13E30] =	vst v0  }
0x2a: {  	[tilespmem:s2+$0x13E40] =	vst v0  }
0x2b: {  	[tilespmem:s2+$0x13E50] =	vst v0  }
0x2c: {  	[tilespmem:s2+$0x13E60] =	vst v0  }
0x2d: {  	[spmem:s6] =	stream.linear.scatter [tilespmem:s18], [sflag:$0x1], $0x4000, $0x38;
	[tilespmem:$0x1BE00] =	vst v63  }
0x2e: {  	s24 =	rddreg [dreg:$0x6]  }
0x2f: {  	[spmem:s24] =	stream.linear.scatter [tilespmem:s18], [sflag:$0x1], $0x4000, $0x38;
	[tilespmem:$0x1BE00] =	vst v63  }
0x30: {  	s7 =	rddreg [dreg:$0x7]  }
0x31: {  	[spmem:s7] =	stream.linear.scatter [tilespmem:s18], [sflag:$0x1], $0x4000, $0x38;
	[tilespmem:$0x1BE00] =	vst v63  }
0x32: {  	s8 =	rddreg [dreg:$0x8]  }
0x33: {  	[spmem:s8] =	stream.linear.scatter [tilespmem:s18], [sflag:$0x1], $0x4000, $0x38;
	[tilespmem:$0x1BE00] =	vst v63  }
0x34: {  	s9 =	rddreg [dreg:$0x9]  }
0x35: {  	[spmem:s9] =	stream.linear.scatter [tilespmem:s18], [sflag:$0x2], $0x3C00, $0x38;
	[tilespmem:$0x1BE00] =	vst v63  }
0x36: {  	_ =	swait.ge [sflag:s19], $0x4000  }
0x37: {  	[sflag:s19] =	ssyncset.done $0x0  }
0x38: {  	[sflag:s19] =	ssyncadd.s32 $0xFFFFC000  }
0x39: {  	_ =	swait.ge [sflag:s19], $0x4000  }
0x3a: {  	[sflag:s19] =	ssyncset.done $0x0  }
0x3b: {  	[sflag:s19] =	ssyncadd.s32 $0xFFFFC000  }
0x3c: {  	_ =	swait.ge [sflag:s19], $0x4000  }
0x3d: {  	[sflag:s19] =	ssyncset.done $0x0  }
0x3e: {  	[sflag:s19] =	ssyncadd.s32 $0xFFFFC000  }
0x3f: {  	_ =	swait.ge [sflag:s19], $0x4000  }
0x40: {  	[sflag:s19] =	ssyncset.done $0x0  }
0x41: {  	[sflag:s19] =	ssyncadd.s32 $0xFFFFC000  }
0x42: {  	_ =	swait.ge [sflag:s20], $0x3C00  }
0x43: {  	[sflag:s20] =	ssyncset.done $0x0  }
0x44: {  	[sflag:s20] =	ssyncadd.s32 $0xFFFFC400  }
0x45: {  	s10 =	simm.s32 $0x0;
	[bflag:$0x0] =	sbarrier.arrive $0xFFFF  }
0x46: {  	[tilespmem:s21], [sflag:$0x4] =	stream.linear.gather [hbm4b:s11+s10], $0x80, $0x38;
	[tilespmem:$0x1BE00] =	vst v63  }
0x47: {  	s7 =	rddreg [dreg:$0xa]  }
0x48: {  	[tilespmem:s22], [sflag:$0x6] =	stream.linear.gather [hbm4b:s7+s10], $0x80, $0x38;
	[tilespmem:$0x1BE00] =	vst v63  }
0x49: {  	s12 =	rddreg [dreg:$0xb]  }
0x4a: {  	[tilespmem:s23], [sflag:$0x3] =	stream.linear.gather [hbm4b:s12+s10], $0x80, $0x38;
	[tilespmem:$0x1BE00] =	vst v63  }
0x4b: {  	s13 =	simm.s32 $0x13D00  }
0x4c: {  	[tilespmem:s13], [sflag:$0x5] =	stream.linear.gather [hbm4b:s14+s10], $0x80, $0x38;
	[tilespmem:$0x1BE00] =	vst v63  }
0x4d: {  	_ =	swait.ge [sflag:s25], $0x80  }
0x4e: {  	[sflag:s25] =	ssyncset.done $0x0  }
0x4f: {  	[sflag:s25] =	ssyncadd.s32 $0xFFFFFF80  }
0x50: {  	[tilespmem:s18], [sflag:$0x1] =	stream.indirect.gather [hbm4b:s4+s26], $0x80, s21, s26, $0xb8;
	[tilespmem:$0x1BE00] =	vst v63  }
0x51: {  	_ =	swait.ge [sflag:s28], $0x80  }
0x52: {  	[sflag:s28] =	ssyncset.done $0x0  }
0x53: {  	s24 =	simm.s32 $0x17E00;
	[sflag:s28] =	ssyncadd.s32 $0xFFFFFF80  }
0x54: {  	[tilespmem:s24], [sflag:$0x2] =	stream.indirect.gather [hbm4b:s4+s26], $0x80, s22, s26, $0xb8;
	[tilespmem:$0x1BE00] =	vst v63  }
0x55: {  	_ =	swait.ge [sflag:s19], $0x4000  }
0x56: {  	[sflag:s19] =	ssyncset.done $0x0  }
0x57: {  	[sflag:s19] =	ssyncadd.s32 $0xFFFFC000  }
0x58: {  	p1 =	sle.u32 s5, $0x2;
	_ =	swait.ge [sflag:s30], $0x80  }
0x59: {  	s8 =	simm.s32 @!p1 $0x13C80;
	s2 =	rddreg [dreg:$0x4];
	[sflag:s30] =	ssyncset.done $0x0  }
0x5a: {  	s7 =	simm.s32 @!p1 $0x0;
	[sflag:s30] =	ssyncadd.s32 $0xFFFFFF80;
	s2 =	sadd.s32 @!p1 $0x0, s2  }
0x5b: {  	[tilespmem:s8], [sflag:$0x4] =	stream.linear.gather @!p1 [hbm4b:s2+s7], $0x80, $0x38;
	[tilespmem:$0x1BE00] =	vst v63  }
0x5c: {  	_ = 	snop  }
0x5d: {  	[spmem:s1] =	stream.indirect.scatter.add.f32 [tilespmem:s18], [sflag:$0x7], $0x80, s23, s26, $0xb8;
	[tilespmem:$0x1BE00] =	vst v63  }
0x5e: {  	_ =	swait.ge [sflag:s31], $0x4000  }
0x5f: {  	s9 =	simm.s32 @!p1 $0x13C00;
	s2 =	sadd.s32 @!p1 $0x0, s17;
	[sflag:s31] =	ssyncset.done $0x0  }
0x60: {  	s24 =	simm.s32 @!p1 $0x4;
	s2 =	sadd.s32 @!p1 $0x9C60, s2;
	[sflag:s31] =	ssyncadd.s32 $0xFFFFC000  }
0x61: {  	[tilespmem:s9], [sflag:$0x3] =	stream.linear.gather @!p1 [hbm4b:s2+s7], $0x80, $0x38;
	[tilespmem:$0x1BE00] =	vst v63  }
0x62: {  	_ =	swait.ge @!p1 [sflag:s24], $0x80  }
0x63: {  	[sflag:s24] =	ssyncset.done @!p1 $0x0  }
0x64: {  	s2 =	simm.s32 @!p1 $0x80;
	s7 =	simm.s32 @!p1 $0x13E00;
	[sflag:s24] =	ssyncadd.s32 @!p1 $0xFFFFFF80  }
0x65: {  	[tilespmem:s7], [sflag:$0x1] =	stream.indirect.gather @!p1 [hbm4b:s4+s2], $0x80, s8, s2, $0xb8;
	[tilespmem:$0x1BE00] =	vst v63  }
0x66: {  	_ =	swait.ge [sflag:s20], $0x4000  }
0x67: {  	[sflag:s20] =	ssyncset.done $0x0  }
0x68: {  	[sflag:s20] =	ssyncadd.s32 $0xFFFFC000  }
0x69: {  	p2 =	sle.u32 s5, $0x3;
	_ =	swait.ge [sflag:s0], $0x80  }
0x6a: {  	s9 =	simm.s32 @p2 $0x7;
	s2 =	simm.s32 @p2 $0x80;
	[sflag:s0] =	ssyncset.done $0x0  }
0x6b: {  	s7 =	simm.s32 @p2 $0x17E00;
	s8 =	simm.s32 @p2 $0x13D00;
	[sflag:s0] =	ssyncadd.s32 $0xFFFFFF80  }
0x6c: {  	[spmem:s1] =	stream.indirect.scatter.add.f32 @p2 [tilespmem:s7], [sflag:$0x7], $0x80, s8, s2, $0xb8;
	[tilespmem:$0x1BE00] =	vst v63  }
0x6d: {  	s29 =	simm.s32 @!p2 $0x7;
	_ =	swait.ge @p2 [sflag:s9], $0x4000  }
0x6e: {  	s24 =	simm.s32 @!p2 $0x0;
	s2 =	rddreg [dreg:$0x5];
	[sflag:s9] =	ssyncset.done @p2 $0x0  }
0x6f: {  	s8 =	simm.s32 @!p2 $0x13D80;
	[sflag:s9] =	ssyncadd.s32 @p2 $0xFFFFC000;
	s2 =	sadd.s32 @!p2 $0x0, s2  }
0x70: {  	[tilespmem:s8], [sflag:$0x6] =	stream.linear.gather @!p2 [hbm4b:s2+s24], $0x80, $0x38;
	[tilespmem:$0x1BE00] =	vst v63  }
0x71: {  	s7 =	simm.s32 @!p2 $0x17E00;
	s9 =	simm.s32 @!p2 $0x80;
	s2 =	simm.s32 @!p2 $0x13D00  }
0x72: {  	[spmem:s1] =	stream.indirect.scatter.add.f32 @!p2 [tilespmem:s7], [sflag:$0x7], $0x80, s2, s9, $0xb8;
	[tilespmem:$0x1BE00] =	vst v63  }
0x73: {  	_ =	swait.ge @!p2 [sflag:s29], $0x4000  }
0x74: {  	s10 =	sadd.s32 @!p2 $0x0, s17;
	[sflag:s29] =	ssyncset.done @!p2 $0x0  }
0x75: {  	s10 =	sadd.s32 @!p2 $0x9C70, s10;
	[sflag:s29] =	ssyncadd.s32 @!p2 $0xFFFFC000;
	s29 =	simm.s32 @!p2 $0x6  }
0x76: {  	[tilespmem:s2], [sflag:$0x5] =	stream.linear.gather @!p2 [hbm4b:s10+s24], $0x80, $0x38;
	[tilespmem:$0x1BE00] =	vst v63  }
0x77: {  	_ =	swait.ge @!p2 [sflag:s29], $0x80  }
0x78: {  	s2 =	simm.s32 $0x3;
	s24 =	simm.s32 $0x20;
	[sflag:s29] =	ssyncset.done @!p2 $0x0  }
.LBB2_4:
0x79: {  	[sflag:s29] =	ssyncadd.s32 @!p2 $0xFFFFFF80  }
0x7a: {  	[tilespmem:s7], [sflag:$0x2] =	stream.indirect.gather @!p2 [hbm4b:s4+s9], $0x80, s8, s9, $0xb8;
	[tilespmem:$0x1BE00] =	vst v63  }
0x7b: {  	_ =	swait.ge [sflag:s19], $0x4000  }
0x7c: {  	s2 =	sadd.s32 $0x2, s2;
	[sflag:s19] =	ssyncset.done $0x0  }
0x7d: {  	s13 =	sadd.s32 $0xFFFFFFFF, s2;
	[sflag:s19] =	ssyncadd.s32 $0xFFFFC000  }
0x7e: {  	s29 =	smov.u32 s24;
	p2 =	sge.u32 s13, s5;
	_ =	swait.ge [sflag:s30], $0x80  }
0x7f: {  	s7 =	simm.s32 @!p2 $0x0;
	s8 =	rddreg [dreg:$0x4];
	[sflag:s30] =	ssyncset.done $0x0  }
0x80: {  	s10 =	simm.s32 @!p2 $0x13C80;
	[sflag:s30] =	ssyncadd.s32 $0xFFFFFF80;
	s8 =	sadd.s32 @!p2 s29, s8  }
0x81: {  	[tilespmem:s10], [sflag:$0x4] =	stream.linear.gather @!p2 [hbm4b:s8+s7], $0x80, $0x38;
	[tilespmem:$0x1BE00] =	vst v63  }
0x82: {  	_ = 	snop  }
0x83: {  	[spmem:s1] =	stream.indirect.scatter.add.f32 [tilespmem:s18], [sflag:$0x7], $0x80, s23, s26, $0xb8;
	[tilespmem:$0x1BE00] =	vst v63  }
0x84: {  	_ =	swait.ge [sflag:s31], $0x4000  }
0x85: {  	s9 =	sadd.s32 @!p2 s29, s17;
	s12 =	simm.s32 @!p2 $0x4;
	[sflag:s31] =	ssyncset.done $0x0  }
0x86: {  	s9 =	sadd.s32 @!p2 $0x9C60, s9;
	s8 =	simm.s32 @!p2 $0x13C00;
	[sflag:s31] =	ssyncadd.s32 $0xFFFFC000  }
0x87: {  	[tilespmem:s8], [sflag:$0x3] =	stream.linear.gather @!p2 [hbm4b:s9+s7], $0x80, $0x38;
	[tilespmem:$0x1BE00] =	vst v63  }
0x88: {  	_ =	swait.ge @!p2 [sflag:s12], $0x80  }
0x89: {  	[sflag:s12] =	ssyncset.done @!p2 $0x0  }
0x8a: {  	s7 =	simm.s32 @!p2 $0x80;
	s8 =	simm.s32 @!p2 $0x13E00;
	[sflag:s12] =	ssyncadd.s32 @!p2 $0xFFFFFF80  }
0x8b: {  	[tilespmem:s8], [sflag:$0x1] =	stream.indirect.gather @!p2 [hbm4b:s4+s7], $0x80, s10, s7, $0xb8;
	[tilespmem:$0x1BE00] =	vst v63  }
0x8c: {  	_ =	swait.ge [sflag:s20], $0x4000  }
0x8d: {  	[sflag:s20] =	ssyncset.done $0x0  }
0x8e: {  	p2 =	sge.u32 s2, s5;
	[sflag:s20] =	ssyncadd.s32 $0xFFFFC000  }
0x8f: {  	s24 =	sadd.s32 $0x20, s24;
	s7 =	simm.s32 @p2 $0x80;
	_ =	swait.ge [sflag:s0], $0x80  }
0x90: {  	s8 =	simm.s32 @p2 $0x17E00;
	s9 =	simm.s32 @p2 $0x13D00;
	[sflag:s0] =	ssyncset.done $0x0  }
0x91: {  	s10 =	simm.s32 @p2 $0x7;
	s13 =	simm.s32 @!p2 $0x13D00;
	[sflag:s0] =	ssyncadd.s32 $0xFFFFFF80  }
0x92: {  	[spmem:s1] =	stream.indirect.scatter.add.f32 @p2 [tilespmem:s8], [sflag:$0x7], $0x80, s9, s7, $0xb8;
	[tilespmem:$0x1BE00] =	vst v63  }
0x93: {  	s7 =	sadd.s32 @!p2 s29, s17;
	s8 =	simm.s32 @!p2 $0x13D80;
	_ =	swait.ge @p2 [sflag:s10], $0x4000  }
0x94: {  	s12 =	sadd.s32 @!p2 $0x9C70, s7;
	s9 =	rddreg [dreg:$0x5];
	[sflag:s10] =	ssyncset.done @p2 $0x0  }
0x95: {  	[sflag:s10] =	ssyncadd.s32 @p2 $0xFFFFC000;
	s10 =	simm.s32 @!p2 $0x0;
	s29 =	sadd.s32 @!p2 s29, s9  }
0x96: {  	[tilespmem:s8], [sflag:$0x6] =	stream.linear.gather @!p2 [hbm4b:s29+s10], $0x80, $0x38;
	[tilespmem:$0x1BE00] =	vst v63  }
0x97: {  	s7 =	simm.s32 @!p2 $0x17E00;
	s9 =	simm.s32 @!p2 $0x80;
	s29 =	simm.s32 @!p2 $0x7  }
0x98: {  	[spmem:s1] =	stream.indirect.scatter.add.f32 @!p2 [tilespmem:s7], [sflag:$0x7], $0x80, s13, s9, $0xb8;
	[tilespmem:$0x1BE00] =	vst v63  }
0x99: {  	p1 =	sne.s32 s24, $0x4E0;
	_ =	swait.ge @!p2 [sflag:s29], $0x4000  }
.Ltmp1:
0x9a: {  	[sflag:s29] =	ssyncset.done @!p2 $0x0;
	(pc) =	sbr.rel @p1 .LBB2_4-.Ltmp1, $4  }
0x9b: {  	[sflag:s29] =	ssyncadd.s32 @!p2 $0xFFFFC000;
	s29 =	simm.s32 @!p2 $0x6  }
0x9c: {  	[tilespmem:s13], [sflag:$0x5] =	stream.linear.gather @!p2 [hbm4b:s12+s10], $0x80, $0x38;
	[tilespmem:$0x1BE00] =	vst v63  }
0x9d: {  	_ =	swait.ge @!p2 [sflag:s29], $0x80  }
0x9e: {  	[sflag:s29] =	ssyncset.done @!p2 $0x0  }
0x9f: {  	[sflag:s29] =	ssyncadd.s32 @!p2 $0xFFFFFF80;
	s2 =	simm.s32 @!p0 $0x1  }
0xa0: {  	[tilespmem:s7], [sflag:$0x2] =	stream.indirect.gather @!p2 [hbm4b:s4+s9], $0x80, s8, s9, $0xb8;
	[tilespmem:$0x1BE00] =	vst v63  }
0xa1: {  	_ =	swait.ge @!p0 [sflag:s2], $0x4000  }
0xa2: {  	[sflag:s2] =	ssyncset.done @!p0 $0x0  }
0xa3: {  	[sflag:s2] =	ssyncadd.s32 @!p0 $0xFFFFC000;
	s2 =	simm.s32 @!p0 $0x3  }
0xa4: {  	_ =	swait.ge @!p0 [sflag:s2], $0x80  }
0xa5: {  	s7 =	simm.s32 @!p0 $0x13C00;
	[sflag:s2] =	ssyncset.done @!p0 $0x0  }
0xa6: {  	s8 =	simm.s32 @!p0 $0x13E00;
	[sflag:s2] =	ssyncadd.s32 @!p0 $0xFFFFFF80;
	s2 =	simm.s32 @!p0 $0x80  }
0xa7: {  	[spmem:s1] =	stream.indirect.scatter.add.f32 @!p0 [tilespmem:s8], [sflag:$0x7], $0x80, s7, s2, $0xb8;
	[tilespmem:$0x1BE00] =	vst v63  }
0xa8: {  	s2 =	simm.s32 @!p0 $0x7  }
0xa9: {  	s24 =	stileid.u32;
	_ =	swait.ge @!p0 [sflag:s2], $0x4000  }
0xaa: {  	s29 =	sshrl.u32 s6, $0x3;
	s3 =	sadd.s32 $0x1, s3;
	[sflag:s2] =	ssyncset.done @!p0 $0x0  }
0xab: {  	p1 =	sne.s32 s3, s16;
	[sflag:s2] =	ssyncadd.s32 @!p0 $0xFFFFC000;
	s2 =	sshll.u32 s24, $0x6  }
.Ltmp2:
0xac: {  	[bflag:$0x0] =	sbarrier.arrive $0xFFFF;
	s2 =	sor.u32 $0x1C07, s2;
	(pc) =	sbr.rel @p1 .LBB2_1-.Ltmp2, $4  }
0xad: {  	[hbm:s15], [sflag:s2] =	dma.local [spmem:s29], $0x2780  }
0xae: {  	_ =	swait.ge [sflag:s31], $0x2780  }
0xaf: {  	[sflag:s31] =	ssyncset.done $0x0  }
0xb0: {  	[sflag:s31] =	ssyncadd.s32 $0xFFFFD880  }
0xb1: {  	_ =	sfence.sel $0x180000  }
0xb2: {  	[bflag:$0x0] =	sbarrier.arrive $0xFFFF  }
0xb3: {  	_ =	strace $0x9000004A  }
0xb4: {  	s0 =	stileid.u32;
	[bflag:$0x2] =	sbarrier.arrive $0xFFFF  }
0xb5: {  	p0 =	sne.s32 s0, $0x0;
	s0 =	rddreg [dreg:$0x3]  }
0xb6: {  	s0 =	sadd.s32 @!p0 $0x100000, s0  }
0xb7: {  	[sflag:s0] =	ssyncadd.tile.s32 @!p0 $0x1;
	_ =	shalt  }
.Lfunc_end2:
_tile_overlayer_lowered:
.L_overlay_start_2:
0xb8: {  	(tag) =	ssettag $0x2  }
0xb9: {  	s0 =	rddreg [dreg:$0x0];
	s2 =	stileid.u32  }
0xba: {  	s1 =	rddreg [dreg:$0x1];
	p0 =	sne.s32 s2, $0x0  }
0xbb: {  	s3 =	rddreg [dreg:$0x2];
	[bflag:$0x3] =	sbarrier.arrive $0xFFFF;
	s2 =	simm.s32 @!p0 $0x1C07  }
0xbc: {  	[timem:s3], [sflag:s2] =	dma.local @!p0 [hbm:s0], s1  }
0xbd: {  	s0 =	simm.s32 @!p0 $0x7  }
0xbe: {  	_ =	swait.ge @!p0 [sflag:s0], s1  }
0xbf: {  	s1 =	ssub.s32 @!p0 $0x0, s1;
	[sflag:s0] =	ssyncset.done @!p0 $0x0  }
0xc0: {  	[sflag:s0] =	ssyncadd.s32 @!p0 s1  }
0xc1: {  	[bflag:$0x3] =	sbarrier.arrive $0xFFFF  }
0xc2: {  	_ =	shalt  }

// kernel: kernel.15.cloned.1.call-start
scs
__scs_entry_jumppad:
0x0: {  	(pc) =	sbr.rel $0x88, $3  }
0x1: {  	(tag) =	ssettag $0x0;
	lr =	simm.s32 $0x1  }
0x2: {  	[smem:$0x3F9B] =	sst lr;
	_ =	strace $0xD0000000  }
0x3: {  	_ = 	snop  }
0x4: {  	_ = 	snop  }
0x5: {  	_ = 	snop  }
0x6: {  	_ = 	snop  }
0x7: {  	_ = 	snop  }
__scs_overlays_trampoline_lowered:
0x8: {  	[smem:$0x3FAA] =	sst s0  }
0x9: {  	[smem:$0x3FAB] =	sst s1  }
0xa: {  	[smem:$0x3FAC] =	sst s2  }
0xb: {  	[smem:$0x3FAD] =	sst s3  }
0xc: {  	[smem:$0x3FAE] =	sst s4  }
0xd: {  	[smem:$0x3FAF] =	sst s5  }
0xe: {  	[smem:$0x3FB0] =	sst s6  }
0xf: {  	[smem:$0x3FB1] =	sst s7  }
0x10: {  	[smem:$0x3FB2] =	sst s8  }
0x11: {  	[smem:$0x3FB3] =	sst s9;
	s0 =	simm.s32 @!p0 $0x0  }
0x12: {  	s1 =	sld [smem:$0x3F99];
	s0 =	simm.s32 @p0 $0x1  }
0x13: {  	[smem:$0x3FB4] =	sst s0;
	s0 =	simm.s32 @!p1 $0x0  }
0x14: {  	s2 =	sld [smem:$0x3F98];
	s0 =	simm.s32 @p1 $0x1  }
0x15: {  	[smem:$0x3FB5] =	sst s0;
	s0 =	simm.s32 @!p2 $0x0  }
0x16: {  	s3 =	sld [smem:$0x3FDB];
	s0 =	simm.s32 @p2 $0x1  }
0x17: {  	s4 =	simm.s32 $0x1BF5;
	[smem:$0x3FB7] =	sst s0  }
0x18: {  	s0 =	sld [smem:$0x3F9A];
	_ =	swait.ge [sflag:s4], $0x0  }
0x19: {  	s7 =	sld [smem:$0x3F9B]  }
0x1a: {  	s8 =	sadd.s32 $0xFFFFE003, lr  }
0x1b: {  	s9 =	sadd.s32 $0xFFFFFEF7, lr;
	s5 =	simm.s32 $0xFFFFFFFF;
	p2 =	slt.u32 s8, $0xFFFFF086  }
0x1c: {  	p1 =	slt.u32 s9, $0xF7A;
	s5 =	simm.s32 @!p2 $0x0  }
0x1d: {  	s5 =	simm.s32 @p1 $0x1;
	p0 =	seq.s32 s7, s2  }
0x1e: {  	s7 =	smul.u32 @!p0 $0xF7A, s2;
	p2 =	seq.s32 @!p0 s5, $0x0  }
0x1f: {  	s9 =	smul.u32 $0xF7A, s1;
	s8 =	simm.s32 @!p0 $0x1BF5;
	p2 =	por !p2, p0  }
0x20: {  	[sflag:s8] =	ssyncset.s32 @!p0 $0xFFFFF086;
	s6 =	sadd.s32 @!p0 s3, s7;
	s7 =	simm.s32 @!p0 $0x108  }
0x21: {  	s3 =	sadd.s32 s3, s9;
	s6 =	sadd.s32 @!p0 $0x88, s6;
	s7 =	simm.s32 @p2 $0x1082  }
0x22: {  	[simem:s7], [sflag:s8] =	dma.local @!p0 [hbm:s6], $0xF7A  }
0x23: {  	s9 =	sor.u32 $0xD0000000, s2;
	s6 =	simm.s32 $0x108;
	_ =	swait.ge @!p0 [sflag:s8], $0x0  }
0x24: {  	s3 =	sadd.s32 $0x88, s3;
	s6 =	simm.s32 @!p1 $0x1082;
	[sflag:s4] =	ssyncset.s32 $0xFFFFF086  }
0x25: {  	[simem:s6], [sflag:s4] =	dma.local [hbm:s3], $0xF7A  }
0x26: {  	[smem:$0x3F9B] =	sst s1;
	(tag) =	ssettag s2;
	_ =	strace s9  }
0x27: {  	s1 =	sld [smem:$0x3FAB]  }
0x28: {  	s2 =	sld [smem:$0x3FAC]  }
0x29: {  	s4 =	sld [smem:$0x3FAE]  }
0x2a: {  	p0 =	seq.s32 s5, $0x0;
	s5 =	sld [smem:$0x3FAF]  }
0x2b: {  	s6 =	sld [smem:$0x3FB0]  }
0x2c: {  	s7 =	sld [smem:$0x3FB1]  }
0x2d: {  	s3 =	simm.s32 $0x108;
	s8 =	sld [smem:$0x3FB2]  }
0x2e: {  	s3 =	simm.s32 @!p0 $0x1082;
	s9 =	sld [smem:$0x3FB3]  }
0x2f: {  	lr =	sadd.s32 s0, s3;
	s0 =	sld [smem:$0x3FAA]  }
0x30: {  	s3 =	sld [smem:$0x3FAD]  }
0x31: {  	[smem:$0x3FB6] =	sst s10  }
0x32: {  	s10 =	sld [smem:$0x3FB4];
	_ =	sdelay $0x3  }
0x33: {  	p0 =	seq.s32 s10, $0x1;
	s10 =	sld [smem:$0x3FB6];
	_ =	sdelay $0x3  }
0x34: {  	[smem:$0x3FB6] =	sst s10  }
0x35: {  	s10 =	sld [smem:$0x3FB5];
	_ =	sdelay $0x3  }
0x36: {  	p1 =	seq.s32 s10, $0x1;
	s10 =	sld [smem:$0x3FB6];
	_ =	sdelay $0x3  }
0x37: {  	[smem:$0x3FB6] =	sst s10  }
0x38: {  	s10 =	sld [smem:$0x3FB7]  }
0x39: {  	_ = 	snop;
	(pc) =	sbr.ind lr, $3  }
0x3a: {  	_ = 	snop  }
0x3b: {  	_ = 	snop  }
0x3c: {  	p2 =	seq.s32 s10, $0x1;
	s10 =	sld [smem:$0x3FB6]  }
0x3d: {  	_ =	shalt  }
0x3e: {  	_ =	shalt  }
0x3f: {  	_ =	shalt  }
0x40: {  	_ =	shalt  }
0x41: {  	_ =	shalt  }
0x42: {  	_ =	shalt  }
0x43: {  	_ =	shalt  }
0x44: {  	_ =	shalt  }
0x45: {  	_ =	shalt  }
0x46: {  	_ =	shalt  }
0x47: {  	_ =	shalt  }
0x48: {  	_ =	shalt  }
0x49: {  	_ =	shalt  }
0x4a: {  	_ =	shalt  }
0x4b: {  	_ =	shalt  }
0x4c: {  	_ =	shalt  }
0x4d: {  	_ =	shalt  }
0x4e: {  	_ =	shalt  }
0x4f: {  	_ =	shalt  }
0x50: {  	_ =	shalt  }
0x51: {  	_ =	shalt  }
0x52: {  	_ =	shalt  }
0x53: {  	_ =	shalt  }
0x54: {  	_ =	shalt  }
0x55: {  	_ =	shalt  }
0x56: {  	_ =	shalt  }
0x57: {  	_ =	shalt  }
0x58: {  	_ =	shalt  }
0x59: {  	_ =	shalt  }
0x5a: {  	_ =	shalt  }
0x5b: {  	_ =	shalt  }
0x5c: {  	_ =	shalt  }
0x5d: {  	_ =	shalt  }
0x5e: {  	_ =	shalt  }
0x5f: {  	_ =	shalt  }
0x60: {  	_ =	shalt  }
0x61: {  	_ =	shalt  }
0x62: {  	_ =	shalt  }
0x63: {  	_ =	shalt  }
0x64: {  	_ =	shalt  }
0x65: {  	_ =	shalt  }
0x66: {  	_ =	shalt  }
0x67: {  	_ =	shalt  }
0x68: {  	_ =	shalt  }
0x69: {  	_ =	shalt  }
0x6a: {  	_ =	shalt  }
0x6b: {  	_ =	shalt  }
0x6c: {  	_ =	shalt  }
0x6d: {  	_ =	shalt  }
0x6e: {  	_ =	shalt  }
0x6f: {  	_ =	shalt  }
0x70: {  	_ =	shalt  }
0x71: {  	_ =	shalt  }
0x72: {  	_ =	shalt  }
0x73: {  	_ =	shalt  }
0x74: {  	_ =	shalt  }
0x75: {  	_ =	shalt  }
0x76: {  	_ =	shalt  }
0x77: {  	_ =	shalt  }
0x78: {  	_ =	shalt  }
0x79: {  	_ =	shalt  }
0x7a: {  	_ =	shalt  }
0x7b: {  	_ =	shalt  }
0x7c: {  	_ =	shalt  }
0x7d: {  	_ =	shalt  }
0x7e: {  	_ =	shalt  }
0x7f: {  	_ =	shalt  }
0x80: {  	_ =	shalt  }
0x81: {  	_ =	shalt  }
0x82: {  	_ =	shalt  }
0x83: {  	_ =	shalt  }
0x84: {  	_ =	shalt  }
0x85: {  	_ =	shalt  }
0x86: {  	_ =	shalt  }
0x87: {  	_ =	shalt  }
.Lfunc_end0:
.L_simem_size_0:
called_computation.2_lowered:
.L_overlay_start_0:
0x88: {  	s2 =	sld [smem:$0x3FD9]  }
0x89: {  	s3 =	sld [smem:$0x3FFE];
	_ =	sdelay $0x1  }
0x8a: {  	s1 =	srdreg.scid  }
0x8b: {  	s0 =	sand.u32 $0x1, s1  }
0x8c: {  	s17 =	sshll.u32 s0, $0xA;
	s2 =	sadd.s32 s3, s2  }
0x8d: {  	s2 =	sadd.s32 s2, s17  }
0x8e: {  	[smem:$0x3FC2] =	sst s2  }
0x8f: {  	_ = 	snop  }
0x90: {  	s2 =	sld [smem:$0x3FD0];
	(tm) =	ssettm $0x1  }
0x91: {  	s18 =	sld [smem:$0x3FFB];
	_ =	sdelay $0x3  }
0x92: {  	_ =	strace s18  }
0x93: {  	s3 =	sld [smem:$0x3FFC];
	_ =	sdelay $0x3  }
0x94: {  	_ =	strace s3  }
0x95: {  	s3 =	sld [smem:$0x3FFD];
	_ =	sdelay $0x3  }
0x96: {  	_ =	strace s3  }
0x97: {  	_ =	strace $0x8FFFFFFF  }
0x98: {  	s19 =	sld [smem:$0x3FDB];
	_ =	sdelay $0x1  }
0x99: {  	s4 =	simm.s32 $_scs_section_size  }
0x9a: {  	s5 =	simm.s32 $_size__tile_overlayer_lowered;
	s6 =	simm.s32 $_tile_overlayer_lowered  }
0x9b: {  	s22 =	simm.s32 $0x1BFF;
	s21 =	sshll.u32 s6, $0x1;
	s3 =	sadd.s32 s4, s19  }
0x9c: {  	s7 =	simm.s32 $0x0;
	s20 =	sshll.u32 s5, $0x1;
	s5 =	sadd.s32 s21, s3  }
0x9d: {  	[timem:s7], [sflag:s22] =	dma.local [hbm:s5], s20  }
0x9e: {  	_ =	swait.ge [sflag:s22], s20  }
0x9f: {  	s4 =	ssub.s32 $0x0, s20;
	[sflag:s22] =	ssyncset.done $0x0  }
0xa0: {  	[sflag:s22] =	ssyncadd.s32 s4;
	_ =	sdelay $0x1  }
0xa1: {  	s23 =	simm.s32 $0x1B8B  }
0xa2: {  	_ =	swait.ge [sflag:s23], $0x1  }
0xa3: {  	[sflag:s23] =	ssyncset.done $0x0  }
0xa4: {  	s25 =	simm.s32 $0x1B8E;
	s24 =	sld [smem:$0x3FFE];
	[sflag:s23] =	ssyncadd.s32 $0xFFFFFFFF  }
0xa5: {  	s26 =	simm.s32 $execute0_lowered;
	[smem:$0x3FD2] =	sst s25  }
0xa6: {  	s5 =	sshll.u32 s26, $0x1;
	_ =	strace $0x8000004C;
	[dreg:$0x1] =	wrdreg $0xFFFFFFFF  }
0xa7: {  	s28 =	simm.s32 $_size_execute0_lowered;
	s3 =	sadd.s32 s3, s5;
	[dreg:$0x0] =	wrdreg $0x0  }
0xa8: {  	s5 =	sshll.u32 s28, $0x1;
	[dreg:$0x2] =	wrdreg s3  }
0xa9: {  	[dreg:$0x3] =	wrdreg s5  }
0xaa: {  	[dreg:$0x4] =	wrdreg $0xC0  }
0xab: {  	_ =	task [dreg:s7], $0x5FFFF  }
0xac: {  	[dreg:$0x1] =	wrdreg $0xFFFFFFFF  }
0xad: {  	[dreg:$0x0] =	wrdreg $0x60  }
0xae: {  	[dreg:$0x2] =	wrdreg s2  }
0xaf: {  	[dreg:$0x3] =	wrdreg s24  }
0xb0: {  	[dreg:$0x4] =	wrdreg $0x0  }
0xb1: {  	[dreg:$0x5] =	wrdreg $0x9  }
0xb2: {  	_ =	task.clear_ibuf [dreg:s7], $0x6FFFF;
	_ =	strace $0x9000004C  }
0xb3: {  	s29 =	simm.s32 $0x9;
	_ =	strace $0x8000004E  }
0xb4: {  	_ =	swait.ge [sflag:s29], $0x1  }
0xb5: {  	[sflag:s29] =	ssyncadd.s32 $0xFFFFFFFF  }
0xb6: {  	_ =	strace $0x9000004E  }
0xb7: {  	_ =	sfence  }
0xb8: {  	s30 =	sld [smem:$0x0];
	_ =	sdelay $0x2  }
0xb9: {  	s31 =	sshll.u32 s1, $0xD;
	s1 =	sshrl.u32 s1, $0x2  }
0xba: {  	s3 =	sand.u32 $0x4000, s31;
	s1 =	sadd.s32 s1, s30  }
0xbb: {  	s0 =	sor.u32 s3, s0;
	s1 =	sshll.u32 s1, $0x11  }
0xbc: {  	s0 =	sor.u32 s1, s0  }
0xbd: {  	s0 =	sadd.s32 $0x8F2B, s0  }
0xbe: {  	[sflag:s0] =	ssyncadd.remote.s32 $0x1  }
0xbf: {  	_ =	sfence.sel $0xFFFF  }
0xc0: {  	[dreg:$0x0] =	wrdreg $0xFFFFFFFF;
	(pc) =	sbr.abs _section_cstart, $3  }
0xc1: {  	[dreg:$0x1] =	wrdreg $0xFFFFFFFF  }
0xc2: {  	_ =	task.clear_ibuf [dreg:s7], $0x2FFFF;
	_ =	strace $0x9FFFFFFF  }
0xc3: {  	(tm) =	ssettm $0x7FFFFFFF  }
tec
execute0_lowered:
.L_overlay_start_1:
0x0: {  	(tag) =	ssettag $0x1  }
0x1: {  	s0 =	rddreg [dreg:$0x0]  }
0x2: {  	s2 =	rddreg [dreg:$0x1]  }
0x3: {  	s1 =	rddreg [dreg:$0x2]  }
0x4: {  	s3 =	srdreg.scid;
	s14 =	stileid.u32;
	s28 =	simm.s32 $0x6  }
0x5: {  	s30 =	simm.s32 $0x3;
	s31 =	simm.s32 $0x7;
	s6 =	smul.u32 $0x13C00, s14  }
0x6: {  	s7 =	sand.u32 $0x1, s3;
	s3 =	simm.s32 $0x0;
	s11 =	smul.u32 $0x4F000, s14  }
0x7: {  	s4 =	sadd.s32 $0x2C00, s2;
	s5 =	smul.u32 $0x13C000, s7;
	[smem:$0x7FF] =	sst s3  }
0x8: {  	s8 =	sshll.u32 s7, $0x4;
	s13 =	ssub.s32 $0x2, s7;
	s12 =	smul.u32 $0x4E0, s7  }
0x9: {  	s7 =	smul.u32 $0x4E00, s7;
	_ =	strace $0x8000004D;
	s8 =	sor.u32 s14, s8  }
0xa: {  	s10 =	sshrl.u32 s13, $0x1;
	s15 =	sshrl.u32 s11, $0x2;
	s5 =	sadd.s32 s6, s5  }
0xb: {  	s9 =	smul.u32 $0x4E, s8;
	s16 =	ssub.s32 s13, s10;
	s17 =	smin.u32 s8, $0x4  }
0xc: {  	p0 =	slt.u32 s8, $0x4;
	s6 =	sadd.s32 s15, s1;
	s13 =	smul.u32 $0x4E, s14  }
0xd: {  	s7 =	sadd.s32 s7, s0;
	s5 =	sshrl.u32 s5, $0x3;
	s18 =	sadd.s32 $0x4000, s6  }
0xe: {  	s19 =	sadd.s32 $0x8000, s6;
	s20 =	sadd.s32 $0xC000, s6;
	[dreg:$0x6] =	wrdreg s18  }
0xf: {  	s21 =	sadd.s32 $0x10000, s6;
	s29 =	sshll.u32 s17, $0x4;
	[dreg:$0x7] =	wrdreg s19  }
0x10: {  	s16 =	smax.u32 s16, $0x1;
	s2 =	sadd.s32 s5, s2;
	[dreg:$0x8] =	wrdreg s20  }
0x11: {  	s9 =	sadd.s32 s17, s9;
	s5 =	simm.s32 $0x4F;
	[dreg:$0x9] =	wrdreg s21  }
0x12: {  	s22 =	sadd.s32 s13, s12;
	s18 =	smul.u32 $0x4E0, s14;
	s19 =	simm.s32 $0x1  }
0x13: {  	s20 =	simm.s32 $0x2;
	s21 =	simm.s32 $0x13C80;
	s5 =	simm.s32 @!p0 $0x4E  }
0x14: {  	s9 =	sshll.u32 s9, $0x4;
	s15 =	sadd.s32 $0x2AC00, s2;
	p0 =	sgt.u32 s8, $0x3  }
0x15: {  	s11 =	sadd.s32 s0, s9;
	s9 =	sadd.s32 s17, s22;
	s25 =	sadd.s32 s18, s7  }
0x16: {  	s18 =	simm.s32 $0x13E00;
	s22 =	simm.s32 $0x13D80;
	s23 =	sadd.s32 $0x10, s11  }
0x17: {  	s24 =	sadd.s32 $0x9C40, s11;
	s9 =	sshll.u32 s9, $0x4;
	s14 =	sadd.s32 $0x9C50, s11  }
0x18: {  	s17 =	sadd.s32 s29, s25;
	[dreg:$0xa] =	wrdreg s23;
	s0 =	sadd.s32 s9, s0  }
0x19: {  	s25 =	simm.s32 $0x4;
	[dreg:$0xb] =	wrdreg s24;
	s26 =	sadd.s32 $0x20, s0  }
0x1a: {  	s23 =	simm.s32 $0x13C00;
	s0 =	sadd.s32 $0x30, s0;
	[dreg:$0x4] =	wrdreg s26  }
0x1b: {  	v0 =	vimm.f32 $0.0e+00;
	[dreg:$0x5] =	wrdreg s0;
	s26 =	simm.s32 $0x80;
	s0 =	simm.s32 $0x5  }
.LBB2_1:
0x1c: {  	s2 =	simm.s32 $0x0;
	s7 =	simm.s32 $0x200  }
.LBB2_2:
0x1d: {  	p1 =	sne.s32 s7, $0xFE00;
	[tilespmem:s2+$0x13E70] =	vst v0  }
0x1e: {  	[tilespmem:s2+$0x13E00] =	vst v0  }
0x1f: {  	[tilespmem:s2+$0x13E10] =	vst v0  }
.Ltmp0:
0x20: {  	[tilespmem:s2+$0x13E20] =	vst v0;
	(pc) =	sbr.rel @p1 .LBB2_2-.Ltmp0, $4  }
0x21: {  	[tilespmem:s2+$0x13E30] =	vst v0  }
0x22: {  	[tilespmem:s2+$0x13E40] =	vst v0  }
0x23: {  	[tilespmem:s2+$0x13E50] =	vst v0  }
0x24: {  	[tilespmem:s2+$0x13E60] =	vst v0;
	s2 =	sshra.s32 s7, $0x2;
	s7 =	sadd.s32 $0x200, s7  }
0x25: {  	[tilespmem:s2+$0x13E70] =	vst v0  }
0x26: {  	[tilespmem:s2+$0x13E00] =	vst v0  }
0x27: {  	[tilespmem:s2+$0x13E10] =	vst v0  }
0x28: {  	[tilespmem:s2+$0x13E20] =	vst v0  }
0x29: {  	[tilespmem:s2+$0x13E30] =	vst v0  }
0x2a: {  	[tilespmem:s2+$0x13E40] =	vst v0  }
0x2b: {  	[tilespmem:s2+$0x13E50] =	vst v0  }
0x2c: {  	[tilespmem:s2+$0x13E60] =	vst v0  }
0x2d: {  	[spmem:s6] =	stream.linear.scatter [tilespmem:s18], [sflag:$0x1], $0x4000, $0x38;
	[tilespmem:$0x1BE00] =	vst v63  }
0x2e: {  	s24 =	rddreg [dreg:$0x6]  }
0x2f: {  	[spmem:s24] =	stream.linear.scatter [tilespmem:s18], [sflag:$0x1], $0x4000, $0x38;
	[tilespmem:$0x1BE00] =	vst v63  }
0x30: {  	s7 =	rddreg [dreg:$0x7]  }
0x31: {  	[spmem:s7] =	stream.linear.scatter [tilespmem:s18], [sflag:$0x1], $0x4000, $0x38;
	[tilespmem:$0x1BE00] =	vst v63  }
0x32: {  	s8 =	rddreg [dreg:$0x8]  }
0x33: {  	[spmem:s8] =	stream.linear.scatter [tilespmem:s18], [sflag:$0x1], $0x4000, $0x38;
	[tilespmem:$0x1BE00] =	vst v63  }
0x34: {  	s9 =	rddreg [dreg:$0x9]  }
0x35: {  	[spmem:s9] =	stream.linear.scatter [tilespmem:s18], [sflag:$0x2], $0x3C00, $0x38;
	[tilespmem:$0x1BE00] =	vst v63  }
0x36: {  	_ =	swait.ge [sflag:s19], $0x4000  }
0x37: {  	[sflag:s19] =	ssyncset.done $0x0  }
0x38: {  	[sflag:s19] =	ssyncadd.s32 $0xFFFFC000  }
0x39: {  	_ =	swait.ge [sflag:s19], $0x4000  }
0x3a: {  	[sflag:s19] =	ssyncset.done $0x0  }
0x3b: {  	[sflag:s19] =	ssyncadd.s32 $0xFFFFC000  }
0x3c: {  	_ =	swait.ge [sflag:s19], $0x4000  }
0x3d: {  	[sflag:s19] =	ssyncset.done $0x0  }
0x3e: {  	[sflag:s19] =	ssyncadd.s32 $0xFFFFC000  }
0x3f: {  	_ =	swait.ge [sflag:s19], $0x4000  }
0x40: {  	[sflag:s19] =	ssyncset.done $0x0  }
0x41: {  	[sflag:s19] =	ssyncadd.s32 $0xFFFFC000  }
0x42: {  	_ =	swait.ge [sflag:s20], $0x3C00  }
0x43: {  	[sflag:s20] =	ssyncset.done $0x0  }
0x44: {  	[sflag:s20] =	ssyncadd.s32 $0xFFFFC400  }
0x45: {  	s10 =	simm.s32 $0x0;
	[bflag:$0x0] =	sbarrier.arrive $0xFFFF  }
0x46: {  	[tilespmem:s21], [sflag:$0x4] =	stream.linear.gather [hbm4b:s11+s10], $0x80, $0x38;
	[tilespmem:$0x1BE00] =	vst v63  }
0x47: {  	s7 =	rddreg [dreg:$0xa]  }
0x48: {  	[tilespmem:s22], [sflag:$0x6] =	stream.linear.gather [hbm4b:s7+s10], $0x80, $0x38;
	[tilespmem:$0x1BE00] =	vst v63  }
0x49: {  	s12 =	rddreg [dreg:$0xb]  }
0x4a: {  	[tilespmem:s23], [sflag:$0x3] =	stream.linear.gather [hbm4b:s12+s10], $0x80, $0x38;
	[tilespmem:$0x1BE00] =	vst v63  }
0x4b: {  	s13 =	simm.s32 $0x13D00  }
0x4c: {  	[tilespmem:s13], [sflag:$0x5] =	stream.linear.gather [hbm4b:s14+s10], $0x80, $0x38;
	[tilespmem:$0x1BE00] =	vst v63  }
0x4d: {  	_ =	swait.ge [sflag:s25], $0x80  }
0x4e: {  	[sflag:s25] =	ssyncset.done $0x0  }
0x4f: {  	[sflag:s25] =	ssyncadd.s32 $0xFFFFFF80  }
0x50: {  	[tilespmem:s18], [sflag:$0x1] =	stream.indirect.gather [hbm4b:s4+s26], $0x80, s21, s26, $0xb8;
	[tilespmem:$0x1BE00] =	vst v63  }
0x51: {  	_ =	swait.ge [sflag:s28], $0x80  }
0x52: {  	[sflag:s28] =	ssyncset.done $0x0  }
0x53: {  	s24 =	simm.s32 $0x17E00;
	[sflag:s28] =	ssyncadd.s32 $0xFFFFFF80  }
0x54: {  	[tilespmem:s24], [sflag:$0x2] =	stream.indirect.gather [hbm4b:s4+s26], $0x80, s22, s26, $0xb8;
	[tilespmem:$0x1BE00] =	vst v63  }
0x55: {  	_ =	swait.ge [sflag:s19], $0x4000  }
0x56: {  	[sflag:s19] =	ssyncset.done $0x0  }
0x57: {  	[sflag:s19] =	ssyncadd.s32 $0xFFFFC000  }
0x58: {  	p1 =	sle.u32 s5, $0x2;
	_ =	swait.ge [sflag:s30], $0x80  }
0x59: {  	s8 =	simm.s32 @!p1 $0x13C80;
	s2 =	rddreg [dreg:$0x4];
	[sflag:s30] =	ssyncset.done $0x0  }
0x5a: {  	s7 =	simm.s32 @!p1 $0x0;
	[sflag:s30] =	ssyncadd.s32 $0xFFFFFF80;
	s2 =	sadd.s32 @!p1 $0x0, s2  }
0x5b: {  	[tilespmem:s8], [sflag:$0x4] =	stream.linear.gather @!p1 [hbm4b:s2+s7], $0x80, $0x38;
	[tilespmem:$0x1BE00] =	vst v63  }
0x5c: {  	_ = 	snop  }
0x5d: {  	[spmem:s1] =	stream.indirect.scatter.add.f32 [tilespmem:s18], [sflag:$0x7], $0x80, s23, s26, $0xb8;
	[tilespmem:$0x1BE00] =	vst v63  }
0x5e: {  	_ =	swait.ge [sflag:s31], $0x4000  }
0x5f: {  	s9 =	simm.s32 @!p1 $0x13C00;
	s2 =	sadd.s32 @!p1 $0x0, s17;
	[sflag:s31] =	ssyncset.done $0x0  }
0x60: {  	s24 =	simm.s32 @!p1 $0x4;
	s2 =	sadd.s32 @!p1 $0x9C60, s2;
	[sflag:s31] =	ssyncadd.s32 $0xFFFFC000  }
0x61: {  	[tilespmem:s9], [sflag:$0x3] =	stream.linear.gather @!p1 [hbm4b:s2+s7], $0x80, $0x38;
	[tilespmem:$0x1BE00] =	vst v63  }
0x62: {  	_ =	swait.ge @!p1 [sflag:s24], $0x80  }
0x63: {  	[sflag:s24] =	ssyncset.done @!p1 $0x0  }
0x64: {  	s2 =	simm.s32 @!p1 $0x80;
	s7 =	simm.s32 @!p1 $0x13E00;
	[sflag:s24] =	ssyncadd.s32 @!p1 $0xFFFFFF80  }
0x65: {  	[tilespmem:s7], [sflag:$0x1] =	stream.indirect.gather @!p1 [hbm4b:s4+s2], $0x80, s8, s2, $0xb8;
	[tilespmem:$0x1BE00] =	vst v63  }
0x66: {  	_ =	swait.ge [sflag:s20], $0x4000  }
0x67: {  	[sflag:s20] =	ssyncset.done $0x0  }
0x68: {  	[sflag:s20] =	ssyncadd.s32 $0xFFFFC000  }
0x69: {  	p2 =	sle.u32 s5, $0x3;
	_ =	swait.ge [sflag:s0], $0x80  }
0x6a: {  	s9 =	simm.s32 @p2 $0x7;
	s2 =	simm.s32 @p2 $0x80;
	[sflag:s0] =	ssyncset.done $0x0  }
0x6b: {  	s7 =	simm.s32 @p2 $0x17E00;
	s8 =	simm.s32 @p2 $0x13D00;
	[sflag:s0] =	ssyncadd.s32 $0xFFFFFF80  }
0x6c: {  	[spmem:s1] =	stream.indirect.scatter.add.f32 @p2 [tilespmem:s7], [sflag:$0x7], $0x80, s8, s2, $0xb8;
	[tilespmem:$0x1BE00] =	vst v63  }
0x6d: {  	s29 =	simm.s32 @!p2 $0x7;
	_ =	swait.ge @p2 [sflag:s9], $0x4000  }
0x6e: {  	s24 =	simm.s32 @!p2 $0x0;
	s2 =	rddreg [dreg:$0x5];
	[sflag:s9] =	ssyncset.done @p2 $0x0  }
0x6f: {  	s8 =	simm.s32 @!p2 $0x13D80;
	[sflag:s9] =	ssyncadd.s32 @p2 $0xFFFFC000;
	s2 =	sadd.s32 @!p2 $0x0, s2  }
0x70: {  	[tilespmem:s8], [sflag:$0x6] =	stream.linear.gather @!p2 [hbm4b:s2+s24], $0x80, $0x38;
	[tilespmem:$0x1BE00] =	vst v63  }
0x71: {  	s7 =	simm.s32 @!p2 $0x17E00;
	s9 =	simm.s32 @!p2 $0x80;
	s2 =	simm.s32 @!p2 $0x13D00  }
0x72: {  	[spmem:s1] =	stream.indirect.scatter.add.f32 @!p2 [tilespmem:s7], [sflag:$0x7], $0x80, s2, s9, $0xb8;
	[tilespmem:$0x1BE00] =	vst v63  }
0x73: {  	_ =	swait.ge @!p2 [sflag:s29], $0x4000  }
0x74: {  	s10 =	sadd.s32 @!p2 $0x0, s17;
	[sflag:s29] =	ssyncset.done @!p2 $0x0  }
0x75: {  	s10 =	sadd.s32 @!p2 $0x9C70, s10;
	[sflag:s29] =	ssyncadd.s32 @!p2 $0xFFFFC000;
	s29 =	simm.s32 @!p2 $0x6  }
0x76: {  	[tilespmem:s2], [sflag:$0x5] =	stream.linear.gather @!p2 [hbm4b:s10+s24], $0x80, $0x38;
	[tilespmem:$0x1BE00] =	vst v63  }
0x77: {  	_ =	swait.ge @!p2 [sflag:s29], $0x80  }
0x78: {  	s2 =	simm.s32 $0x3;
	s24 =	simm.s32 $0x20;
	[sflag:s29] =	ssyncset.done @!p2 $0x0  }
.LBB2_4:
0x79: {  	[sflag:s29] =	ssyncadd.s32 @!p2 $0xFFFFFF80  }
0x7a: {  	[tilespmem:s7], [sflag:$0x2] =	stream.indirect.gather @!p2 [hbm4b:s4+s9], $0x80, s8, s9, $0xb8;
	[tilespmem:$0x1BE00] =	vst v63  }
0x7b: {  	_ =	swait.ge [sflag:s19], $0x4000  }
0x7c: {  	s2 =	sadd.s32 $0x2, s2;
	[sflag:s19] =	ssyncset.done $0x0  }
0x7d: {  	s13 =	sadd.s32 $0xFFFFFFFF, s2;
	[sflag:s19] =	ssyncadd.s32 $0xFFFFC000  }
0x7e: {  	s29 =	smov.u32 s24;
	p2 =	sge.u32 s13, s5;
	_ =	swait.ge [sflag:s30], $0x80  }
0x7f: {  	s7 =	simm.s32 @!p2 $0x0;
	s8 =	rddreg [dreg:$0x4];
	[sflag:s30] =	ssyncset.done $0x0  }
0x80: {  	s10 =	simm.s32 @!p2 $0x13C80;
	[sflag:s30] =	ssyncadd.s32 $0xFFFFFF80;
	s8 =	sadd.s32 @!p2 s29, s8  }
0x81: {  	[tilespmem:s10], [sflag:$0x4] =	stream.linear.gather @!p2 [hbm4b:s8+s7], $0x80, $0x38;
	[tilespmem:$0x1BE00] =	vst v63  }
0x82: {  	_ = 	snop  }
0x83: {  	[spmem:s1] =	stream.indirect.scatter.add.f32 [tilespmem:s18], [sflag:$0x7], $0x80, s23, s26, $0xb8;
	[tilespmem:$0x1BE00] =	vst v63  }
0x84: {  	_ =	swait.ge [sflag:s31], $0x4000  }
0x85: {  	s9 =	sadd.s32 @!p2 s29, s17;
	s12 =	simm.s32 @!p2 $0x4;
	[sflag:s31] =	ssyncset.done $0x0  }
0x86: {  	s9 =	sadd.s32 @!p2 $0x9C60, s9;
	s8 =	simm.s32 @!p2 $0x13C00;
	[sflag:s31] =	ssyncadd.s32 $0xFFFFC000  }
0x87: {  	[tilespmem:s8], [sflag:$0x3] =	stream.linear.gather @!p2 [hbm4b:s9+s7], $0x80, $0x38;
	[tilespmem:$0x1BE00] =	vst v63  }
0x88: {  	_ =	swait.ge @!p2 [sflag:s12], $0x80  }
0x89: {  	[sflag:s12] =	ssyncset.done @!p2 $0x0  }
0x8a: {  	s7 =	simm.s32 @!p2 $0x80;
	s8 =	simm.s32 @!p2 $0x13E00;
	[sflag:s12] =	ssyncadd.s32 @!p2 $0xFFFFFF80  }
0x8b: {  	[tilespmem:s8], [sflag:$0x1] =	stream.indirect.gather @!p2 [hbm4b:s4+s7], $0x80, s10, s7, $0xb8;
	[tilespmem:$0x1BE00] =	vst v63  }
0x8c: {  	_ =	swait.ge [sflag:s20], $0x4000  }
0x8d: {  	[sflag:s20] =	ssyncset.done $0x0  }
0x8e: {  	p2 =	sge.u32 s2, s5;
	[sflag:s20] =	ssyncadd.s32 $0xFFFFC000  }
0x8f: {  	s24 =	sadd.s32 $0x20, s24;
	s7 =	simm.s32 @p2 $0x80;
	_ =	swait.ge [sflag:s0], $0x80  }
0x90: {  	s8 =	simm.s32 @p2 $0x17E00;
	s9 =	simm.s32 @p2 $0x13D00;
	[sflag:s0] =	ssyncset.done $0x0  }
0x91: {  	s10 =	simm.s32 @p2 $0x7;
	s13 =	simm.s32 @!p2 $0x13D00;
	[sflag:s0] =	ssyncadd.s32 $0xFFFFFF80  }
0x92: {  	[spmem:s1] =	stream.indirect.scatter.add.f32 @p2 [tilespmem:s8], [sflag:$0x7], $0x80, s9, s7, $0xb8;
	[tilespmem:$0x1BE00] =	vst v63  }
0x93: {  	s7 =	sadd.s32 @!p2 s29, s17;
	s8 =	simm.s32 @!p2 $0x13D80;
	_ =	swait.ge @p2 [sflag:s10], $0x4000  }
0x94: {  	s12 =	sadd.s32 @!p2 $0x9C70, s7;
	s9 =	rddreg [dreg:$0x5];
	[sflag:s10] =	ssyncset.done @p2 $0x0  }
0x95: {  	[sflag:s10] =	ssyncadd.s32 @p2 $0xFFFFC000;
	s10 =	simm.s32 @!p2 $0x0;
	s29 =	sadd.s32 @!p2 s29, s9  }
0x96: {  	[tilespmem:s8], [sflag:$0x6] =	stream.linear.gather @!p2 [hbm4b:s29+s10], $0x80, $0x38;
	[tilespmem:$0x1BE00] =	vst v63  }
0x97: {  	s7 =	simm.s32 @!p2 $0x17E00;
	s9 =	simm.s32 @!p2 $0x80;
	s29 =	simm.s32 @!p2 $0x7  }
0x98: {  	[spmem:s1] =	stream.indirect.scatter.add.f32 @!p2 [tilespmem:s7], [sflag:$0x7], $0x80, s13, s9, $0xb8;
	[tilespmem:$0x1BE00] =	vst v63  }
0x99: {  	p1 =	sne.s32 s24, $0x4E0;
	_ =	swait.ge @!p2 [sflag:s29], $0x4000  }
.Ltmp1:
0x9a: {  	[sflag:s29] =	ssyncset.done @!p2 $0x0;
	(pc) =	sbr.rel @p1 .LBB2_4-.Ltmp1, $4  }
0x9b: {  	[sflag:s29] =	ssyncadd.s32 @!p2 $0xFFFFC000;
	s29 =	simm.s32 @!p2 $0x6  }
0x9c: {  	[tilespmem:s13], [sflag:$0x5] =	stream.linear.gather @!p2 [hbm4b:s12+s10], $0x80, $0x38;
	[tilespmem:$0x1BE00] =	vst v63  }
0x9d: {  	_ =	swait.ge @!p2 [sflag:s29], $0x80  }
0x9e: {  	[sflag:s29] =	ssyncset.done @!p2 $0x0  }
0x9f: {  	[sflag:s29] =	ssyncadd.s32 @!p2 $0xFFFFFF80;
	s2 =	simm.s32 @!p0 $0x1  }
0xa0: {  	[tilespmem:s7], [sflag:$0x2] =	stream.indirect.gather @!p2 [hbm4b:s4+s9], $0x80, s8, s9, $0xb8;
	[tilespmem:$0x1BE00] =	vst v63  }
0xa1: {  	_ =	swait.ge @!p0 [sflag:s2], $0x4000  }
0xa2: {  	[sflag:s2] =	ssyncset.done @!p0 $0x0  }
0xa3: {  	[sflag:s2] =	ssyncadd.s32 @!p0 $0xFFFFC000;
	s2 =	simm.s32 @!p0 $0x3  }
0xa4: {  	_ =	swait.ge @!p0 [sflag:s2], $0x80  }
0xa5: {  	s7 =	simm.s32 @!p0 $0x13C00;
	[sflag:s2] =	ssyncset.done @!p0 $0x0  }
0xa6: {  	s8 =	simm.s32 @!p0 $0x13E00;
	[sflag:s2] =	ssyncadd.s32 @!p0 $0xFFFFFF80;
	s2 =	simm.s32 @!p0 $0x80  }
0xa7: {  	[spmem:s1] =	stream.indirect.scatter.add.f32 @!p0 [tilespmem:s8], [sflag:$0x7], $0x80, s7, s2, $0xb8;
	[tilespmem:$0x1BE00] =	vst v63  }
0xa8: {  	s2 =	simm.s32 @!p0 $0x7  }
0xa9: {  	s24 =	stileid.u32;
	_ =	swait.ge @!p0 [sflag:s2], $0x4000  }
0xaa: {  	s29 =	sshrl.u32 s6, $0x3;
	s3 =	sadd.s32 $0x1, s3;
	[sflag:s2] =	ssyncset.done @!p0 $0x0  }
0xab: {  	p1 =	sne.s32 s3, s16;
	[sflag:s2] =	ssyncadd.s32 @!p0 $0xFFFFC000;
	s2 =	sshll.u32 s24, $0x6  }
.Ltmp2:
0xac: {  	[bflag:$0x0] =	sbarrier.arrive $0xFFFF;
	s2 =	sor.u32 $0x1C07, s2;
	(pc) =	sbr.rel @p1 .LBB2_1-.Ltmp2, $4  }
0xad: {  	[hbm:s15], [sflag:s2] =	dma.local [spmem:s29], $0x2780  }
0xae: {  	_ =	swait.ge [sflag:s31], $0x2780  }
0xaf: {  	[sflag:s31] =	ssyncset.done $0x0  }
0xb0: {  	[sflag:s31] =	ssyncadd.s32 $0xFFFFD880  }
0xb1: {  	_ =	sfence.sel $0x180000  }
0xb2: {  	[bflag:$0x0] =	sbarrier.arrive $0xFFFF  }
0xb3: {  	_ =	strace $0x9000004D  }
0xb4: {  	s0 =	stileid.u32;
	[bflag:$0x2] =	sbarrier.arrive $0xFFFF  }
0xb5: {  	p0 =	sne.s32 s0, $0x0;
	s0 =	rddreg [dreg:$0x3]  }
0xb6: {  	s0 =	sadd.s32 @!p0 $0x100000, s0  }
0xb7: {  	[sflag:s0] =	ssyncadd.tile.s32 @!p0 $0x1;
	_ =	shalt  }
.Lfunc_end2:
_tile_overlayer_lowered:
.L_overlay_start_2:
0xb8: {  	(tag) =	ssettag $0x2  }
0xb9: {  	s0 =	rddreg [dreg:$0x0];
	s2 =	stileid.u32  }
0xba: {  	s1 =	rddreg [dreg:$0x1];
	p0 =	sne.s32 s2, $0x0  }
0xbb: {  	s3 =	rddreg [dreg:$0x2];
	[bflag:$0x3] =	sbarrier.arrive $0xFFFF;
	s2 =	simm.s32 @!p0 $0x1C07  }
0xbc: {  	[timem:s3], [sflag:s2] =	dma.local @!p0 [hbm:s0], s1  }
0xbd: {  	s0 =	simm.s32 @!p0 $0x7  }
0xbe: {  	_ =	swait.ge @!p0 [sflag:s0], s1  }
0xbf: {  	s1 =	ssub.s32 @!p0 $0x0, s1;
	[sflag:s0] =	ssyncset.done @!p0 $0x0  }
0xc0: {  	[sflag:s0] =	ssyncadd.s32 @!p0 s1  }
0xc1: {  	[bflag:$0x3] =	sbarrier.arrive $0xFFFF  }
0xc2: {  	_ =	shalt  }

// kernel: kernel.9.cloned.1.call-start
scs
__scs_entry_jumppad:
0x0: {  	(pc) =	sbr.rel $0x88, $3  }
0x1: {  	(tag) =	ssettag $0x0;
	lr =	simm.s32 $0x1  }
0x2: {  	[smem:$0x3F9B] =	sst lr;
	_ =	strace $0xD0000000  }
0x3: {  	_ = 	snop  }
0x4: {  	_ = 	snop  }
0x5: {  	_ = 	snop  }
0x6: {  	_ = 	snop  }
0x7: {  	_ = 	snop  }
__scs_overlays_trampoline_lowered:
0x8: {  	[smem:$0x3FAA] =	sst s0  }
0x9: {  	[smem:$0x3FAB] =	sst s1  }
0xa: {  	[smem:$0x3FAC] =	sst s2  }
0xb: {  	[smem:$0x3FAD] =	sst s3  }
0xc: {  	[smem:$0x3FAE] =	sst s4  }
0xd: {  	[smem:$0x3FAF] =	sst s5  }
0xe: {  	[smem:$0x3FB0] =	sst s6  }
0xf: {  	[smem:$0x3FB1] =	sst s7  }
0x10: {  	[smem:$0x3FB2] =	sst s8  }
0x11: {  	[smem:$0x3FB3] =	sst s9;
	s0 =	simm.s32 @!p0 $0x0  }
0x12: {  	s1 =	sld [smem:$0x3F99];
	s0 =	simm.s32 @p0 $0x1  }
0x13: {  	[smem:$0x3FB4] =	sst s0;
	s0 =	simm.s32 @!p1 $0x0  }
0x14: {  	s2 =	sld [smem:$0x3F98];
	s0 =	simm.s32 @p1 $0x1  }
0x15: {  	[smem:$0x3FB5] =	sst s0;
	s0 =	simm.s32 @!p2 $0x0  }
0x16: {  	s3 =	sld [smem:$0x3FDB];
	s0 =	simm.s32 @p2 $0x1  }
0x17: {  	s4 =	simm.s32 $0x1BF5;
	[smem:$0x3FB7] =	sst s0  }
0x18: {  	s0 =	sld [smem:$0x3F9A];
	_ =	swait.ge [sflag:s4], $0x0  }
0x19: {  	s7 =	sld [smem:$0x3F9B]  }
0x1a: {  	s8 =	sadd.s32 $0xFFFFE003, lr  }
0x1b: {  	s9 =	sadd.s32 $0xFFFFFEF7, lr;
	s5 =	simm.s32 $0xFFFFFFFF;
	p2 =	slt.u32 s8, $0xFFFFF086  }
0x1c: {  	p1 =	slt.u32 s9, $0xF7A;
	s5 =	simm.s32 @!p2 $0x0  }
0x1d: {  	s5 =	simm.s32 @p1 $0x1;
	p0 =	seq.s32 s7, s2  }
0x1e: {  	s7 =	smul.u32 @!p0 $0xF7A, s2;
	p2 =	seq.s32 @!p0 s5, $0x0  }
0x1f: {  	s9 =	smul.u32 $0xF7A, s1;
	s8 =	simm.s32 @!p0 $0x1BF5;
	p2 =	por !p2, p0  }
0x20: {  	[sflag:s8] =	ssyncset.s32 @!p0 $0xFFFFF086;
	s6 =	sadd.s32 @!p0 s3, s7;
	s7 =	simm.s32 @!p0 $0x108  }
0x21: {  	s3 =	sadd.s32 s3, s9;
	s6 =	sadd.s32 @!p0 $0x88, s6;
	s7 =	simm.s32 @p2 $0x1082  }
0x22: {  	[simem:s7], [sflag:s8] =	dma.local @!p0 [hbm:s6], $0xF7A  }
0x23: {  	s9 =	sor.u32 $0xD0000000, s2;
	s6 =	simm.s32 $0x108;
	_ =	swait.ge @!p0 [sflag:s8], $0x0  }
0x24: {  	s3 =	sadd.s32 $0x88, s3;
	s6 =	simm.s32 @!p1 $0x1082;
	[sflag:s4] =	ssyncset.s32 $0xFFFFF086  }
0x25: {  	[simem:s6], [sflag:s4] =	dma.local [hbm:s3], $0xF7A  }
0x26: {  	[smem:$0x3F9B] =	sst s1;
	(tag) =	ssettag s2;
	_ =	strace s9  }
0x27: {  	s1 =	sld [smem:$0x3FAB]  }
0x28: {  	s2 =	sld [smem:$0x3FAC]  }
0x29: {  	s4 =	sld [smem:$0x3FAE]  }
0x2a: {  	p0 =	seq.s32 s5, $0x0;
	s5 =	sld [smem:$0x3FAF]  }
0x2b: {  	s6 =	sld [smem:$0x3FB0]  }
0x2c: {  	s7 =	sld [smem:$0x3FB1]  }
0x2d: {  	s3 =	simm.s32 $0x108;
	s8 =	sld [smem:$0x3FB2]  }
0x2e: {  	s3 =	simm.s32 @!p0 $0x1082;
	s9 =	sld [smem:$0x3FB3]  }
0x2f: {  	lr =	sadd.s32 s0, s3;
	s0 =	sld [smem:$0x3FAA]  }
0x30: {  	s3 =	sld [smem:$0x3FAD]  }
0x31: {  	[smem:$0x3FB6] =	sst s10  }
0x32: {  	s10 =	sld [smem:$0x3FB4];
	_ =	sdelay $0x3  }
0x33: {  	p0 =	seq.s32 s10, $0x1;
	s10 =	sld [smem:$0x3FB6];
	_ =	sdelay $0x3  }
0x34: {  	[smem:$0x3FB6] =	sst s10  }
0x35: {  	s10 =	sld [smem:$0x3FB5];
	_ =	sdelay $0x3  }
0x36: {  	p1 =	seq.s32 s10, $0x1;
	s10 =	sld [smem:$0x3FB6];
	_ =	sdelay $0x3  }
0x37: {  	[smem:$0x3FB6] =	sst s10  }
0x38: {  	s10 =	sld [smem:$0x3FB7]  }
0x39: {  	_ = 	snop;
	(pc) =	sbr.ind lr, $3  }
0x3a: {  	_ = 	snop  }
0x3b: {  	_ = 	snop  }
0x3c: {  	p2 =	seq.s32 s10, $0x1;
	s10 =	sld [smem:$0x3FB6]  }
0x3d: {  	_ =	shalt  }
0x3e: {  	_ =	shalt  }
0x3f: {  	_ =	shalt  }
0x40: {  	_ =	shalt  }
0x41: {  	_ =	shalt  }
0x42: {  	_ =	shalt  }
0x43: {  	_ =	shalt  }
0x44: {  	_ =	shalt  }
0x45: {  	_ =	shalt  }
0x46: {  	_ =	shalt  }
0x47: {  	_ =	shalt  }
0x48: {  	_ =	shalt  }
0x49: {  	_ =	shalt  }
0x4a: {  	_ =	shalt  }
0x4b: {  	_ =	shalt  }
0x4c: {  	_ =	shalt  }
0x4d: {  	_ =	shalt  }
0x4e: {  	_ =	shalt  }
0x4f: {  	_ =	shalt  }
0x50: {  	_ =	shalt  }
0x51: {  	_ =	shalt  }
0x52: {  	_ =	shalt  }
0x53: {  	_ =	shalt  }
0x54: {  	_ =	shalt  }
0x55: {  	_ =	shalt  }
0x56: {  	_ =	shalt  }
0x57: {  	_ =	shalt  }
0x58: {  	_ =	shalt  }
0x59: {  	_ =	shalt  }
0x5a: {  	_ =	shalt  }
0x5b: {  	_ =	shalt  }
0x5c: {  	_ =	shalt  }
0x5d: {  	_ =	shalt  }
0x5e: {  	_ =	shalt  }
0x5f: {  	_ =	shalt  }
0x60: {  	_ =	shalt  }
0x61: {  	_ =	shalt  }
0x62: {  	_ =	shalt  }
0x63: {  	_ =	shalt  }
0x64: {  	_ =	shalt  }
0x65: {  	_ =	shalt  }
0x66: {  	_ =	shalt  }
0x67: {  	_ =	shalt  }
0x68: {  	_ =	shalt  }
0x69: {  	_ =	shalt  }
0x6a: {  	_ =	shalt  }
0x6b: {  	_ =	shalt  }
0x6c: {  	_ =	shalt  }
0x6d: {  	_ =	shalt  }
0x6e: {  	_ =	shalt  }
0x6f: {  	_ =	shalt  }
0x70: {  	_ =	shalt  }
0x71: {  	_ =	shalt  }
0x72: {  	_ =	shalt  }
0x73: {  	_ =	shalt  }
0x74: {  	_ =	shalt  }
0x75: {  	_ =	shalt  }
0x76: {  	_ =	shalt  }
0x77: {  	_ =	shalt  }
0x78: {  	_ =	shalt  }
0x79: {  	_ =	shalt  }
0x7a: {  	_ =	shalt  }
0x7b: {  	_ =	shalt  }
0x7c: {  	_ =	shalt  }
0x7d: {  	_ =	shalt  }
0x7e: {  	_ =	shalt  }
0x7f: {  	_ =	shalt  }
0x80: {  	_ =	shalt  }
0x81: {  	_ =	shalt  }
0x82: {  	_ =	shalt  }
0x83: {  	_ =	shalt  }
0x84: {  	_ =	shalt  }
0x85: {  	_ =	shalt  }
0x86: {  	_ =	shalt  }
0x87: {  	_ =	shalt  }
.Lfunc_end0:
.L_simem_size_0:
called_computation_lowered:
.L_overlay_start_0:
0x88: {  	s2 =	sld [smem:$0x3FD9]  }
0x89: {  	s3 =	sld [smem:$0x3FFE];
	_ =	sdelay $0x1  }
0x8a: {  	s1 =	srdreg.scid  }
0x8b: {  	s0 =	sand.u32 $0x1, s1  }
0x8c: {  	s17 =	sshll.u32 s0, $0xA;
	s2 =	sadd.s32 s3, s2  }
0x8d: {  	s2 =	sadd.s32 s2, s17  }
0x8e: {  	[smem:$0x3FC2] =	sst s2  }
0x8f: {  	_ = 	snop  }
0x90: {  	s2 =	sld [smem:$0x3FD0];
	(tm) =	ssettm $0x1  }
0x91: {  	s18 =	sld [smem:$0x3FFB];
	_ =	sdelay $0x3  }
0x92: {  	_ =	strace s18  }
0x93: {  	s3 =	sld [smem:$0x3FFC];
	_ =	sdelay $0x3  }
0x94: {  	_ =	strace s3  }
0x95: {  	s3 =	sld [smem:$0x3FFD];
	_ =	sdelay $0x3  }
0x96: {  	_ =	strace s3  }
0x97: {  	_ =	strace $0x8FFFFFFF  }
0x98: {  	s19 =	sld [smem:$0x3FDB];
	_ =	sdelay $0x1  }
0x99: {  	s4 =	simm.s32 $_scs_section_size  }
0x9a: {  	s5 =	simm.s32 $_size__tile_overlayer_lowered;
	s6 =	simm.s32 $_tile_overlayer_lowered  }
0x9b: {  	s22 =	simm.s32 $0x1BFF;
	s21 =	sshll.u32 s6, $0x1;
	s3 =	sadd.s32 s4, s19  }
0x9c: {  	s7 =	simm.s32 $0x0;
	s20 =	sshll.u32 s5, $0x1;
	s5 =	sadd.s32 s21, s3  }
0x9d: {  	[timem:s7], [sflag:s22] =	dma.local [hbm:s5], s20  }
0x9e: {  	_ =	swait.ge [sflag:s22], s20  }
0x9f: {  	s4 =	ssub.s32 $0x0, s20;
	[sflag:s22] =	ssyncset.done $0x0  }
0xa0: {  	[sflag:s22] =	ssyncadd.s32 s4;
	_ =	sdelay $0x1  }
0xa1: {  	s23 =	simm.s32 $0x1B8B  }
0xa2: {  	_ =	swait.ge [sflag:s23], $0x1  }
0xa3: {  	[sflag:s23] =	ssyncset.done $0x0  }
0xa4: {  	s25 =	simm.s32 $0x1B8E;
	s24 =	sld [smem:$0x3FFE];
	[sflag:s23] =	ssyncadd.s32 $0xFFFFFFFF  }
0xa5: {  	s26 =	simm.s32 $execute0_lowered;
	[smem:$0x3FD2] =	sst s25  }
0xa6: {  	s5 =	sshll.u32 s26, $0x1;
	_ =	strace $0x80000046;
	[dreg:$0x1] =	wrdreg $0xFFFFFFFF  }
0xa7: {  	s28 =	simm.s32 $_size_execute0_lowered;
	s3 =	sadd.s32 s3, s5;
	[dreg:$0x0] =	wrdreg $0x0  }
0xa8: {  	s5 =	sshll.u32 s28, $0x1;
	[dreg:$0x2] =	wrdreg s3  }
0xa9: {  	[dreg:$0x3] =	wrdreg s5  }
0xaa: {  	[dreg:$0x4] =	wrdreg $0xC0  }
0xab: {  	_ =	task [dreg:s7], $0x5FFFF  }
0xac: {  	[dreg:$0x1] =	wrdreg $0xFFFFFFFF  }
0xad: {  	[dreg:$0x0] =	wrdreg $0x60  }
0xae: {  	[dreg:$0x2] =	wrdreg s2  }
0xaf: {  	[dreg:$0x3] =	wrdreg s24  }
0xb0: {  	[dreg:$0x4] =	wrdreg $0x0  }
0xb1: {  	[dreg:$0x5] =	wrdreg $0x9  }
0xb2: {  	_ =	task.clear_ibuf [dreg:s7], $0x6FFFF;
	_ =	strace $0x90000046  }
0xb3: {  	s29 =	simm.s32 $0x9;
	_ =	strace $0x80000048  }
0xb4: {  	_ =	swait.ge [sflag:s29], $0x1  }
0xb5: {  	[sflag:s29] =	ssyncadd.s32 $0xFFFFFFFF  }
0xb6: {  	_ =	strace $0x90000048  }
0xb7: {  	_ =	sfence  }
0xb8: {  	s30 =	sld [smem:$0x0];
	_ =	sdelay $0x2  }
0xb9: {  	s31 =	sshll.u32 s1, $0xD;
	s1 =	sshrl.u32 s1, $0x2  }
0xba: {  	s3 =	sand.u32 $0x4000, s31;
	s1 =	sadd.s32 s1, s30  }
0xbb: {  	s0 =	sor.u32 s3, s0;
	s1 =	sshll.u32 s1, $0x11  }
0xbc: {  	s0 =	sor.u32 s1, s0  }
0xbd: {  	s0 =	sadd.s32 $0x8F2B, s0  }
0xbe: {  	[sflag:s0] =	ssyncadd.remote.s32 $0x1  }
0xbf: {  	_ =	sfence.sel $0xFFFF  }
0xc0: {  	[dreg:$0x0] =	wrdreg $0xFFFFFFFF;
	(pc) =	sbr.abs _section_cstart, $3  }
0xc1: {  	[dreg:$0x1] =	wrdreg $0xFFFFFFFF  }
0xc2: {  	_ =	task.clear_ibuf [dreg:s7], $0x2FFFF;
	_ =	strace $0x9FFFFFFF  }
0xc3: {  	(tm) =	ssettm $0x7FFFFFFF  }
tec
execute0_lowered:
.L_overlay_start_1:
0x0: {  	(tag) =	ssettag $0x1  }
0x1: {  	s8 =	rddreg [dreg:$0x0]  }
0x2: {  	s4 =	rddreg [dreg:$0x1]  }
0x3: {  	s2 =	rddreg [dreg:$0x2];
	s3 =	srdreg.scid  }
0x4: {  	s0 =	rddreg [dreg:$0x3];
	s1 =	stileid.u32;
	s14 =	simm.s32 $0x2C00  }
0x5: {  	s15 =	simm.s32 $0x0;
	s5 =	sand.u32 $0x1, s3;
	s3 =	simm.s32 $0x0  }
0x6: {  	s6 =	sshll.u32 s1, $0xA;
	s30 =	smul.u32 $0x4E, s1;
	s7 =	sshll.u32 s5, $0xE  }
0x7: {  	[smem:$0x7FF] =	sst s3;
	s9 =	sshll.u32 s5, $0x4;
	s28 =	ssub.s32 $0x2, s5  }
0x8: {  	s5 =	smul.u32 $0x4E0, s5;
	s7 =	sor.u32 s6, s7;
	_ =	strace $0x80000047  }
0x9: {  	s10 =	sor.u32 s1, s9;
	s11 =	sshrl.u32 s28, $0x1;
	s6 =	sadd.s32 s6, s2  }
0xa: {  	s7 =	sshrl.u32 s7, $0x3;
	s9 =	smul.u32 $0x4E, s10;
	s12 =	smin.u32 s10, $0x4  }
0xb: {  	s11 =	ssub.s32 s28, s11;
	p0 =	slt.u32 s10, $0x4;
	s7 =	sadd.s32 s7, s4  }
0xc: {  	s5 =	sor.u32 s5, s12;
	s4 =	simm.s32 $0x4F;
	s29 =	sadd.s32 s12, s9  }
0xd: {  	s9 =	sadd.s32 s30, s5;
	s4 =	simm.s32 @!p0 $0x4E;
	s7 =	sadd.s32 $0x2C00, s7  }
0xe: {  	p0 =	sgt.u32 s10, $0x3;
	s10 =	simm.s32 $0x1;
	s13 =	sshll.u32 s29, $0x4  }
0xf: {  	s12 =	simm.s32 $0x2;
	s9 =	sshll.u32 s9, $0x4;
	s31 =	sadd.s32 s13, s8  }
0x10: {  	s9 =	sadd.s32 s9, s8;
	s8 =	smax.u32 s11, $0x1;
	s11 =	simm.s32 $0x2D00  }
0x11: {  	v0 =	vimm.f32 $1.000000000e+00;
	v1 =	vimm.f32 $0.0e+00;
	s13 =	simm.s32 $0x80;
	s5 =	sadd.s32 $0xA120, s31;
	s9 =	sadd.s32 $0x9C40, s9  }
.LBB2_1:
0x12: {  	s16 =	simm.s32 $0x400  }
0x13: {  	s17 =	simm.s32 $0x10;
	s19 =	sadd.s32 $0x0, s9;
	s18 =	simm.s32 $0x480  }
.LBB2_2:
0x14: {  	[tilespmem:s16], [sflag:$0x1] =	stream.linear.gather [hbm4b:s19+s3], $0x80, $0x38;
	[tilespmem:$0x3100] =	vst v63  }
0x15: {  	s19 =	smov.u32 s17;
	s16 =	smov.u32 s18;
	p1 =	sne.s32 s17, $0x4D0  }
.Ltmp0:
0x16: {  	s17 =	sadd.s32 $0x10, s17;
	(pc) =	sbr.rel @p1 .LBB2_2-.Ltmp0, $2  }
0x17: {  	_ =	sdelay $0x2  }
0x18: {  	s18 =	sadd.s32 $0x80, s18;
	s19 =	sadd.s32 s19, s9  }
0x19: {  	[tilespmem:s16], [sflag:$0x1] =	stream.linear.gather [hbm4b:s19+s3], $0x80, $0x38;
	[tilespmem:$0x3100] =	vst v63  }
0x1a: {  	s16 =	simm.s32 @!p0 $0x0;
	s17 =	simm.s32 @!p0 $0x2C80  }
0x1b: {  	[tilespmem:s17], [sflag:$0x2] =	stream.linear.gather @!p0 [hbm4b:s5+s16], $0x80, $0x38;
	[tilespmem:$0x3100] =	vst v63  }
0x1c: {  	s16 =	simm.s32 @!p0 $0x2  }
0x1d: {  	_ =	swait.ge @!p0 [sflag:s16], $0x80  }
0x1e: {  	[sflag:s16] =	ssyncset.done @!p0 $0x0  }
0x1f: {  	[sflag:s16] =	ssyncadd.s32 @!p0 $0xFFFFFF80  }
0x20: {  	_ =	swait.ge [sflag:s10], $0x80  }
0x21: {  	s16 =	simm.s32 $0x4D;
	[sflag:s10] =	ssyncset.done $0x0  }
.LBB2_4:
0x22: {  	p1 =	sne.s32 s16, $0x1;
	s16 =	sadd.s32 $0xFFFFFFFF, s16;
	[sflag:s10] =	ssyncadd.s32 $0xFFFFFF80  }
.Ltmp1:
0x23: {  	(pc) =	sbr.rel @p1 .LBB2_4-.Ltmp1, $3  }
0x24: {  	_ =	sdelay $0x1  }
0x25: {  	_ =	swait.ge [sflag:s10], $0x80  }
0x26: {  	[sflag:s10] =	ssyncset.done $0x0  }
0x27: {  	[sflag:s10] =	ssyncadd.s32 $0xFFFFFF80  }
0x28: {  	[tilespmem:$0x2C00] =	vst v0  }
0x29: {  	[tilespmem:$0x2C10] =	vst v0  }
0x2a: {  	[tilespmem:$0x2C20] =	vst v0  }
0x2b: {  	[tilespmem:$0x2C30] =	vst v0  }
0x2c: {  	[tilespmem:$0x2C40] =	vst v0  }
0x2d: {  	[tilespmem:$0x2C50] =	vst v0  }
0x2e: {  	[tilespmem:$0x2C60] =	vst v0  }
0x2f: {  	[tilespmem:$0x2C70] =	vst v0  }
0x30: {  	[tilespmem:$0x2D00] =	vst v1  }
0x31: {  	[tilespmem:$0x2D10] =	vst v1  }
0x32: {  	[tilespmem:$0x2D20] =	vst v1  }
0x33: {  	[tilespmem:$0x2D30] =	vst v1  }
0x34: {  	[tilespmem:$0x2D40] =	vst v1  }
0x35: {  	[tilespmem:$0x2D50] =	vst v1  }
0x36: {  	[tilespmem:$0x2D60] =	vst v1  }
0x37: {  	[tilespmem:$0x2D70] =	vst v1  }
0x38: {  	[tilespmem:$0x2D80] =	vst v1  }
0x39: {  	[tilespmem:$0x2D90] =	vst v1  }
0x3a: {  	[tilespmem:$0x2DA0] =	vst v1  }
0x3b: {  	[tilespmem:$0x2DB0] =	vst v1  }
0x3c: {  	[tilespmem:$0x2DC0] =	vst v1  }
0x3d: {  	[tilespmem:$0x2DD0] =	vst v1  }
0x3e: {  	[tilespmem:$0x2DE0] =	vst v1  }
0x3f: {  	[tilespmem:$0x2DF0] =	vst v1  }
0x40: {  	[tilespmem:$0x2E00] =	vst v1  }
0x41: {  	[tilespmem:$0x2E10] =	vst v1  }
0x42: {  	[tilespmem:$0x2E20] =	vst v1  }
0x43: {  	[tilespmem:$0x2E30] =	vst v1  }
0x44: {  	[tilespmem:$0x2E40] =	vst v1  }
0x45: {  	[tilespmem:$0x2E50] =	vst v1  }
0x46: {  	[tilespmem:$0x2E60] =	vst v1  }
0x47: {  	[tilespmem:$0x2E70] =	vst v1  }
0x48: {  	[tilespmem:$0x2E80] =	vst v1  }
0x49: {  	[tilespmem:$0x2E90] =	vst v1  }
0x4a: {  	[tilespmem:$0x2EA0] =	vst v1  }
0x4b: {  	[tilespmem:$0x2EB0] =	vst v1  }
0x4c: {  	[tilespmem:$0x2EC0] =	vst v1  }
0x4d: {  	[tilespmem:$0x2ED0] =	vst v1  }
0x4e: {  	[tilespmem:$0x2EE0] =	vst v1  }
0x4f: {  	[tilespmem:$0x2EF0] =	vst v1  }
0x50: {  	[tilespmem:$0x2F00] =	vst v1  }
0x51: {  	[tilespmem:$0x2F10] =	vst v1  }
0x52: {  	[tilespmem:$0x2F20] =	vst v1  }
0x53: {  	[tilespmem:$0x2F30] =	vst v1  }
0x54: {  	[tilespmem:$0x2F40] =	vst v1  }
0x55: {  	[tilespmem:$0x2F50] =	vst v1  }
0x56: {  	[tilespmem:$0x2F60] =	vst v1  }
0x57: {  	[tilespmem:$0x2F70] =	vst v1  }
0x58: {  	[tilespmem:$0x2F80] =	vst v1  }
0x59: {  	[tilespmem:$0x2F90] =	vst v1  }
0x5a: {  	[tilespmem:$0x2FA0] =	vst v1  }
0x5b: {  	[tilespmem:$0x2FB0] =	vst v1  }
0x5c: {  	[tilespmem:$0x2FC0] =	vst v1  }
0x5d: {  	[tilespmem:$0x2FD0] =	vst v1  }
0x5e: {  	[tilespmem:$0x2FE0] =	vst v1  }
0x5f: {  	[tilespmem:$0x2FF0] =	vst v1  }
0x60: {  	[tilespmem:$0x3000] =	vst v1  }
0x61: {  	[tilespmem:$0x3010] =	vst v1  }
0x62: {  	[tilespmem:$0x3020] =	vst v1  }
0x63: {  	[tilespmem:$0x3030] =	vst v1  }
0x64: {  	[tilespmem:$0x3040] =	vst v1  }
0x65: {  	[tilespmem:$0x3050] =	vst v1  }
0x66: {  	[tilespmem:$0x3060] =	vst v1  }
0x67: {  	[tilespmem:$0x3070] =	vst v1  }
0x68: {  	[tilespmem:$0x3080] =	vst v1  }
0x69: {  	[tilespmem:$0x3090] =	vst v1  }
0x6a: {  	[tilespmem:$0x30A0] =	vst v1  }
0x6b: {  	[tilespmem:$0x30B0] =	vst v1  }
0x6c: {  	[tilespmem:$0x30C0] =	vst v1  }
0x6d: {  	[tilespmem:$0x30D0] =	vst v1  }
0x6e: {  	[tilespmem:$0x30E0] =	vst v1  }
0x6f: {  	[tilespmem:$0x30F0] =	vst v1  }
0x70: {  	[spmem:s6] =	stream.linear.scatter [tilespmem:s11], [sflag:$0x2], $0x400, $0x38;
	[tilespmem:$0x3100] =	vst v63  }
0x71: {  	_ =	swait.ge [sflag:s12], $0x400  }
0x72: {  	[sflag:s12] =	ssyncset.done $0x0  }
0x73: {  	[sflag:s12] =	ssyncadd.s32 $0xFFFFFC00  }
0x74: {  	s16 =	simm.s32 $0x200;
	s17 =	simm.s32 $0x400;
	[bflag:$0x0] =	sbarrier.arrive $0xFFFF  }
.LBB2_6:
0x75: {  	[spmem:s2] =	stream.indirect.scatter.add.f32 [tilespmem:s14], [sflag:$0x1], $0x1, s17, s13, $0xb8;
	[tilespmem:$0x3100] =	vst v63  }
0x76: {  	s17 =	smov.u32 s16;
	p1 =	sne.s32 s16, $0x9A00  }
.Ltmp2:
0x77: {  	s16 =	sadd.s32 $0x200, s16;
	(pc) =	sbr.rel @p1 .LBB2_6-.Ltmp2, $3  }
0x78: {  	_ =	sdelay $0x1  }
0x79: {  	s17 =	sshra.s32 s17, $0x2  }
0x7a: {  	s17 =	sadd.s32 $0x400, s17  }
0x7b: {  	[spmem:s2] =	stream.indirect.scatter.add.f32 [tilespmem:s14], [sflag:$0x1], $0x1, s17, s13, $0xb8;
	[tilespmem:$0x3100] =	vst v63  }
0x7c: {  	p1 =	sne.s32 s4, $0x1  }
.Ltmp3:
0x7d: {  	_ = 	snop;
	(pc) =	sbr.rel @!p1 .LBB2_9-.Ltmp3, $4  }
0x7e: {  	s16 =	simm.s32 @!p0 $0x80;
	s17 =	simm.s32 @!p0 $0x2C80;
	s18 =	simm.s32 @!p0 $0x2C00  }
0x7f: {  	[spmem:s2] =	stream.indirect.scatter.add.f32 @!p0 [tilespmem:s18], [sflag:$0x1], $0x1, s17, s16, $0xb8;
	[tilespmem:$0x3100] =	vst v63  }
0x80: {  	_ =	swait.ge [sflag:s10], $0x80  }
0x81: {  	s16 =	sadd.s32 $0xFFFFFFFF, s4;
	[sflag:s10] =	ssyncset.done $0x0  }
.LBB2_8:
0x82: {  	p1 =	sne.s32 s16, $0x1;
	s16 =	sadd.s32 $0xFFFFFFFF, s16;
	[sflag:s10] =	ssyncadd.s32 $0xFFFFFF80  }
.Ltmp4:
0x83: {  	(pc) =	sbr.rel @p1 .LBB2_8-.Ltmp4, $3  }
0x84: {  	_ =	sdelay $0x1  }
0x85: {  	_ =	swait.ge [sflag:s10], $0x80  }
0x86: {  	[sflag:s10] =	ssyncset.done $0x0  }
.LBB2_9:
0x87: {  	[sflag:s10] =	ssyncadd.s32 $0xFFFFFF80;
	s15 =	sadd.s32 $0x1, s15  }
0x88: {  	s16 =	sshll.u32 s1, $0x6;
	s17 =	sshrl.u32 s6, $0x3;
	p1 =	sne.s32 s15, s8  }
.Ltmp5:
0x89: {  	[bflag:$0x0] =	sbarrier.arrive $0xFFFF;
	s16 =	sor.u32 $0x1C02, s16;
	(pc) =	sbr.rel @p1 .LBB2_1-.Ltmp5, $4  }
0x8a: {  	[hbm:s7], [sflag:s16] =	dma.local [spmem:s17], $0x80  }
0x8b: {  	_ =	swait.ge [sflag:s12], $0x80  }
0x8c: {  	[sflag:s12] =	ssyncset.done $0x0  }
0x8d: {  	[sflag:s12] =	ssyncadd.s32 $0xFFFFFF80  }
0x8e: {  	_ =	sfence.sel $0x180000  }
0x8f: {  	[bflag:$0x0] =	sbarrier.arrive $0xFFFF  }
0x90: {  	p0 =	sne.s32 s1, $0x0;
	_ =	strace $0x90000047  }
0x91: {  	s0 =	sadd.s32 @!p0 $0x100000, s0;
	[bflag:$0x2] =	sbarrier.arrive $0xFFFF  }
0x92: {  	[sflag:s0] =	ssyncadd.tile.s32 @!p0 $0x1;
	_ =	shalt  }
.Lfunc_end2:
_tile_overlayer_lowered:
.L_overlay_start_2:
0x93: {  	(tag) =	ssettag $0x2  }
0x94: {  	s0 =	rddreg [dreg:$0x0];
	s2 =	stileid.u32  }
0x95: {  	s1 =	rddreg [dreg:$0x1];
	p0 =	sne.s32 s2, $0x0  }
0x96: {  	s3 =	rddreg [dreg:$0x2];
	[bflag:$0x3] =	sbarrier.arrive $0xFFFF;
	s2 =	simm.s32 @!p0 $0x1C02  }
0x97: {  	[timem:s3], [sflag:s2] =	dma.local @!p0 [hbm:s0], s1  }
0x98: {  	s0 =	simm.s32 @!p0 $0x2  }
0x99: {  	_ =	swait.ge @!p0 [sflag:s0], s1  }
0x9a: {  	s1 =	ssub.s32 @!p0 $0x0, s1;
	[sflag:s0] =	ssyncset.done @!p0 $0x0  }
0x9b: {  	[sflag:s0] =	ssyncadd.s32 @!p0 s1  }
0x9c: {  	[bflag:$0x3] =	sbarrier.arrive $0xFFFF  }
0x9d: {  	_ =	shalt  }

</sc_bundles>
